<compile_context>
chip_gen: v7x
topology: tpu7x:2x2x1
jax: 0.10.2.dev20260603
libtpu: 0.0.44.dev20260713+nightly
codegen_flags: <defaults>
</compile_context>

<pallas_src>
import functools

import jax
import jax.numpy as jnp
from jax import lax
from jax.experimental import pallas as pl
from jax.experimental.pallas import tpu as pltpu
from jax.experimental.pallas import tpu_sc as plsc

N_ = 10000
E_ = 320000
F_ = 128
ED_ = 16
H_ = 64
D_ = 128
PAD_ = D_ - H_ - 3

NC_ = 2
NS_ = 16
NW_ = NC_ * NS_

EC_ = (166400, 153600)
GK_ = 200
SK_ = 80

NP_ = 10240
RPT_ = NP_ // NS_
ZR_ = 64

NBLK_ = 1000
EBLK_ = 3200

assert sum(EC_) == E_
for _e in EC_:
    assert _e % (NW_ * GK_) == 0 or (_e // NW_) % GK_ == 0
    assert (_e // NW_) % SK_ == 0 and _e % EBLK_ == 0
assert GK_ % 8 == 0 and SK_ % 8 == 0
assert RPT_ % ZR_ == 0 and ZR_ % 8 == 0 and NP_ % NS_ == 0
assert N_ % NBLK_ == 0 and D_ % 128 == 0


def _tables_body(h_ref, x_ref, whr_ref, whc_ref, be1_ref, ta_ref, tb_ref):
    h = h_ref[...]
    x3 = x_ref[...]
    z = jnp.zeros((h.shape[0], PAD_), jnp.float32)
    a = jnp.dot(h, whr_ref[...], preferred_element_type=jnp.float32) + be1_ref[...]
    b = jnp.dot(h, whc_ref[...], preferred_element_type=jnp.float32)
    ta_ref[...] = jnp.concatenate([a, x3, z], axis=1)
    tb_ref[...] = jnp.concatenate([b, -x3, z], axis=1)


def _tables(h, x, whr, whc, be1r):
    g = N_ // NBLK_
    return pl.pallas_call(
        _tables_body,
        grid=(g,),
        in_specs=[
            pl.BlockSpec((NBLK_, F_), lambda i: (i, 0)),
            pl.BlockSpec((NBLK_, 3), lambda i: (i, 0)),
            pl.BlockSpec((F_, H_), lambda i: (0, 0)),
            pl.BlockSpec((F_, H_), lambda i: (0, 0)),
            pl.BlockSpec((1, H_), lambda i: (0, 0)),
        ],
        out_specs=[
            pl.BlockSpec((NBLK_, D_), lambda i: (i, 0)),
            pl.BlockSpec((NBLK_, D_), lambda i: (i, 0)),
        ],
        out_shape=[
            jax.ShapeDtypeStruct((N_, D_), jnp.float32),
            jax.ShapeDtypeStruct((N_, D_), jnp.float32),
        ],
    )(h, x, whr, whc, be1r)


def _ring(nch, chunk_step):

    def group(g, carry):
        chunk_step(g * 2, 0)
        chunk_step(g * 2 + 1, 1)
        return carry

    lax.fori_loop(0, nch // 2, group, 0)
    if nch % 2:
        chunk_step(nch - 1, 0)


@functools.lru_cache(maxsize=None)
def _sc_kernels(e_chunk):
    epw = e_chunk // NW_
    gnc = epw // GK_
    snc = epw // SK_
    mesh = plsc.VectorSubcoreMesh(core_axis_name="c", subcore_axis_name="s",
                                  num_cores=NC_, num_subcores=NS_)

    @functools.partial(
        pl.kernel,
        out_type=jax.ShapeDtypeStruct((e_chunk, D_), jnp.float32),
        mesh=mesh,
        scratch_types=[
            pltpu.VMEM((epw,), jnp.int32),
            pltpu.VMEM((epw,), jnp.int32),
            pltpu.VMEM((GK_, D_), jnp.float32),
            pltpu.VMEM((GK_, D_), jnp.float32),
            pltpu.VMEM((GK_, D_), jnp.float32),
            pltpu.VMEM((GK_, D_), jnp.float32),
            [pltpu.SemaphoreType.DMA] * 6,
        ],
    )
    def _sc_gather(ta, tb, row, col, gsum, idx1, idx2,
                   bufa0, bufa1, bufb0, bufb1, sems):
        wid = lax.axis_index("s") * NC_ + lax.axis_index("c")
        base = wid * epw

        pltpu.sync_copy(row.at[pl.ds(base, epw)], idx1)
        pltpu.sync_copy(col.at[pl.ds(base, epw)], idx2)

        bufsa = (bufa0, bufa1)
        bufsb = (bufb0, bufb1)

        def g_copies(c, b):
            ia = idx1.at[pl.ds(c * GK_, GK_)]
            ib = idx2.at[pl.ds(c * GK_, GK_)]
            return (pltpu.make_async_copy(ta.at[ia], bufsa[b], sems[b]),
                    pltpu.make_async_copy(tb.at[ib], bufsb[b], sems[2 + b]))

        def w_copy(c, b):
            dst = pl.ds(base + c * GK_, GK_)
            return pltpu.make_async_copy(bufsa[b], gsum.at[dst], sems[4 + b])

        def start(copies):
            for cp in copies:
                cp.start()

        def wait(copies):
            for cp in copies:
                cp.wait()

        start(g_copies(0, 0))

        nlane = D_ // 16

        def chunk_step(c, b):
            nb = 1 - b

            @pl.when(c >= 1)
            def _():
                w_copy(c - 1, nb).wait()

            @pl.when(c + 1 < gnc)
            def _():
                start(g_copies(c + 1, nb))

            wait(g_copies(c, b))

            ba = bufsa[b]
            bb = bufsb[b]

            def add_row(r, carry):
                for l in range(nlane):
                    sl = pl.ds(l * 16, 16)
                    ba[r, sl] = ba[r, sl] + bb[r, sl]
                return carry

            lax.fori_loop(0, GK_, add_row, 0)
            w_copy(c, b).start()

        _ring(gnc, chunk_step)
        w_copy(gnc - 1, (gnc - 1) % 2).wait()

    @functools.partial(
        pl.kernel,
        out_type=jax.ShapeDtypeStruct((NC_, NP_, D_), jnp.float32),
        mesh=mesh,
        scratch_types=[
            pltpu.VMEM((snc, SK_), jnp.int32),
            pltpu.VMEM((SK_, D_), jnp.float32),
            pltpu.VMEM((SK_, D_), jnp.float32),
            pltpu.VMEM((ZR_, D_), jnp.float32),
            pltpu.VMEM_SHARED((NP_, D_), jnp.float32),
            [pltpu.SemaphoreType.DMA] * 4,
        ],
    )
    def _sc_scatter(vals, row2d, out, idx2d, buf0, buf1, zbuf, acc, sems):
        cid = lax.axis_index("c")
        sid = lax.axis_index("s")
        wid = sid * NC_ + cid

        pltpu.sync_copy(row2d.at[wid], idx2d)

        zv = jnp.zeros((16,), jnp.float32)
        nlane = D_ // 16

        def zb(i, carry):
            r = i // nlane
            c = i % nlane
            zbuf[r, pl.ds(c * 16, 16)] = zv
            return carry

        lax.fori_loop(0, ZR_ * nlane, zb, 0)

        def zcopy(j, carry):
            pltpu.sync_copy(zbuf, acc.at[pl.ds(sid * RPT_ + j * ZR_, ZR_)])
            return carry

        lax.fori_loop(0, RPT_ // ZR_, zcopy, 0)
        plsc.subcore_barrier()

        base = wid * epw
        bufs = (buf0, buf1)

        def r_copy(c, b):
            src = vals.at[pl.ds(base + c * SK_, SK_)]
            return pltpu.make_async_copy(src, bufs[b], sems[b])

        def a_copy(c, b):
            return pltpu.make_async_copy(bufs[b], acc.at[idx2d.at[c]],
                                         sems[2 + b])

        r_copy(0, 0).start()

        def chunk_step(c, b):
            nb = 1 - b

            @pl.when(c >= 1)
            def _():
                a_copy(c - 1, nb).wait()

            @pl.when(c + 1 < snc)
            def _():
                r_copy(c + 1, nb).start()

            r_copy(c, b).wait()
            a_copy(c, b).start(add=True)

        _ring(snc, chunk_step)
        a_copy(snc - 1, (snc - 1) % 2).wait()
        plsc.subcore_barrier()

        def drain(j, carry):
            r0 = sid * RPT_ + j * ZR_
            pltpu.sync_copy(acc.at[pl.ds(r0, ZR_)], zbuf)
            pltpu.sync_copy(zbuf, out.at[cid, pl.ds(r0, ZR_)])
            return carry

        lax.fori_loop(0, RPT_ // ZR_, drain, 0)

    return _sc_gather, _sc_scatter


def _edge_body(g_ref, ea_ref, wea_ref, wd_ref, we2_ref, be2_ref,
               wc_ref, bc_ref, out_ref):
    g1 = g_ref[...]
    gm = g1[:, :H_]
    rel = g1[:, H_:H_ + 3]
    d2 = jnp.sum(rel * rel, axis=1, keepdims=True)
    pre = gm + jnp.dot(ea_ref[...], wea_ref[...],
                       preferred_element_type=jnp.float32) + d2 * wd_ref[...]
    m1 = pre * jax.nn.sigmoid(pre)
    m2v = jnp.dot(m1, we2_ref[...], preferred_element_type=jnp.float32) + be2_ref[...]
    m2 = m2v * jax.nn.sigmoid(m2v)
    coef = jnp.tanh(jnp.dot(m2, wc_ref[...],
                            preferred_element_type=jnp.float32) + bc_ref[...])
    z = jnp.zeros((g1.shape[0], PAD_), jnp.float32)
    out_ref[...] = jnp.concatenate([m2, rel * coef, z], axis=1)


def _edges(g, ea, wea, wdr, we2, be2r, wc, bcr):
    e = g.shape[0]
    return pl.pallas_call(
        _edge_body,
        grid=(e // EBLK_,),
        in_specs=[
            pl.BlockSpec((EBLK_, D_), lambda i: (i, 0)),
            pl.BlockSpec((EBLK_, ED_), lambda i: (i, 0)),
            pl.BlockSpec((ED_, H_), lambda i: (0, 0)),
            pl.BlockSpec((1, H_), lambda i: (0, 0)),
            pl.BlockSpec((H_, H_), lambda i: (0, 0)),
            pl.BlockSpec((1, H_), lambda i: (0, 0)),
            pl.BlockSpec((H_, 1), lambda i: (0, 0)),
            pl.BlockSpec((1, 1), lambda i: (0, 0)),
        ],
        out_specs=pl.BlockSpec((EBLK_, D_), lambda i: (i, 0)),
        out_shape=jax.ShapeDtypeStruct((e, D_), jnp.float32),
    )(g, ea, wea, wdr, we2, be2r, wc, bcr)


def _node_body(h_ref, x_ref, p00_ref, p01_ref, p10_ref, p11_ref,
               wn1h_ref, wn1m_ref, bn1_ref, wn2_ref, bn2_ref,
               hn_ref, xn_ref):
    h = h_ref[...]
    p = (p00_ref[...] + p01_ref[...]) + (p10_ref[...] + p11_ref[...])
    magg = p[:, :H_]
    dx = p[:, H_:H_ + 3]
    t = jnp.dot(h, wn1h_ref[...], preferred_element_type=jnp.float32)
    t = t + jnp.dot(magg, wn1m_ref[...], preferred_element_type=jnp.float32)
    t = t + bn1_ref[...]
    t = t * jax.nn.sigmoid(t)
    hn_ref[...] = h + jnp.dot(t, wn2_ref[...],
                              preferred_element_type=jnp.float32) + bn2_ref[...]
    xn_ref[...] = x_ref[...] + dx


def _nodes(h, x, parts, wn1h, wn1m, bn1r, wn2, bn2r):
    g = N_ // NBLK_
    pspec = pl.BlockSpec((NBLK_, D_), lambda i: (i, 0))
    return pl.pallas_call(
        _node_body,
        grid=(g,),
        in_specs=[
            pl.BlockSpec((NBLK_, F_), lambda i: (i, 0)),
            pl.BlockSpec((NBLK_, 3), lambda i: (i, 0)),
            pspec, pspec, pspec, pspec,
            pl.BlockSpec((F_, H_), lambda i: (0, 0)),
            pl.BlockSpec((H_, H_), lambda i: (0, 0)),
            pl.BlockSpec((1, H_), lambda i: (0, 0)),
            pl.BlockSpec((H_, F_), lambda i: (0, 0)),
            pl.BlockSpec((1, F_), lambda i: (0, 0)),
        ],
        out_specs=[
            pl.BlockSpec((NBLK_, F_), lambda i: (i, 0)),
            pl.BlockSpec((NBLK_, 3), lambda i: (i, 0)),
        ],
        out_shape=[
            jax.ShapeDtypeStruct((N_, F_), jnp.float32),
            jax.ShapeDtypeStruct((N_, 3), jnp.float32),
        ],
    )(h, x, *parts, wn1h, wn1m, bn1r, wn2, bn2r)


def kernel(h, x, edge_index, edge_attr, We1, be1, We2, be2, Wc, bc,
           Wn1, bn1, Wn2, bn2):
    row = edge_index[0]
    col = edge_index[1]
    whr = We1[:F_]
    whc = We1[F_:2 * F_]
    wdr = We1[2 * F_:2 * F_ + 1]
    wea = We1[2 * F_ + 1:]
    be2r = be2.reshape(1, H_)
    bcr = bc.reshape(1, 1)

    ta, tb = _tables(h, x, whr, whc, be1.reshape(1, H_))

    parts = []
    off = 0
    for e_chunk in EC_:
        sc_gather, sc_scatter = _sc_kernels(e_chunk)
        rowc = lax.slice(row, (off,), (off + e_chunk,))
        colc = lax.slice(col, (off,), (off + e_chunk,))
        eac = lax.slice(edge_attr, (off, 0), (off + e_chunk, ED_))
        gsum = sc_gather(ta, tb, rowc, colc)
        vals = _edges(gsum, eac, wea, wdr, We2, be2r, Wc, bcr)
        snc = e_chunk // NW_ // SK_
        pc = sc_scatter(vals, rowc.reshape(NW_, snc, SK_))
        parts.extend([pc[0, :N_], pc[1, :N_]])
        off += e_chunk

    return _nodes(h, x, parts, Wn1[:F_], Wn1[F_:],
                  bn1.reshape(1, H_), Wn2, bn2.reshape(1, F_))

# --- scband reference (transcript-rebuilt; emitter-appended) ---
"""Pipeline reference for scband-egnnlayer-66511863545964 (READ-ONLY COPY).

The authoritative reference and input builder live on the scoring server;
editing this copy changes nothing except your own understanding.
"""

import jax, jax.numpy as jnp
import numpy as np

N = 10000
E = 320000
F = 128
ED = 16
H = 64
EDGE_IN = 2 * F + 1 + ED


def setup_inputs(seed: int = 0) -> dict:
    key = jax.random.key(seed)
    ks = jax.random.split(key, 16)
    h = jax.random.normal(ks[0], (N, F), dtype=jnp.float32)
    x = jax.random.normal(ks[1], (N, 3), dtype=jnp.float32)
    edge_index = jax.random.randint(ks[2], (2, E), 0, N, dtype=jnp.int32)
    edge_attr = jax.random.normal(ks[3], (E, ED), dtype=jnp.float32)
    s = 0.05
    We1 = jax.random.normal(ks[4], (EDGE_IN, H), dtype=jnp.float32) * s
    be1 = jnp.zeros((H,), dtype=jnp.float32)
    We2 = jax.random.normal(ks[5], (H, H), dtype=jnp.float32) * s
    be2 = jnp.zeros((H,), dtype=jnp.float32)
    Wc = jax.random.normal(ks[6], (H, 1), dtype=jnp.float32) * s
    bc = jnp.zeros((1,), dtype=jnp.float32)
    Wn1 = jax.random.normal(ks[7], (F + H, H), dtype=jnp.float32) * s
    bn1 = jnp.zeros((H,), dtype=jnp.float32)
    Wn2 = jax.random.normal(ks[8], (H, F), dtype=jnp.float32) * s
    bn2 = jnp.zeros((F,), dtype=jnp.float32)
    return {"h": h, "x": x, "edge_index": edge_index, "edge_attr": edge_attr,
            "We1": We1, "be1": be1, "We2": We2, "be2": be2,
            "Wc": Wc, "bc": bc, "Wn1": Wn1, "bn1": bn1, "Wn2": Wn2, "bn2": bn2}


def reference(h, x, edge_index, edge_attr, We1, be1, We2, be2, Wc, bc, Wn1, bn1, Wn2, bn2):
    row = edge_index[0]
    col = edge_index[1]
    rel = x[row] - x[col]
    dist2 = jnp.sum(rel ** 2, axis=-1, keepdims=True)
    edge_input = jnp.concatenate([h[row], h[col], dist2, edge_attr], axis=-1)
    m_ij = jax.nn.silu(edge_input @ We1 + be1)
    m_ij = jax.nn.silu(m_ij @ We2 + be2)
    coef = jnp.tanh(m_ij @ Wc + bc)
    trans = rel * coef
    dx = jax.ops.segment_sum(trans, row, num_segments=N)
    x_new = x + dx
    m_agg = jax.ops.segment_sum(m_ij, row, num_segments=N)
    node_in = jnp.concatenate([h, m_agg], axis=-1)
    dh = jax.nn.silu(node_in @ Wn1 + bn1) @ Wn2 + bn2
    h_new = h + dh
    return (h_new, x_new)

if __name__ == "__main__":
    import jax
    _d = setup_inputs()
    print(jax.jit(kernel)(*tuple(_d.values())))

</pallas_src>

<mosaic_0001>
#map = affine_map<(d0, d1) -> (0, 0)>
#map1 = affine_map<(d0, d1) -> (0, 0, 0)>
module attributes {stable_mosaic.version = 14 : i64} {
  func.func @_sc_scatter(%arg0: i32, %arg1: i32, %arg2: memref<166400x128xf32, #tpu.memory_space<hbm>>, %arg3: memref<32x65x80xi32, #tpu.memory_space<hbm>>, %arg4: memref<2x10240x128xf32, #tpu.memory_space<hbm>>, %arg5: memref<65x80xi32, #tpu.memory_space<vmem>>, %arg6: memref<80x128xf32, #tpu.memory_space<vmem>>, %arg7: memref<80x128xf32, #tpu.memory_space<vmem>>, %arg8: memref<64x128xf32, #tpu.memory_space<vmem>>, %arg9: memref<10240x128xf32, #tpu.memory_space<vmem_shared>>, %arg10: memref<!tpu.dma_semaphore, #tpu.memory_space<semaphore_mem>>, %arg11: memref<!tpu.dma_semaphore, #tpu.memory_space<semaphore_mem>>, %arg12: memref<!tpu.dma_semaphore, #tpu.memory_space<semaphore_mem>>, %arg13: memref<!tpu.dma_semaphore, #tpu.memory_space<semaphore_mem>>) attributes {dimension_semantics = [#tpu.dimension_semantics<core_parallel>, #tpu.dimension_semantics<subcore_parallel>], iteration_bounds = array<i64: 2, 16>, scalar_prefetch = 0 : i64, scratch_operands = 9 : i64, tpu.core_type = #tpu.core_type<sc_vector_subcore>, window_params = [{transform_indices = #map}, {transform_indices = #map1}, {transform_indices = #map1}]} {
    %mul3A = arith.constant 2 : i32
    %mul3A_0 = arith.muli %arg1, %mul3A : i32
    %add3A = arith.addi %mul3A_0, %arg0 : i32
    "tpu.region"() ({
      %run_scoped3A = tpu.sem_alloc : memref<!tpu.dma_semaphore, #tpu.memory_space<semaphore_mem>>
      %dma_start3A_59 = arith.constant 0 : i32
      %dma_start3A_60 = arith.constant 0 : i32
      %dma_start3A_61 = tpu.memref_slice %arg3[%add3A, %dma_start3A_59, %dma_start3A_60] : memref<32x65x80xi32, #tpu.memory_space<hbm>> -> memref<1x65x80xi32, #tpu.memory_space<hbm>>
      %dma_start3A_62 = tpu.memref_squeeze %dma_start3A_61 : memref<1x65x80xi32, #tpu.memory_space<hbm>> -> memref<65x80xi32, #tpu.memory_space<hbm>>
      %dma_start3A_63 = arith.constant 0 : i32
      %dma_start3A_64 = arith.constant 0 : i32
      %dma_start3A_65 = tpu.memref_slice %arg3[%add3A, %dma_start3A_63, %dma_start3A_64] : memref<32x65x80xi32, #tpu.memory_space<hbm>> -> memref<1x65x80xi32, #tpu.memory_space<hbm>>
      %dma_start3A_66 = tpu.memref_squeeze %dma_start3A_65 : memref<1x65x80xi32, #tpu.memory_space<hbm>> -> memref<65x80xi32, #tpu.memory_space<hbm>>
      tpu.enqueue_dma source(%dma_start3A_66 : memref<65x80xi32, #tpu.memory_space<hbm>>) target(%arg5 : memref<65x80xi32, #tpu.memory_space<vmem>>) target_semaphore(%run_scoped3A : memref<!tpu.dma_semaphore, #tpu.memory_space<semaphore_mem>>)
      %dma_wait3A_67 = arith.constant 0 : i32
      %dma_wait3A_68 = arith.constant 0 : i32
      %dma_wait3A_69 = tpu.memref_slice %arg3[%add3A, %dma_wait3A_67, %dma_wait3A_68] : memref<32x65x80xi32, #tpu.memory_space<hbm>> -> memref<1x65x80xi32, #tpu.memory_space<hbm>>
      %dma_wait3A_70 = tpu.memref_squeeze %dma_wait3A_69 : memref<1x65x80xi32, #tpu.memory_space<hbm>> -> memref<65x80xi32, #tpu.memory_space<hbm>>
      %dma_wait3A_71 = arith.constant 0 : i32
      %dma_wait3A_72 = arith.constant 0 : i32
      %dma_wait3A_73 = tpu.memref_slice %arg3[%add3A, %dma_wait3A_71, %dma_wait3A_72] : memref<32x65x80xi32, #tpu.memory_space<hbm>> -> memref<1x65x80xi32, #tpu.memory_space<hbm>>
      %dma_wait3A_74 = tpu.memref_squeeze %dma_wait3A_73 : memref<1x65x80xi32, #tpu.memory_space<hbm>> -> memref<65x80xi32, #tpu.memory_space<hbm>>
      tpu.wait_dma2 semaphore(%run_scoped3A : memref<!tpu.dma_semaphore, #tpu.memory_space<semaphore_mem>>) src(%dma_wait3A_74 : memref<65x80xi32, #tpu.memory_space<hbm>>) dst(%arg5 : memref<65x80xi32, #tpu.memory_space<vmem>>)
      tpu.yield
    }) : () -> ()
    %broadcast_in_dim3A = arith.constant 0.000000e+00 : f32
    %broadcast_in_dim3A_1 = vector.broadcast %broadcast_in_dim3A : f32 to vector<16xf32>
    %scan3A = arith.constant 0 : i32
    %scan3A_2 = arith.constant 0 : i32
    %scan3A_3 = arith.constant 512 : i32
    %scan3A_4 = arith.addi %scan3A_2, %scan3A_3 : i32
    %scan3A_5 = arith.constant 1 : i32
    scf.for %scan3A_59 = %scan3A_2 to %scan3A_4 step %scan3A_5  : i32 {
      %jit3A = arith.constant 8 : i32
      %div3A = arith.divsi %scan3A_59, %jit3A : i32
      %sign3A = arith.constant 0 : i32
      %sign3A_60 = arith.cmpi sgt, %scan3A_59, %sign3A : i32
      %sign3A_61 = arith.extui %sign3A_60 : i1 to i32
      %sign3A_62 = arith.constant 0 : i32
      %sign3A_63 = arith.cmpi slt, %scan3A_59, %sign3A_62 : i32
      %sign3A_64 = arith.extui %sign3A_63 : i1 to i32
      %sign3A_65 = arith.subi %sign3A_61, %sign3A_64 : i32
      %sign3A_66 = arith.constant 0 : i32
      %sign3A_67 = arith.cmpi sgt, %jit3A, %sign3A_66 : i32
      %sign3A_68 = arith.extui %sign3A_67 : i1 to i32
      %sign3A_69 = arith.constant 0 : i32
      %sign3A_70 = arith.cmpi slt, %jit3A, %sign3A_69 : i32
      %sign3A_71 = arith.extui %sign3A_70 : i1 to i32
      %sign3A_72 = arith.subi %sign3A_68, %sign3A_71 : i32
      %ne3A = arith.cmpi ne, %sign3A_65, %sign3A_72 : i32
      %rem3A = arith.remsi %scan3A_59, %jit3A : i32
      %ne3A_73 = arith.constant 0 : i32
      %ne3A_74 = arith.cmpi ne, %rem3A, %ne3A_73 : i32
      %and3A = arith.andi %ne3A, %ne3A_74 : i1
      %sub3A = arith.constant 1 : i32
      %sub3A_75 = arith.subi %div3A, %sub3A : i32
      %select_n3A = arith.select %and3A, %sub3A_75, %div3A : i32
      %jit3A_76 = arith.constant 8 : i32
      %eq3A = arith.constant 0 : i32
      %eq3A_77 = arith.cmpi eq, %jit3A_76, %eq3A : i32
      %jit3A_78 = arith.constant 1 : i32
      %select_n3A_79 = arith.select %eq3A_77, %jit3A_78, %jit3A_76 : i32
      %rem3A_80 = arith.remsi %scan3A_59, %select_n3A_79 : i32
      %ne3A_81 = arith.constant 0 : i32
      %ne3A_82 = arith.cmpi ne, %rem3A_80, %ne3A_81 : i32
      %lt3A = arith.constant 0 : i32
      %lt3A_83 = arith.cmpi slt, %rem3A_80, %lt3A : i32
      %lt3A_84 = arith.constant 0 : i32
      %lt3A_85 = arith.cmpi slt, %select_n3A_79, %lt3A_84 : i32
      %ne3A_86 = arith.xori %lt3A_83, %lt3A_85 : i1
      %and3A_87 = arith.andi %ne3A_86, %ne3A_82 : i1
      %add3A_88 = arith.addi %rem3A_80, %select_n3A_79 : i32
      %select_n3A_89 = arith.select %and3A_87, %add3A_88, %rem3A_80 : i32
      %mul3A_90 = arith.constant 16 : i32
      %mul3A_91 = arith.muli %select_n3A_89, %mul3A_90 : i32
      %swap3A = arith.index_cast %select_n3A : i32 to index
      %swap3A_92 = arith.index_cast %mul3A_91 : i32 to index
      %swap3A_93 = tpu.vector_load %arg8[%swap3A, %swap3A_92] {strides = array<i32>} : memref<64x128xf32, #tpu.memory_space<vmem>>, vector<1x16xf32>,
      %swap3A_94 = vector.shape_cast %swap3A_93 : vector<1x16xf32> to vector<16xf32>
      %swap3A_95 = vector.shape_cast %broadcast_in_dim3A_1 : vector<16xf32> to vector<1x16xf32>
      tpu.vector_store %arg8[%swap3A, %swap3A_92], %swap3A_95 {strides = array<i32>} : memref<64x128xf32, #tpu.memory_space<vmem>>, vector<1x16xf32>,
    }
    %scan3A_6 = arith.constant 512 : i32
    %scan3A_7 = arith.constant 0 : i32
    %scan3A_8 = arith.constant 0 : i32
    %scan3A_9 = arith.constant 10 : i32
    %scan3A_10 = arith.addi %scan3A_8, %scan3A_9 : i32
    %scan3A_11 = arith.constant 1 : i32
    scf.for %scan3A_59 = %scan3A_8 to %scan3A_10 step %scan3A_11  : i32 {
      %mul3A_60 = arith.constant 640 : i32
      %mul3A_61 = arith.muli %arg1, %mul3A_60 : i32
      %mul3A_62 = arith.constant 64 : i32
      %mul3A_63 = arith.muli %scan3A_59, %mul3A_62 : i32
      %add3A_64 = arith.addi %mul3A_61, %mul3A_63 : i32
      "tpu.region"() ({
        %run_scoped3A = tpu.sem_alloc : memref<!tpu.dma_semaphore, #tpu.memory_space<semaphore_mem>>
        %dma_start3A_65 = arith.constant 0 : i32
        %dma_start3A_66 = tpu.memref_slice %arg9[%add3A_64, %dma_start3A_65] : memref<10240x128xf32, #tpu.memory_space<vmem_shared>> -> memref<64x128xf32, #tpu.memory_space<vmem_shared>>
        %dma_start3A_67 = arith.constant 0 : i32
        %dma_start3A_68 = tpu.memref_slice %arg9[%add3A_64, %dma_start3A_67] : memref<10240x128xf32, #tpu.memory_space<vmem_shared>> -> memref<64x128xf32, #tpu.memory_space<vmem_shared>>
        tpu.enqueue_dma source(%arg8 : memref<64x128xf32, #tpu.memory_space<vmem>>) target(%dma_start3A_68 : memref<64x128xf32, #tpu.memory_space<vmem_shared>>) target_semaphore(%run_scoped3A : memref<!tpu.dma_semaphore, #tpu.memory_space<semaphore_mem>>)
        %dma_wait3A_69 = arith.constant 0 : i32
        %dma_wait3A_70 = tpu.memref_slice %arg9[%add3A_64, %dma_wait3A_69] : memref<10240x128xf32, #tpu.memory_space<vmem_shared>> -> memref<64x128xf32, #tpu.memory_space<vmem_shared>>
        %dma_wait3A_71 = arith.constant 0 : i32
        %dma_wait3A_72 = tpu.memref_slice %arg9[%add3A_64, %dma_wait3A_71] : memref<10240x128xf32, #tpu.memory_space<vmem_shared>> -> memref<64x128xf32, #tpu.memory_space<vmem_shared>>
        tpu.wait_dma2 semaphore(%run_scoped3A : memref<!tpu.dma_semaphore, #tpu.memory_space<semaphore_mem>>) src(%arg8 : memref<64x128xf32, #tpu.memory_space<vmem>>) dst(%dma_wait3A_72 : memref<64x128xf32, #tpu.memory_space<vmem_shared>>)
        tpu.yield
      }) : () -> ()
    }
    %scan3A_12 = arith.constant 10 : i32
    %barrier3A = arith.constant 0 : index
    tpu.barrier barrier_id(%barrier3A)
    %mul3A_13 = arith.constant 5200 : i32
    %mul3A_14 = arith.muli %add3A, %mul3A_13 : i32
    %add3A_15 = arith.constant 0 : i32
    %add3A_16 = arith.addi %mul3A_14, %add3A_15 : i32
    %dma_start3A = arith.constant 0 : i32
    %dma_start3A_17 = tpu.memref_slice %arg2[%add3A_16, %dma_start3A] : memref<166400x128xf32, #tpu.memory_space<hbm>> -> memref<80x128xf32, #tpu.memory_space<hbm>>
    %dma_start3A_18 = arith.constant 0 : i32
    %dma_start3A_19 = tpu.memref_slice %arg2[%add3A_16, %dma_start3A_18] : memref<166400x128xf32, #tpu.memory_space<hbm>> -> memref<80x128xf32, #tpu.memory_space<hbm>>
    tpu.enqueue_dma source(%dma_start3A_19 : memref<80x128xf32, #tpu.memory_space<hbm>>) target(%arg6 : memref<80x128xf32, #tpu.memory_space<vmem>>) target_semaphore(%arg10 : memref<!tpu.dma_semaphore, #tpu.memory_space<semaphore_mem>>)
    %scan3A_20 = arith.constant 0 : i32
    %scan3A_21 = arith.constant 0 : i32
    %scan3A_22 = arith.constant 32 : i32
    %scan3A_23 = arith.addi %scan3A_21, %scan3A_22 : i32
    %scan3A_24 = arith.constant 1 : i32
    scf.for %scan3A_59 = %scan3A_21 to %scan3A_23 step %scan3A_24  : i32 {
      %mul3A_60 = arith.constant 2 : i32
      %mul3A_61 = arith.muli %scan3A_59, %mul3A_60 : i32
      %ge3A = arith.constant 1 : i32
      %ge3A_62 = arith.cmpi sge, %mul3A_61, %ge3A : i32
      %convert_element_type3A = arith.extui %ge3A_62 : i1 to i32
      %cond3A = arith.constant 0 : i32
      %cond3A_63 = arith.cmpi ne, %convert_element_type3A, %cond3A : i32
      scf.if %cond3A_63 {
        %sub3A = arith.constant 1 : i32
        %sub3A_112 = arith.subi %mul3A_61, %sub3A : i32
        %dma_wait3A_113 = arith.constant 0 : i32
        %dma_wait3A_114 = tpu.memref_slice %arg5[%sub3A_112, %dma_wait3A_113] : memref<65x80xi32, #tpu.memory_space<vmem>> -> memref<1x80xi32, #tpu.memory_space<vmem>>
        %dma_wait3A_115 = tpu.memref_squeeze %dma_wait3A_114 : memref<1x80xi32, #tpu.memory_space<vmem>> -> memref<80xi32, #tpu.memory_space<vmem>>
        %dma_wait3A_116 = arith.constant 0 : i32
        %dma_wait3A_117 = arith.constant 0 : i32
        %dma_wait3A_118 = tpu.memref_slice %arg9[%dma_wait3A_116, %dma_wait3A_117] : memref<10240x128xf32, #tpu.memory_space<vmem_shared>> -> memref<10240x128xf32, #tpu.memory_space<vmem_shared>>
        tpu.wait_indirect_dma semaphore(%arg13 : memref<!tpu.dma_semaphore, #tpu.memory_space<semaphore_mem>>) src(%arg7 : memref<80x128xf32, #tpu.memory_space<vmem>>) dst(%dma_wait3A_118 : memref<10240x128xf32, #tpu.memory_space<vmem_shared>>)
      } else {
      }
      %add3A_64 = arith.constant 1 : i32
      %add3A_65 = arith.addi %mul3A_61, %add3A_64 : i32
      %lt3A = arith.constant 65 : i32
      %lt3A_66 = arith.cmpi slt, %add3A_65, %lt3A : i32
      %convert_element_type3A_67 = arith.extui %lt3A_66 : i1 to i32
      %cond3A_68 = arith.constant 0 : i32
      %cond3A_69 = arith.cmpi ne, %convert_element_type3A_67, %cond3A_68 : i32
      scf.if %cond3A_69 {
        %add3A_112 = arith.constant 1 : i32
        %add3A_113 = arith.addi %mul3A_61, %add3A_112 : i32
        %mul3A_114 = arith.constant 80 : i32
        %mul3A_115 = arith.muli %add3A_113, %mul3A_114 : i32
        %add3A_116 = arith.addi %mul3A_14, %mul3A_115 : i32
        %dma_start3A_117 = arith.constant 0 : i32
        %dma_start3A_118 = tpu.memref_slice %arg2[%add3A_116, %dma_start3A_117] : memref<166400x128xf32, #tpu.memory_space<hbm>> -> memref<80x128xf32, #tpu.memory_space<hbm>>
        %dma_start3A_119 = arith.constant 0 : i32
        %dma_start3A_120 = tpu.memref_slice %arg2[%add3A_116, %dma_start3A_119] : memref<166400x128xf32, #tpu.memory_space<hbm>> -> memref<80x128xf32, #tpu.memory_space<hbm>>
        tpu.enqueue_dma source(%dma_start3A_120 : memref<80x128xf32, #tpu.memory_space<hbm>>) target(%arg7 : memref<80x128xf32, #tpu.memory_space<vmem>>) target_semaphore(%arg11 : memref<!tpu.dma_semaphore, #tpu.memory_space<semaphore_mem>>)
      } else {
      }
      %mul3A_70 = arith.constant 80 : i32
      %mul3A_71 = arith.muli %mul3A_61, %mul3A_70 : i32
      %add3A_72 = arith.addi %mul3A_14, %mul3A_71 : i32
      %dma_wait3A_73 = arith.constant 0 : i32
      %dma_wait3A_74 = tpu.memref_slice %arg2[%add3A_72, %dma_wait3A_73] : memref<166400x128xf32, #tpu.memory_space<hbm>> -> memref<80x128xf32, #tpu.memory_space<hbm>>
      %dma_wait3A_75 = arith.constant 0 : i32
      %dma_wait3A_76 = tpu.memref_slice %arg2[%add3A_72, %dma_wait3A_75] : memref<166400x128xf32, #tpu.memory_space<hbm>> -> memref<80x128xf32, #tpu.memory_space<hbm>>
      tpu.wait_dma2 semaphore(%arg10 : memref<!tpu.dma_semaphore, #tpu.memory_space<semaphore_mem>>) src(%dma_wait3A_76 : memref<80x128xf32, #tpu.memory_space<hbm>>) dst(%arg6 : memref<80x128xf32, #tpu.memory_space<vmem>>)
      %dma_start3A_77 = arith.constant 0 : i32
      %dma_start3A_78 = tpu.memref_slice %arg5[%mul3A_61, %dma_start3A_77] : memref<65x80xi32, #tpu.memory_space<vmem>> -> memref<1x80xi32, #tpu.memory_space<vmem>>
      %dma_start3A_79 = tpu.memref_squeeze %dma_start3A_78 : memref<1x80xi32, #tpu.memory_space<vmem>> -> memref<80xi32, #tpu.memory_space<vmem>>
      %dma_start3A_80 = arith.constant 0 : i32
      %dma_start3A_81 = arith.constant 0 : i32
      %dma_start3A_82 = tpu.memref_slice %arg9[%dma_start3A_80, %dma_start3A_81] : memref<10240x128xf32, #tpu.memory_space<vmem_shared>> -> memref<10240x128xf32, #tpu.memory_space<vmem_shared>>
      tpu.enqueue_indirect_dma source(%arg6 : memref<80x128xf32, #tpu.memory_space<vmem>>) target(%dma_start3A_82 : memref<10240x128xf32, #tpu.memory_space<vmem_shared>>) offsets(%dma_start3A_79 : memref<80xi32, #tpu.memory_space<vmem>>) semaphore(%arg12 : memref<!tpu.dma_semaphore, #tpu.memory_space<semaphore_mem>>) {add = true}
      %mul3A_83 = arith.constant 2 : i32
      %mul3A_84 = arith.muli %scan3A_59, %mul3A_83 : i32
      %add3A_85 = arith.constant 1 : i32
      %add3A_86 = arith.addi %mul3A_84, %add3A_85 : i32
      %ge3A_87 = arith.constant 1 : i32
      %ge3A_88 = arith.cmpi sge, %add3A_86, %ge3A_87 : i32
      %convert_element_type3A_89 = arith.extui %ge3A_88 : i1 to i32
      %cond3A_90 = arith.constant 0 : i32
      %cond3A_91 = arith.cmpi ne, %convert_element_type3A_89, %cond3A_90 : i32
      scf.if %cond3A_91 {
        %sub3A = arith.constant 1 : i32
        %sub3A_112 = arith.subi %add3A_86, %sub3A : i32
        %dma_wait3A_113 = arith.constant 0 : i32
        %dma_wait3A_114 = tpu.memref_slice %arg5[%sub3A_112, %dma_wait3A_113] : memref<65x80xi32, #tpu.memory_space<vmem>> -> memref<1x80xi32, #tpu.memory_space<vmem>>
        %dma_wait3A_115 = tpu.memref_squeeze %dma_wait3A_114 : memref<1x80xi32, #tpu.memory_space<vmem>> -> memref<80xi32, #tpu.memory_space<vmem>>
        %dma_wait3A_116 = arith.constant 0 : i32
        %dma_wait3A_117 = arith.constant 0 : i32
        %dma_wait3A_118 = tpu.memref_slice %arg9[%dma_wait3A_116, %dma_wait3A_117] : memref<10240x128xf32, #tpu.memory_space<vmem_shared>> -> memref<10240x128xf32, #tpu.memory_space<vmem_shared>>
        tpu.wait_indirect_dma semaphore(%arg12 : memref<!tpu.dma_semaphore, #tpu.memory_space<semaphore_mem>>) src(%arg6 : memref<80x128xf32, #tpu.memory_space<vmem>>) dst(%dma_wait3A_118 : memref<10240x128xf32, #tpu.memory_space<vmem_shared>>)
      } else {
      }
      %add3A_92 = arith.constant 1 : i32
      %add3A_93 = arith.addi %add3A_86, %add3A_92 : i32
      %lt3A_94 = arith.constant 65 : i32
      %lt3A_95 = arith.cmpi slt, %add3A_93, %lt3A_94 : i32
      %convert_element_type3A_96 = arith.extui %lt3A_95 : i1 to i32
      %cond3A_97 = arith.constant 0 : i32
      %cond3A_98 = arith.cmpi ne, %convert_element_type3A_96, %cond3A_97 : i32
      scf.if %cond3A_98 {
        %add3A_112 = arith.constant 1 : i32
        %add3A_113 = arith.addi %add3A_86, %add3A_112 : i32
        %mul3A_114 = arith.constant 80 : i32
        %mul3A_115 = arith.muli %add3A_113, %mul3A_114 : i32
        %add3A_116 = arith.addi %mul3A_14, %mul3A_115 : i32
        %dma_start3A_117 = arith.constant 0 : i32
        %dma_start3A_118 = tpu.memref_slice %arg2[%add3A_116, %dma_start3A_117] : memref<166400x128xf32, #tpu.memory_space<hbm>> -> memref<80x128xf32, #tpu.memory_space<hbm>>
        %dma_start3A_119 = arith.constant 0 : i32
        %dma_start3A_120 = tpu.memref_slice %arg2[%add3A_116, %dma_start3A_119] : memref<166400x128xf32, #tpu.memory_space<hbm>> -> memref<80x128xf32, #tpu.memory_space<hbm>>
        tpu.enqueue_dma source(%dma_start3A_120 : memref<80x128xf32, #tpu.memory_space<hbm>>) target(%arg6 : memref<80x128xf32, #tpu.memory_space<vmem>>) target_semaphore(%arg10 : memref<!tpu.dma_semaphore, #tpu.memory_space<semaphore_mem>>)
      } else {
      }
      %mul3A_99 = arith.constant 80 : i32
      %mul3A_100 = arith.muli %add3A_86, %mul3A_99 : i32
      %add3A_101 = arith.addi %mul3A_14, %mul3A_100 : i32
      %dma_wait3A_102 = arith.constant 0 : i32
      %dma_wait3A_103 = tpu.memref_slice %arg2[%add3A_101, %dma_wait3A_102] : memref<166400x128xf32, #tpu.memory_space<hbm>> -> memref<80x128xf32, #tpu.memory_space<hbm>>
      %dma_wait3A_104 = arith.constant 0 : i32
      %dma_wait3A_105 = tpu.memref_slice %arg2[%add3A_101, %dma_wait3A_104] : memref<166400x128xf32, #tpu.memory_space<hbm>> -> memref<80x128xf32, #tpu.memory_space<hbm>>
      tpu.wait_dma2 semaphore(%arg11 : memref<!tpu.dma_semaphore, #tpu.memory_space<semaphore_mem>>) src(%dma_wait3A_105 : memref<80x128xf32, #tpu.memory_space<hbm>>) dst(%arg7 : memref<80x128xf32, #tpu.memory_space<vmem>>)
      %dma_start3A_106 = arith.constant 0 : i32
      %dma_start3A_107 = tpu.memref_slice %arg5[%add3A_86, %dma_start3A_106] : memref<65x80xi32, #tpu.memory_space<vmem>> -> memref<1x80xi32, #tpu.memory_space<vmem>>
      %dma_start3A_108 = tpu.memref_squeeze %dma_start3A_107 : memref<1x80xi32, #tpu.memory_space<vmem>> -> memref<80xi32, #tpu.memory_space<vmem>>
      %dma_start3A_109 = arith.constant 0 : i32
      %dma_start3A_110 = arith.constant 0 : i32
      %dma_start3A_111 = tpu.memref_slice %arg9[%dma_start3A_109, %dma_start3A_110] : memref<10240x128xf32, #tpu.memory_space<vmem_shared>> -> memref<10240x128xf32, #tpu.memory_space<vmem_shared>>
      tpu.enqueue_indirect_dma source(%arg7 : memref<80x128xf32, #tpu.memory_space<vmem>>) target(%dma_start3A_111 : memref<10240x128xf32, #tpu.memory_space<vmem_shared>>) offsets(%dma_start3A_108 : memref<80xi32, #tpu.memory_space<vmem>>) semaphore(%arg13 : memref<!tpu.dma_semaphore, #tpu.memory_space<semaphore_mem>>) {add = true}
    }
    %scan3A_25 = arith.constant 32 : i32
    %dma_wait3A = arith.constant 63 : i32
    %dma_wait3A_26 = arith.constant 0 : i32
    %dma_wait3A_27 = tpu.memref_slice %arg5[%dma_wait3A, %dma_wait3A_26] : memref<65x80xi32, #tpu.memory_space<vmem>> -> memref<1x80xi32, #tpu.memory_space<vmem>>
    %dma_wait3A_28 = tpu.memref_squeeze %dma_wait3A_27 : memref<1x80xi32, #tpu.memory_space<vmem>> -> memref<80xi32, #tpu.memory_space<vmem>>
    %dma_wait3A_29 = arith.constant 0 : i32
    %dma_wait3A_30 = arith.constant 0 : i32
    %dma_wait3A_31 = tpu.memref_slice %arg9[%dma_wait3A_29, %dma_wait3A_30] : memref<10240x128xf32, #tpu.memory_space<vmem_shared>> -> memref<10240x128xf32, #tpu.memory_space<vmem_shared>>
    tpu.wait_indirect_dma semaphore(%arg13 : memref<!tpu.dma_semaphore, #tpu.memory_space<semaphore_mem>>) src(%arg7 : memref<80x128xf32, #tpu.memory_space<vmem>>) dst(%dma_wait3A_31 : memref<10240x128xf32, #tpu.memory_space<vmem_shared>>)
    %add3A_32 = arith.constant 5120 : i32
    %add3A_33 = arith.addi %mul3A_14, %add3A_32 : i32
    %dma_wait3A_34 = arith.constant 0 : i32
    %dma_wait3A_35 = tpu.memref_slice %arg2[%add3A_33, %dma_wait3A_34] : memref<166400x128xf32, #tpu.memory_space<hbm>> -> memref<80x128xf32, #tpu.memory_space<hbm>>
    %dma_wait3A_36 = arith.constant 0 : i32
    %dma_wait3A_37 = tpu.memref_slice %arg2[%add3A_33, %dma_wait3A_36] : memref<166400x128xf32, #tpu.memory_space<hbm>> -> memref<80x128xf32, #tpu.memory_space<hbm>>
    tpu.wait_dma2 semaphore(%arg10 : memref<!tpu.dma_semaphore, #tpu.memory_space<semaphore_mem>>) src(%dma_wait3A_37 : memref<80x128xf32, #tpu.memory_space<hbm>>) dst(%arg6 : memref<80x128xf32, #tpu.memory_space<vmem>>)
    %dma_start3A_38 = arith.constant 64 : i32
    %dma_start3A_39 = arith.constant 0 : i32
    %dma_start3A_40 = tpu.memref_slice %arg5[%dma_start3A_38, %dma_start3A_39] : memref<65x80xi32, #tpu.memory_space<vmem>> -> memref<1x80xi32, #tpu.memory_space<vmem>>
    %dma_start3A_41 = tpu.memref_squeeze %dma_start3A_40 : memref<1x80xi32, #tpu.memory_space<vmem>> -> memref<80xi32, #tpu.memory_space<vmem>>
    %dma_start3A_42 = arith.constant 0 : i32
    %dma_start3A_43 = arith.constant 0 : i32
    %dma_start3A_44 = tpu.memref_slice %arg9[%dma_start3A_42, %dma_start3A_43] : memref<10240x128xf32, #tpu.memory_space<vmem_shared>> -> memref<10240x128xf32, #tpu.memory_space<vmem_shared>>
    tpu.enqueue_indirect_dma source(%arg6 : memref<80x128xf32, #tpu.memory_space<vmem>>) target(%dma_start3A_44 : memref<10240x128xf32, #tpu.memory_space<vmem_shared>>) offsets(%dma_start3A_41 : memref<80xi32, #tpu.memory_space<vmem>>) semaphore(%arg12 : memref<!tpu.dma_semaphore, #tpu.memory_space<semaphore_mem>>) {add = true}
    %dma_wait3A_45 = arith.constant 64 : i32
    %dma_wait3A_46 = arith.constant 0 : i32
    %dma_wait3A_47 = tpu.memref_slice %arg5[%dma_wait3A_45, %dma_wait3A_46] : memref<65x80xi32, #tpu.memory_space<vmem>> -> memref<1x80xi32, #tpu.memory_space<vmem>>
    %dma_wait3A_48 = tpu.memref_squeeze %dma_wait3A_47 : memref<1x80xi32, #tpu.memory_space<vmem>> -> memref<80xi32, #tpu.memory_space<vmem>>
    %dma_wait3A_49 = arith.constant 0 : i32
    %dma_wait3A_50 = arith.constant 0 : i32
    %dma_wait3A_51 = tpu.memref_slice %arg9[%dma_wait3A_49, %dma_wait3A_50] : memref<10240x128xf32, #tpu.memory_space<vmem_shared>> -> memref<10240x128xf32, #tpu.memory_space<vmem_shared>>
    tpu.wait_indirect_dma semaphore(%arg12 : memref<!tpu.dma_semaphore, #tpu.memory_space<semaphore_mem>>) src(%arg6 : memref<80x128xf32, #tpu.memory_space<vmem>>) dst(%dma_wait3A_51 : memref<10240x128xf32, #tpu.memory_space<vmem_shared>>)
    %barrier3A_52 = arith.constant 0 : index
    tpu.barrier barrier_id(%barrier3A_52)
    %scan3A_53 = arith.constant 0 : i32
    %scan3A_54 = arith.constant 0 : i32
    %scan3A_55 = arith.constant 10 : i32
    %scan3A_56 = arith.addi %scan3A_54, %scan3A_55 : i32
    %scan3A_57 = arith.constant 1 : i32
    scf.for %scan3A_59 = %scan3A_54 to %scan3A_56 step %scan3A_57  : i32 {
      %mul3A_60 = arith.constant 640 : i32
      %mul3A_61 = arith.muli %arg1, %mul3A_60 : i32
      %mul3A_62 = arith.constant 64 : i32
      %mul3A_63 = arith.muli %scan3A_59, %mul3A_62 : i32
      %add3A_64 = arith.addi %mul3A_61, %mul3A_63 : i32
      "tpu.region"() ({
        %run_scoped3A = tpu.sem_alloc : memref<!tpu.dma_semaphore, #tpu.memory_space<semaphore_mem>>
        %dma_start3A_65 = arith.constant 0 : i32
        %dma_start3A_66 = tpu.memref_slice %arg9[%add3A_64, %dma_start3A_65] : memref<10240x128xf32, #tpu.memory_space<vmem_shared>> -> memref<64x128xf32, #tpu.memory_space<vmem_shared>>
        %dma_start3A_67 = arith.constant 0 : i32
        %dma_start3A_68 = tpu.memref_slice %arg9[%add3A_64, %dma_start3A_67] : memref<10240x128xf32, #tpu.memory_space<vmem_shared>> -> memref<64x128xf32, #tpu.memory_space<vmem_shared>>
        tpu.enqueue_dma source(%dma_start3A_68 : memref<64x128xf32, #tpu.memory_space<vmem_shared>>) target(%arg8 : memref<64x128xf32, #tpu.memory_space<vmem>>) target_semaphore(%run_scoped3A : memref<!tpu.dma_semaphore, #tpu.memory_space<semaphore_mem>>)
        %dma_wait3A_69 = arith.constant 0 : i32
        %dma_wait3A_70 = tpu.memref_slice %arg9[%add3A_64, %dma_wait3A_69] : memref<10240x128xf32, #tpu.memory_space<vmem_shared>> -> memref<64x128xf32, #tpu.memory_space<vmem_shared>>
        %dma_wait3A_71 = arith.constant 0 : i32
        %dma_wait3A_72 = tpu.memref_slice %arg9[%add3A_64, %dma_wait3A_71] : memref<10240x128xf32, #tpu.memory_space<vmem_shared>> -> memref<64x128xf32, #tpu.memory_space<vmem_shared>>
        tpu.wait_dma2 semaphore(%run_scoped3A : memref<!tpu.dma_semaphore, #tpu.memory_space<semaphore_mem>>) src(%dma_wait3A_72 : memref<64x128xf32, #tpu.memory_space<vmem_shared>>) dst(%arg8 : memref<64x128xf32, #tpu.memory_space<vmem>>)
        tpu.yield
      }) : () -> ()
      "tpu.region"() ({
        %run_scoped3A = tpu.sem_alloc : memref<!tpu.dma_semaphore, #tpu.memory_space<semaphore_mem>>
        %dma_start3A_65 = arith.constant 0 : i32
        %dma_start3A_66 = tpu.memref_slice %arg4[%arg0, %add3A_64, %dma_start3A_65] : memref<2x10240x128xf32, #tpu.memory_space<hbm>> -> memref<1x64x128xf32, #tpu.memory_space<hbm>>
        %dma_start3A_67 = tpu.memref_squeeze %dma_start3A_66 : memref<1x64x128xf32, #tpu.memory_space<hbm>> -> memref<64x128xf32, #tpu.memory_space<hbm>>
        %dma_start3A_68 = arith.constant 0 : i32
        %dma_start3A_69 = tpu.memref_slice %arg4[%arg0, %add3A_64, %dma_start3A_68] : memref<2x10240x128xf32, #tpu.memory_space<hbm>> -> memref<1x64x128xf32, #tpu.memory_space<hbm>>
        %dma_start3A_70 = tpu.memref_squeeze %dma_start3A_69 : memref<1x64x128xf32, #tpu.memory_space<hbm>> -> memref<64x128xf32, #tpu.memory_space<hbm>>
        tpu.enqueue_dma source(%arg8 : memref<64x128xf32, #tpu.memory_space<vmem>>) target(%dma_start3A_70 : memref<64x128xf32, #tpu.memory_space<hbm>>) target_semaphore(%run_scoped3A : memref<!tpu.dma_semaphore, #tpu.memory_space<semaphore_mem>>)
        %dma_wait3A_71 = arith.constant 0 : i32
        %dma_wait3A_72 = tpu.memref_slice %arg4[%arg0, %add3A_64, %dma_wait3A_71] : memref<2x10240x128xf32, #tpu.memory_space<hbm>> -> memref<1x64x128xf32, #tpu.memory_space<hbm>>
        %dma_wait3A_73 = tpu.memref_squeeze %dma_wait3A_72 : memref<1x64x128xf32, #tpu.memory_space<hbm>> -> memref<64x128xf32, #tpu.memory_space<hbm>>
        %dma_wait3A_74 = arith.constant 0 : i32
        %dma_wait3A_75 = tpu.memref_slice %arg4[%arg0, %add3A_64, %dma_wait3A_74] : memref<2x10240x128xf32, #tpu.memory_space<hbm>> -> memref<1x64x128xf32, #tpu.memory_space<hbm>>
        %dma_wait3A_76 = tpu.memref_squeeze %dma_wait3A_75 : memref<1x64x128xf32, #tpu.memory_space<hbm>> -> memref<64x128xf32, #tpu.memory_space<hbm>>
        tpu.wait_dma2 semaphore(%run_scoped3A : memref<!tpu.dma_semaphore, #tpu.memory_space<semaphore_mem>>) src(%arg8 : memref<64x128xf32, #tpu.memory_space<vmem>>) dst(%dma_wait3A_76 : memref<64x128xf32, #tpu.memory_space<hbm>>)
        tpu.yield
      }) : () -> ()
    }
    %scan3A_58 = arith.constant 10 : i32
    return
  }
}

#map = affine_map<(d0, d1) -> (0, 0)>
#map1 = affine_map<(d0, d1) -> (0)>
module attributes {stable_mosaic.version = 14 : i64} {
  func.func @_sc_gather(%arg0: i32, %arg1: i32, %arg2: memref<10000x128xf32, #tpu.memory_space<hbm>>, %arg3: memref<10000x128xf32, #tpu.memory_space<hbm>>, %arg4: memref<166400xi32, #tpu.memory_space<hbm>>, %arg5: memref<166400xi32, #tpu.memory_space<hbm>>, %arg6: memref<166400x128xf32, #tpu.memory_space<hbm>>, %arg7: memref<5200xi32, #tpu.memory_space<vmem>>, %arg8: memref<5200xi32, #tpu.memory_space<vmem>>, %arg9: memref<200x128xf32, #tpu.memory_space<vmem>>, %arg10: memref<200x128xf32, #tpu.memory_space<vmem>>, %arg11: memref<200x128xf32, #tpu.memory_space<vmem>>, %arg12: memref<200x128xf32, #tpu.memory_space<vmem>>, %arg13: memref<!tpu.dma_semaphore, #tpu.memory_space<semaphore_mem>>, %arg14: memref<!tpu.dma_semaphore, #tpu.memory_space<semaphore_mem>>, %arg15: memref<!tpu.dma_semaphore, #tpu.memory_space<semaphore_mem>>, %arg16: memref<!tpu.dma_semaphore, #tpu.memory_space<semaphore_mem>>, %arg17: memref<!tpu.dma_semaphore, #tpu.memory_space<semaphore_mem>>, %arg18: memref<!tpu.dma_semaphore, #tpu.memory_space<semaphore_mem>>) attributes {dimension_semantics = [#tpu.dimension_semantics<core_parallel>, #tpu.dimension_semantics<subcore_parallel>], iteration_bounds = array<i64: 2, 16>, scalar_prefetch = 0 : i64, scratch_operands = 12 : i64, tpu.core_type = #tpu.core_type<sc_vector_subcore>, window_params = [{transform_indices = #map}, {transform_indices = #map}, {transform_indices = #map1}, {transform_indices = #map1}, {transform_indices = #map}]} {
    %mul3A = arith.constant 2 : i32
    %mul3A_0 = arith.muli %arg1, %mul3A : i32
    %add3A = arith.addi %mul3A_0, %arg0 : i32
    %mul3A_1 = arith.constant 5200 : i32
    %mul3A_2 = arith.muli %add3A, %mul3A_1 : i32
    "tpu.region"() ({
      %run_scoped3A = tpu.sem_alloc : memref<!tpu.dma_semaphore, #tpu.memory_space<semaphore_mem>>
      %dma_start3A_22 = tpu.memref_slice %arg4[%mul3A_2] : memref<166400xi32, #tpu.memory_space<hbm>> -> memref<5200xi32, #tpu.memory_space<hbm>>
      %dma_start3A_23 = tpu.memref_slice %arg4[%mul3A_2] : memref<166400xi32, #tpu.memory_space<hbm>> -> memref<5200xi32, #tpu.memory_space<hbm>>
      tpu.enqueue_dma source(%dma_start3A_23 : memref<5200xi32, #tpu.memory_space<hbm>>) target(%arg7 : memref<5200xi32, #tpu.memory_space<vmem>>) target_semaphore(%run_scoped3A : memref<!tpu.dma_semaphore, #tpu.memory_space<semaphore_mem>>)
      %dma_wait3A_24 = tpu.memref_slice %arg4[%mul3A_2] : memref<166400xi32, #tpu.memory_space<hbm>> -> memref<5200xi32, #tpu.memory_space<hbm>>
      %dma_wait3A_25 = tpu.memref_slice %arg4[%mul3A_2] : memref<166400xi32, #tpu.memory_space<hbm>> -> memref<5200xi32, #tpu.memory_space<hbm>>
      tpu.wait_dma2 semaphore(%run_scoped3A : memref<!tpu.dma_semaphore, #tpu.memory_space<semaphore_mem>>) src(%dma_wait3A_25 : memref<5200xi32, #tpu.memory_space<hbm>>) dst(%arg7 : memref<5200xi32, #tpu.memory_space<vmem>>)
      tpu.yield
    }) : () -> ()
    "tpu.region"() ({
      %run_scoped3A = tpu.sem_alloc : memref<!tpu.dma_semaphore, #tpu.memory_space<semaphore_mem>>
      %dma_start3A_22 = tpu.memref_slice %arg5[%mul3A_2] : memref<166400xi32, #tpu.memory_space<hbm>> -> memref<5200xi32, #tpu.memory_space<hbm>>
      %dma_start3A_23 = tpu.memref_slice %arg5[%mul3A_2] : memref<166400xi32, #tpu.memory_space<hbm>> -> memref<5200xi32, #tpu.memory_space<hbm>>
      tpu.enqueue_dma source(%dma_start3A_23 : memref<5200xi32, #tpu.memory_space<hbm>>) target(%arg8 : memref<5200xi32, #tpu.memory_space<vmem>>) target_semaphore(%run_scoped3A : memref<!tpu.dma_semaphore, #tpu.memory_space<semaphore_mem>>)
      %dma_wait3A_24 = tpu.memref_slice %arg5[%mul3A_2] : memref<166400xi32, #tpu.memory_space<hbm>> -> memref<5200xi32, #tpu.memory_space<hbm>>
      %dma_wait3A_25 = tpu.memref_slice %arg5[%mul3A_2] : memref<166400xi32, #tpu.memory_space<hbm>> -> memref<5200xi32, #tpu.memory_space<hbm>>
      tpu.wait_dma2 semaphore(%run_scoped3A : memref<!tpu.dma_semaphore, #tpu.memory_space<semaphore_mem>>) src(%dma_wait3A_25 : memref<5200xi32, #tpu.memory_space<hbm>>) dst(%arg8 : memref<5200xi32, #tpu.memory_space<vmem>>)
      tpu.yield
    }) : () -> ()
    %dma_start3A = arith.constant 0 : i32
    %dma_start3A_3 = tpu.memref_slice %arg7[%dma_start3A] : memref<5200xi32, #tpu.memory_space<vmem>> -> memref<200xi32, #tpu.memory_space<vmem>>
    %dma_start3A_4 = arith.constant 0 : i32
    %dma_start3A_5 = arith.constant 0 : i32
    %dma_start3A_6 = tpu.memref_slice %arg2[%dma_start3A_4, %dma_start3A_5] : memref<10000x128xf32, #tpu.memory_space<hbm>> -> memref<10000x128xf32, #tpu.memory_space<hbm>>
    tpu.enqueue_indirect_dma source(%dma_start3A_6 : memref<10000x128xf32, #tpu.memory_space<hbm>>) target(%arg9 : memref<200x128xf32, #tpu.memory_space<vmem>>) offsets(%dma_start3A_3 : memref<200xi32, #tpu.memory_space<vmem>>) semaphore(%arg13 : memref<!tpu.dma_semaphore, #tpu.memory_space<semaphore_mem>>)
    %dma_start3A_7 = arith.constant 0 : i32
    %dma_start3A_8 = tpu.memref_slice %arg8[%dma_start3A_7] : memref<5200xi32, #tpu.memory_space<vmem>> -> memref<200xi32, #tpu.memory_space<vmem>>
    %dma_start3A_9 = arith.constant 0 : i32
    %dma_start3A_10 = arith.constant 0 : i32
    %dma_start3A_11 = tpu.memref_slice %arg3[%dma_start3A_9, %dma_start3A_10] : memref<10000x128xf32, #tpu.memory_space<hbm>> -> memref<10000x128xf32, #tpu.memory_space<hbm>>
    tpu.enqueue_indirect_dma source(%dma_start3A_11 : memref<10000x128xf32, #tpu.memory_space<hbm>>) target(%arg11 : memref<200x128xf32, #tpu.memory_space<vmem>>) offsets(%dma_start3A_8 : memref<200xi32, #tpu.memory_space<vmem>>) semaphore(%arg15 : memref<!tpu.dma_semaphore, #tpu.memory_space<semaphore_mem>>)
    %scan3A = arith.constant 0 : i32
    %scan3A_12 = arith.constant 0 : i32
    %scan3A_13 = arith.constant 13 : i32
    %scan3A_14 = arith.addi %scan3A_12, %scan3A_13 : i32
    %scan3A_15 = arith.constant 1 : i32
    scf.for %scan3A_22 = %scan3A_12 to %scan3A_14 step %scan3A_15  : i32 {
      %mul3A_23 = arith.constant 2 : i32
      %mul3A_24 = arith.muli %scan3A_22, %mul3A_23 : i32
      %ge3A = arith.constant 1 : i32
      %ge3A_25 = arith.cmpi sge, %mul3A_24, %ge3A : i32
      %convert_element_type3A = arith.extui %ge3A_25 : i1 to i32
      %cond3A = arith.constant 0 : i32
      %cond3A_26 = arith.cmpi ne, %convert_element_type3A, %cond3A : i32
      scf.if %cond3A_26 {
        %sub3A = arith.constant 1 : i32
        %sub3A_99 = arith.subi %mul3A_24, %sub3A : i32
        %mul3A_100 = arith.constant 200 : i32
        %mul3A_101 = arith.muli %sub3A_99, %mul3A_100 : i32
        %add3A_102 = arith.addi %mul3A_2, %mul3A_101 : i32
        %dma_wait3A_103 = arith.constant 0 : i32
        %dma_wait3A_104 = tpu.memref_slice %arg6[%add3A_102, %dma_wait3A_103] : memref<166400x128xf32, #tpu.memory_space<hbm>> -> memref<200x128xf32, #tpu.memory_space<hbm>>
        %dma_wait3A_105 = arith.constant 0 : i32
        %dma_wait3A_106 = tpu.memref_slice %arg6[%add3A_102, %dma_wait3A_105] : memref<166400x128xf32, #tpu.memory_space<hbm>> -> memref<200x128xf32, #tpu.memory_space<hbm>>
        tpu.wait_dma2 semaphore(%arg18 : memref<!tpu.dma_semaphore, #tpu.memory_space<semaphore_mem>>) src(%arg10 : memref<200x128xf32, #tpu.memory_space<vmem>>) dst(%dma_wait3A_106 : memref<200x128xf32, #tpu.memory_space<hbm>>)
      } else {
      }
      %add3A_27 = arith.constant 1 : i32
      %add3A_28 = arith.addi %mul3A_24, %add3A_27 : i32
      %lt3A = arith.constant 26 : i32
      %lt3A_29 = arith.cmpi slt, %add3A_28, %lt3A : i32
      %convert_element_type3A_30 = arith.extui %lt3A_29 : i1 to i32
      %cond3A_31 = arith.constant 0 : i32
      %cond3A_32 = arith.cmpi ne, %convert_element_type3A_30, %cond3A_31 : i32
      scf.if %cond3A_32 {
        %add3A_99 = arith.constant 1 : i32
        %add3A_100 = arith.addi %mul3A_24, %add3A_99 : i32
        %mul3A_101 = arith.constant 200 : i32
        %mul3A_102 = arith.muli %add3A_100, %mul3A_101 : i32
        %mul3A_103 = arith.constant 200 : i32
        %mul3A_104 = arith.muli %add3A_100, %mul3A_103 : i32
        %dma_start3A_105 = tpu.memref_slice %arg7[%mul3A_102] : memref<5200xi32, #tpu.memory_space<vmem>> -> memref<200xi32, #tpu.memory_space<vmem>>
        %dma_start3A_106 = arith.constant 0 : i32
        %dma_start3A_107 = arith.constant 0 : i32
        %dma_start3A_108 = tpu.memref_slice %arg2[%dma_start3A_106, %dma_start3A_107] : memref<10000x128xf32, #tpu.memory_space<hbm>> -> memref<10000x128xf32, #tpu.memory_space<hbm>>
        tpu.enqueue_indirect_dma source(%dma_start3A_108 : memref<10000x128xf32, #tpu.memory_space<hbm>>) target(%arg10 : memref<200x128xf32, #tpu.memory_space<vmem>>) offsets(%dma_start3A_105 : memref<200xi32, #tpu.memory_space<vmem>>) semaphore(%arg14 : memref<!tpu.dma_semaphore, #tpu.memory_space<semaphore_mem>>)
        %dma_start3A_109 = tpu.memref_slice %arg8[%mul3A_104] : memref<5200xi32, #tpu.memory_space<vmem>> -> memref<200xi32, #tpu.memory_space<vmem>>
        %dma_start3A_110 = arith.constant 0 : i32
        %dma_start3A_111 = arith.constant 0 : i32
        %dma_start3A_112 = tpu.memref_slice %arg3[%dma_start3A_110, %dma_start3A_111] : memref<10000x128xf32, #tpu.memory_space<hbm>> -> memref<10000x128xf32, #tpu.memory_space<hbm>>
        tpu.enqueue_indirect_dma source(%dma_start3A_112 : memref<10000x128xf32, #tpu.memory_space<hbm>>) target(%arg12 : memref<200x128xf32, #tpu.memory_space<vmem>>) offsets(%dma_start3A_109 : memref<200xi32, #tpu.memory_space<vmem>>) semaphore(%arg16 : memref<!tpu.dma_semaphore, #tpu.memory_space<semaphore_mem>>)
      } else {
      }
      %mul3A_33 = arith.constant 200 : i32
      %mul3A_34 = arith.muli %mul3A_24, %mul3A_33 : i32
      %mul3A_35 = arith.constant 200 : i32
      %mul3A_36 = arith.muli %mul3A_24, %mul3A_35 : i32
      %dma_wait3A_37 = tpu.memref_slice %arg7[%mul3A_34] : memref<5200xi32, #tpu.memory_space<vmem>> -> memref<200xi32, #tpu.memory_space<vmem>>
      %dma_wait3A_38 = arith.constant 0 : i32
      %dma_wait3A_39 = arith.constant 0 : i32
      %dma_wait3A_40 = tpu.memref_slice %arg2[%dma_wait3A_38, %dma_wait3A_39] : memref<10000x128xf32, #tpu.memory_space<hbm>> -> memref<10000x128xf32, #tpu.memory_space<hbm>>
      tpu.wait_indirect_dma semaphore(%arg13 : memref<!tpu.dma_semaphore, #tpu.memory_space<semaphore_mem>>) src(%dma_wait3A_40 : memref<10000x128xf32, #tpu.memory_space<hbm>>) dst(%arg9 : memref<200x128xf32, #tpu.memory_space<vmem>>)
      %dma_wait3A_41 = tpu.memref_slice %arg8[%mul3A_36] : memref<5200xi32, #tpu.memory_space<vmem>> -> memref<200xi32, #tpu.memory_space<vmem>>
      %dma_wait3A_42 = arith.constant 0 : i32
      %dma_wait3A_43 = arith.constant 0 : i32
      %dma_wait3A_44 = tpu.memref_slice %arg3[%dma_wait3A_42, %dma_wait3A_43] : memref<10000x128xf32, #tpu.memory_space<hbm>> -> memref<10000x128xf32, #tpu.memory_space<hbm>>
      tpu.wait_indirect_dma semaphore(%arg15 : memref<!tpu.dma_semaphore, #tpu.memory_space<semaphore_mem>>) src(%dma_wait3A_44 : memref<10000x128xf32, #tpu.memory_space<hbm>>) dst(%arg11 : memref<200x128xf32, #tpu.memory_space<vmem>>)
      %scan3A_45 = arith.constant 0 : i32
      %scan3A_46 = arith.constant 0 : i32
      %scan3A_47 = arith.constant 200 : i32
      %scan3A_48 = arith.addi %scan3A_46, %scan3A_47 : i32
      %scan3A_49 = arith.constant 1 : i32
      scf.for %scan3A_99 = %scan3A_46 to %scan3A_48 step %scan3A_49  : i32 {
        %get3A = arith.index_cast %scan3A_99 : i32 to index
        %get3A_100 = arith.constant 0 : index
        %get3A_101 = tpu.vector_load %arg9[%get3A, %get3A_100] {strides = array<i32>} : memref<200x128xf32, #tpu.memory_space<vmem>>, vector<1x16xf32>,
        %get3A_102 = vector.shape_cast %get3A_101 : vector<1x16xf32> to vector<16xf32>
        %get3A_103 = arith.index_cast %scan3A_99 : i32 to index
        %get3A_104 = arith.constant 0 : index
        %get3A_105 = tpu.vector_load %arg11[%get3A_103, %get3A_104] {strides = array<i32>} : memref<200x128xf32, #tpu.memory_space<vmem>>, vector<1x16xf32>,
        %get3A_106 = vector.shape_cast %get3A_105 : vector<1x16xf32> to vector<16xf32>
        %add3A_107 = arith.addf %get3A_102, %get3A_106 : vector<16xf32>
        %swap3A = arith.index_cast %scan3A_99 : i32 to index
        %swap3A_108 = arith.constant 0 : index
        %swap3A_109 = tpu.vector_load %arg9[%swap3A, %swap3A_108] {strides = array<i32>} : memref<200x128xf32, #tpu.memory_space<vmem>>, vector<1x16xf32>,
        %swap3A_110 = vector.shape_cast %swap3A_109 : vector<1x16xf32> to vector<16xf32>
        %swap3A_111 = vector.shape_cast %add3A_107 : vector<16xf32> to vector<1x16xf32>
        tpu.vector_store %arg9[%swap3A, %swap3A_108], %swap3A_111 {strides = array<i32>} : memref<200x128xf32, #tpu.memory_space<vmem>>, vector<1x16xf32>,
        %get3A_112 = arith.index_cast %scan3A_99 : i32 to index
        %get3A_113 = arith.constant 16 : index
        %get3A_114 = tpu.vector_load %arg9[%get3A_112, %get3A_113] {strides = array<i32>} : memref<200x128xf32, #tpu.memory_space<vmem>>, vector<1x16xf32>,
        %get3A_115 = vector.shape_cast %get3A_114 : vector<1x16xf32> to vector<16xf32>
        %get3A_116 = arith.index_cast %scan3A_99 : i32 to index
        %get3A_117 = arith.constant 16 : index
        %get3A_118 = tpu.vector_load %arg11[%get3A_116, %get3A_117] {strides = array<i32>} : memref<200x128xf32, #tpu.memory_space<vmem>>, vector<1x16xf32>,
        %get3A_119 = vector.shape_cast %get3A_118 : vector<1x16xf32> to vector<16xf32>
        %add3A_120 = arith.addf %get3A_115, %get3A_119 : vector<16xf32>
        %swap3A_121 = arith.index_cast %scan3A_99 : i32 to index
        %swap3A_122 = arith.constant 16 : index
        %swap3A_123 = tpu.vector_load %arg9[%swap3A_121, %swap3A_122] {strides = array<i32>} : memref<200x128xf32, #tpu.memory_space<vmem>>, vector<1x16xf32>,
        %swap3A_124 = vector.shape_cast %swap3A_123 : vector<1x16xf32> to vector<16xf32>
        %swap3A_125 = vector.shape_cast %add3A_120 : vector<16xf32> to vector<1x16xf32>
        tpu.vector_store %arg9[%swap3A_121, %swap3A_122], %swap3A_125 {strides = array<i32>} : memref<200x128xf32, #tpu.memory_space<vmem>>, vector<1x16xf32>,
        %get3A_126 = arith.index_cast %scan3A_99 : i32 to index
        %get3A_127 = arith.constant 32 : index
        %get3A_128 = tpu.vector_load %arg9[%get3A_126, %get3A_127] {strides = array<i32>} : memref<200x128xf32, #tpu.memory_space<vmem>>, vector<1x16xf32>,
        %get3A_129 = vector.shape_cast %get3A_128 : vector<1x16xf32> to vector<16xf32>
        %get3A_130 = arith.index_cast %scan3A_99 : i32 to index
        %get3A_131 = arith.constant 32 : index
        %get3A_132 = tpu.vector_load %arg11[%get3A_130, %get3A_131] {strides = array<i32>} : memref<200x128xf32, #tpu.memory_space<vmem>>, vector<1x16xf32>,
        %get3A_133 = vector.shape_cast %get3A_132 : vector<1x16xf32> to vector<16xf32>
        %add3A_134 = arith.addf %get3A_129, %get3A_133 : vector<16xf32>
        %swap3A_135 = arith.index_cast %scan3A_99 : i32 to index
        %swap3A_136 = arith.constant 32 : index
        %swap3A_137 = tpu.vector_load %arg9[%swap3A_135, %swap3A_136] {strides = array<i32>} : memref<200x128xf32, #tpu.memory_space<vmem>>, vector<1x16xf32>,
        %swap3A_138 = vector.shape_cast %swap3A_137 : vector<1x16xf32> to vector<16xf32>
        %swap3A_139 = vector.shape_cast %add3A_134 : vector<16xf32> to vector<1x16xf32>
        tpu.vector_store %arg9[%swap3A_135, %swap3A_136], %swap3A_139 {strides = array<i32>} : memref<200x128xf32, #tpu.memory_space<vmem>>, vector<1x16xf32>,
        %get3A_140 = arith.index_cast %scan3A_99 : i32 to index
        %get3A_141 = arith.constant 48 : index
        %get3A_142 = tpu.vector_load %arg9[%get3A_140, %get3A_141] {strides = array<i32>} : memref<200x128xf32, #tpu.memory_space<vmem>>, vector<1x16xf32>,
        %get3A_143 = vector.shape_cast %get3A_142 : vector<1x16xf32> to vector<16xf32>
        %get3A_144 = arith.index_cast %scan3A_99 : i32 to index
        %get3A_145 = arith.constant 48 : index
        %get3A_146 = tpu.vector_load %arg11[%get3A_144, %get3A_145] {strides = array<i32>} : memref<200x128xf32, #tpu.memory_space<vmem>>, vector<1x16xf32>,
        %get3A_147 = vector.shape_cast %get3A_146 : vector<1x16xf32> to vector<16xf32>
        %add3A_148 = arith.addf %get3A_143, %get3A_147 : vector<16xf32>
        %swap3A_149 = arith.index_cast %scan3A_99 : i32 to index
        %swap3A_150 = arith.constant 48 : index
        %swap3A_151 = tpu.vector_load %arg9[%swap3A_149, %swap3A_150] {strides = array<i32>} : memref<200x128xf32, #tpu.memory_space<vmem>>, vector<1x16xf32>,
        %swap3A_152 = vector.shape_cast %swap3A_151 : vector<1x16xf32> to vector<16xf32>
        %swap3A_153 = vector.shape_cast %add3A_148 : vector<16xf32> to vector<1x16xf32>
        tpu.vector_store %arg9[%swap3A_149, %swap3A_150], %swap3A_153 {strides = array<i32>} : memref<200x128xf32, #tpu.memory_space<vmem>>, vector<1x16xf32>,
        %get3A_154 = arith.index_cast %scan3A_99 : i32 to index
        %get3A_155 = arith.constant 64 : index
        %get3A_156 = tpu.vector_load %arg9[%get3A_154, %get3A_155] {strides = array<i32>} : memref<200x128xf32, #tpu.memory_space<vmem>>, vector<1x16xf32>,
        %get3A_157 = vector.shape_cast %get3A_156 : vector<1x16xf32> to vector<16xf32>
        %get3A_158 = arith.index_cast %scan3A_99 : i32 to index
        %get3A_159 = arith.constant 64 : index
        %get3A_160 = tpu.vector_load %arg11[%get3A_158, %get3A_159] {strides = array<i32>} : memref<200x128xf32, #tpu.memory_space<vmem>>, vector<1x16xf32>,
        %get3A_161 = vector.shape_cast %get3A_160 : vector<1x16xf32> to vector<16xf32>
        %add3A_162 = arith.addf %get3A_157, %get3A_161 : vector<16xf32>
        %swap3A_163 = arith.index_cast %scan3A_99 : i32 to index
        %swap3A_164 = arith.constant 64 : index
        %swap3A_165 = tpu.vector_load %arg9[%swap3A_163, %swap3A_164] {strides = array<i32>} : memref<200x128xf32, #tpu.memory_space<vmem>>, vector<1x16xf32>,
        %swap3A_166 = vector.shape_cast %swap3A_165 : vector<1x16xf32> to vector<16xf32>
        %swap3A_167 = vector.shape_cast %add3A_162 : vector<16xf32> to vector<1x16xf32>
        tpu.vector_store %arg9[%swap3A_163, %swap3A_164], %swap3A_167 {strides = array<i32>} : memref<200x128xf32, #tpu.memory_space<vmem>>, vector<1x16xf32>,
        %get3A_168 = arith.index_cast %scan3A_99 : i32 to index
        %get3A_169 = arith.constant 80 : index
        %get3A_170 = tpu.vector_load %arg9[%get3A_168, %get3A_169] {strides = array<i32>} : memref<200x128xf32, #tpu.memory_space<vmem>>, vector<1x16xf32>,
        %get3A_171 = vector.shape_cast %get3A_170 : vector<1x16xf32> to vector<16xf32>
        %get3A_172 = arith.index_cast %scan3A_99 : i32 to index
        %get3A_173 = arith.constant 80 : index
        %get3A_174 = tpu.vector_load %arg11[%get3A_172, %get3A_173] {strides = array<i32>} : memref<200x128xf32, #tpu.memory_space<vmem>>, vector<1x16xf32>,
        %get3A_175 = vector.shape_cast %get3A_174 : vector<1x16xf32> to vector<16xf32>
        %add3A_176 = arith.addf %get3A_171, %get3A_175 : vector<16xf32>
        %swap3A_177 = arith.index_cast %scan3A_99 : i32 to index
        %swap3A_178 = arith.constant 80 : index
        %swap3A_179 = tpu.vector_load %arg9[%swap3A_177, %swap3A_178] {strides = array<i32>} : memref<200x128xf32, #tpu.memory_space<vmem>>, vector<1x16xf32>,
        %swap3A_180 = vector.shape_cast %swap3A_179 : vector<1x16xf32> to vector<16xf32>
        %swap3A_181 = vector.shape_cast %add3A_176 : vector<16xf32> to vector<1x16xf32>
        tpu.vector_store %arg9[%swap3A_177, %swap3A_178], %swap3A_181 {strides = array<i32>} : memref<200x128xf32, #tpu.memory_space<vmem>>, vector<1x16xf32>,
        %get3A_182 = arith.index_cast %scan3A_99 : i32 to index
        %get3A_183 = arith.constant 96 : index
        %get3A_184 = tpu.vector_load %arg9[%get3A_182, %get3A_183] {strides = array<i32>} : memref<200x128xf32, #tpu.memory_space<vmem>>, vector<1x16xf32>,
        %get3A_185 = vector.shape_cast %get3A_184 : vector<1x16xf32> to vector<16xf32>
        %get3A_186 = arith.index_cast %scan3A_99 : i32 to index
        %get3A_187 = arith.constant 96 : index
        %get3A_188 = tpu.vector_load %arg11[%get3A_186, %get3A_187] {strides = array<i32>} : memref<200x128xf32, #tpu.memory_space<vmem>>, vector<1x16xf32>,
        %get3A_189 = vector.shape_cast %get3A_188 : vector<1x16xf32> to vector<16xf32>
        %add3A_190 = arith.addf %get3A_185, %get3A_189 : vector<16xf32>
        %swap3A_191 = arith.index_cast %scan3A_99 : i32 to index
        %swap3A_192 = arith.constant 96 : index
        %swap3A_193 = tpu.vector_load %arg9[%swap3A_191, %swap3A_192] {strides = array<i32>} : memref<200x128xf32, #tpu.memory_space<vmem>>, vector<1x16xf32>,
        %swap3A_194 = vector.shape_cast %swap3A_193 : vector<1x16xf32> to vector<16xf32>
        %swap3A_195 = vector.shape_cast %add3A_190 : vector<16xf32> to vector<1x16xf32>
        tpu.vector_store %arg9[%swap3A_191, %swap3A_192], %swap3A_195 {strides = array<i32>} : memref<200x128xf32, #tpu.memory_space<vmem>>, vector<1x16xf32>,
        %get3A_196 = arith.index_cast %scan3A_99 : i32 to index
        %get3A_197 = arith.constant 112 : index
        %get3A_198 = tpu.vector_load %arg9[%get3A_196, %get3A_197] {strides = array<i32>} : memref<200x128xf32, #tpu.memory_space<vmem>>, vector<1x16xf32>,
        %get3A_199 = vector.shape_cast %get3A_198 : vector<1x16xf32> to vector<16xf32>
        %get3A_200 = arith.index_cast %scan3A_99 : i32 to index
        %get3A_201 = arith.constant 112 : index
        %get3A_202 = tpu.vector_load %arg11[%get3A_200, %get3A_201] {strides = array<i32>} : memref<200x128xf32, #tpu.memory_space<vmem>>, vector<1x16xf32>,
        %get3A_203 = vector.shape_cast %get3A_202 : vector<1x16xf32> to vector<16xf32>
        %add3A_204 = arith.addf %get3A_199, %get3A_203 : vector<16xf32>
        %swap3A_205 = arith.index_cast %scan3A_99 : i32 to index
        %swap3A_206 = arith.constant 112 : index
        %swap3A_207 = tpu.vector_load %arg9[%swap3A_205, %swap3A_206] {strides = array<i32>} : memref<200x128xf32, #tpu.memory_space<vmem>>, vector<1x16xf32>,
        %swap3A_208 = vector.shape_cast %swap3A_207 : vector<1x16xf32> to vector<16xf32>
        %swap3A_209 = vector.shape_cast %add3A_204 : vector<16xf32> to vector<1x16xf32>
        tpu.vector_store %arg9[%swap3A_205, %swap3A_206], %swap3A_209 {strides = array<i32>} : memref<200x128xf32, #tpu.memory_space<vmem>>, vector<1x16xf32>,
      }
      %scan3A_50 = arith.constant 200 : i32
      %mul3A_51 = arith.constant 200 : i32
      %mul3A_52 = arith.muli %mul3A_24, %mul3A_51 : i32
      %add3A_53 = arith.addi %mul3A_2, %mul3A_52 : i32
      %dma_start3A_54 = arith.constant 0 : i32
      %dma_start3A_55 = tpu.memref_slice %arg6[%add3A_53, %dma_start3A_54] : memref<166400x128xf32, #tpu.memory_space<hbm>> -> memref<200x128xf32, #tpu.memory_space<hbm>>
      %dma_start3A_56 = arith.constant 0 : i32
      %dma_start3A_57 = tpu.memref_slice %arg6[%add3A_53, %dma_start3A_56] : memref<166400x128xf32, #tpu.memory_space<hbm>> -> memref<200x128xf32, #tpu.memory_space<hbm>>
      tpu.enqueue_dma source(%arg9 : memref<200x128xf32, #tpu.memory_space<vmem>>) target(%dma_start3A_57 : memref<200x128xf32, #tpu.memory_space<hbm>>) target_semaphore(%arg17 : memref<!tpu.dma_semaphore, #tpu.memory_space<semaphore_mem>>)
      %mul3A_58 = arith.constant 2 : i32
      %mul3A_59 = arith.muli %scan3A_22, %mul3A_58 : i32
      %add3A_60 = arith.constant 1 : i32
      %add3A_61 = arith.addi %mul3A_59, %add3A_60 : i32
      %ge3A_62 = arith.constant 1 : i32
      %ge3A_63 = arith.cmpi sge, %add3A_61, %ge3A_62 : i32
      %convert_element_type3A_64 = arith.extui %ge3A_63 : i1 to i32
      %cond3A_65 = arith.constant 0 : i32
      %cond3A_66 = arith.cmpi ne, %convert_element_type3A_64, %cond3A_65 : i32
      scf.if %cond3A_66 {
        %sub3A = arith.constant 1 : i32
        %sub3A_99 = arith.subi %add3A_61, %sub3A : i32
        %mul3A_100 = arith.constant 200 : i32
        %mul3A_101 = arith.muli %sub3A_99, %mul3A_100 : i32
        %add3A_102 = arith.addi %mul3A_2, %mul3A_101 : i32
        %dma_wait3A_103 = arith.constant 0 : i32
        %dma_wait3A_104 = tpu.memref_slice %arg6[%add3A_102, %dma_wait3A_103] : memref<166400x128xf32, #tpu.memory_space<hbm>> -> memref<200x128xf32, #tpu.memory_space<hbm>>
        %dma_wait3A_105 = arith.constant 0 : i32
        %dma_wait3A_106 = tpu.memref_slice %arg6[%add3A_102, %dma_wait3A_105] : memref<166400x128xf32, #tpu.memory_space<hbm>> -> memref<200x128xf32, #tpu.memory_space<hbm>>
        tpu.wait_dma2 semaphore(%arg17 : memref<!tpu.dma_semaphore, #tpu.memory_space<semaphore_mem>>) src(%arg9 : memref<200x128xf32, #tpu.memory_space<vmem>>) dst(%dma_wait3A_106 : memref<200x128xf32, #tpu.memory_space<hbm>>)
      } else {
      }
      %add3A_67 = arith.constant 1 : i32
      %add3A_68 = arith.addi %add3A_61, %add3A_67 : i32
      %lt3A_69 = arith.constant 26 : i32
      %lt3A_70 = arith.cmpi slt, %add3A_68, %lt3A_69 : i32
      %convert_element_type3A_71 = arith.extui %lt3A_70 : i1 to i32
      %cond3A_72 = arith.constant 0 : i32
      %cond3A_73 = arith.cmpi ne, %convert_element_type3A_71, %cond3A_72 : i32
      scf.if %cond3A_73 {
        %add3A_99 = arith.constant 1 : i32
        %add3A_100 = arith.addi %add3A_61, %add3A_99 : i32
        %mul3A_101 = arith.constant 200 : i32
        %mul3A_102 = arith.muli %add3A_100, %mul3A_101 : i32
        %mul3A_103 = arith.constant 200 : i32
        %mul3A_104 = arith.muli %add3A_100, %mul3A_103 : i32
        %dma_start3A_105 = tpu.memref_slice %arg7[%mul3A_102] : memref<5200xi32, #tpu.memory_space<vmem>> -> memref<200xi32, #tpu.memory_space<vmem>>
        %dma_start3A_106 = arith.constant 0 : i32
        %dma_start3A_107 = arith.constant 0 : i32
        %dma_start3A_108 = tpu.memref_slice %arg2[%dma_start3A_106, %dma_start3A_107] : memref<10000x128xf32, #tpu.memory_space<hbm>> -> memref<10000x128xf32, #tpu.memory_space<hbm>>
        tpu.enqueue_indirect_dma source(%dma_start3A_108 : memref<10000x128xf32, #tpu.memory_space<hbm>>) target(%arg9 : memref<200x128xf32, #tpu.memory_space<vmem>>) offsets(%dma_start3A_105 : memref<200xi32, #tpu.memory_space<vmem>>) semaphore(%arg13 : memref<!tpu.dma_semaphore, #tpu.memory_space<semaphore_mem>>)
        %dma_start3A_109 = tpu.memref_slice %arg8[%mul3A_104] : memref<5200xi32, #tpu.memory_space<vmem>> -> memref<200xi32, #tpu.memory_space<vmem>>
        %dma_start3A_110 = arith.constant 0 : i32
        %dma_start3A_111 = arith.constant 0 : i32
        %dma_start3A_112 = tpu.memref_slice %arg3[%dma_start3A_110, %dma_start3A_111] : memref<10000x128xf32, #tpu.memory_space<hbm>> -> memref<10000x128xf32, #tpu.memory_space<hbm>>
        tpu.enqueue_indirect_dma source(%dma_start3A_112 : memref<10000x128xf32, #tpu.memory_space<hbm>>) target(%arg11 : memref<200x128xf32, #tpu.memory_space<vmem>>) offsets(%dma_start3A_109 : memref<200xi32, #tpu.memory_space<vmem>>) semaphore(%arg15 : memref<!tpu.dma_semaphore, #tpu.memory_space<semaphore_mem>>)
      } else {
      }
      %mul3A_74 = arith.constant 200 : i32
      %mul3A_75 = arith.muli %add3A_61, %mul3A_74 : i32
      %mul3A_76 = arith.constant 200 : i32
      %mul3A_77 = arith.muli %add3A_61, %mul3A_76 : i32
      %dma_wait3A_78 = tpu.memref_slice %arg7[%mul3A_75] : memref<5200xi32, #tpu.memory_space<vmem>> -> memref<200xi32, #tpu.memory_space<vmem>>
      %dma_wait3A_79 = arith.constant 0 : i32
      %dma_wait3A_80 = arith.constant 0 : i32
      %dma_wait3A_81 = tpu.memref_slice %arg2[%dma_wait3A_79, %dma_wait3A_80] : memref<10000x128xf32, #tpu.memory_space<hbm>> -> memref<10000x128xf32, #tpu.memory_space<hbm>>
      tpu.wait_indirect_dma semaphore(%arg14 : memref<!tpu.dma_semaphore, #tpu.memory_space<semaphore_mem>>) src(%dma_wait3A_81 : memref<10000x128xf32, #tpu.memory_space<hbm>>) dst(%arg10 : memref<200x128xf32, #tpu.memory_space<vmem>>)
      %dma_wait3A_82 = tpu.memref_slice %arg8[%mul3A_77] : memref<5200xi32, #tpu.memory_space<vmem>> -> memref<200xi32, #tpu.memory_space<vmem>>
      %dma_wait3A_83 = arith.constant 0 : i32
      %dma_wait3A_84 = arith.constant 0 : i32
      %dma_wait3A_85 = tpu.memref_slice %arg3[%dma_wait3A_83, %dma_wait3A_84] : memref<10000x128xf32, #tpu.memory_space<hbm>> -> memref<10000x128xf32, #tpu.memory_space<hbm>>
      tpu.wait_indirect_dma semaphore(%arg16 : memref<!tpu.dma_semaphore, #tpu.memory_space<semaphore_mem>>) src(%dma_wait3A_85 : memref<10000x128xf32, #tpu.memory_space<hbm>>) dst(%arg12 : memref<200x128xf32, #tpu.memory_space<vmem>>)
      %scan3A_86 = arith.constant 0 : i32
      %scan3A_87 = arith.constant 0 : i32
      %scan3A_88 = arith.constant 200 : i32
      %scan3A_89 = arith.addi %scan3A_87, %scan3A_88 : i32
      %scan3A_90 = arith.constant 1 : i32
      scf.for %scan3A_99 = %scan3A_87 to %scan3A_89 step %scan3A_90  : i32 {
        %get3A = arith.index_cast %scan3A_99 : i32 to index
        %get3A_100 = arith.constant 0 : index
        %get3A_101 = tpu.vector_load %arg10[%get3A, %get3A_100] {strides = array<i32>} : memref<200x128xf32, #tpu.memory_space<vmem>>, vector<1x16xf32>,
        %get3A_102 = vector.shape_cast %get3A_101 : vector<1x16xf32> to vector<16xf32>
        %get3A_103 = arith.index_cast %scan3A_99 : i32 to index
        %get3A_104 = arith.constant 0 : index
        %get3A_105 = tpu.vector_load %arg12[%get3A_103, %get3A_104] {strides = array<i32>} : memref<200x128xf32, #tpu.memory_space<vmem>>, vector<1x16xf32>,
        %get3A_106 = vector.shape_cast %get3A_105 : vector<1x16xf32> to vector<16xf32>
        %add3A_107 = arith.addf %get3A_102, %get3A_106 : vector<16xf32>
        %swap3A = arith.index_cast %scan3A_99 : i32 to index
        %swap3A_108 = arith.constant 0 : index
        %swap3A_109 = tpu.vector_load %arg10[%swap3A, %swap3A_108] {strides = array<i32>} : memref<200x128xf32, #tpu.memory_space<vmem>>, vector<1x16xf32>,
        %swap3A_110 = vector.shape_cast %swap3A_109 : vector<1x16xf32> to vector<16xf32>
        %swap3A_111 = vector.shape_cast %add3A_107 : vector<16xf32> to vector<1x16xf32>
        tpu.vector_store %arg10[%swap3A, %swap3A_108], %swap3A_111 {strides = array<i32>} : memref<200x128xf32, #tpu.memory_space<vmem>>, vector<1x16xf32>,
        %get3A_112 = arith.index_cast %scan3A_99 : i32 to index
        %get3A_113 = arith.constant 16 : index
        %get3A_114 = tpu.vector_load %arg10[%get3A_112, %get3A_113] {strides = array<i32>} : memref<200x128xf32, #tpu.memory_space<vmem>>, vector<1x16xf32>,
        %get3A_115 = vector.shape_cast %get3A_114 : vector<1x16xf32> to vector<16xf32>
        %get3A_116 = arith.index_cast %scan3A_99 : i32 to index
        %get3A_117 = arith.constant 16 : index
        %get3A_118 = tpu.vector_load %arg12[%get3A_116, %get3A_117] {strides = array<i32>} : memref<200x128xf32, #tpu.memory_space<vmem>>, vector<1x16xf32>,
        %get3A_119 = vector.shape_cast %get3A_118 : vector<1x16xf32> to vector<16xf32>
        %add3A_120 = arith.addf %get3A_115, %get3A_119 : vector<16xf32>
        %swap3A_121 = arith.index_cast %scan3A_99 : i32 to index
        %swap3A_122 = arith.constant 16 : index
        %swap3A_123 = tpu.vector_load %arg10[%swap3A_121, %swap3A_122] {strides = array<i32>} : memref<200x128xf32, #tpu.memory_space<vmem>>, vector<1x16xf32>,
        %swap3A_124 = vector.shape_cast %swap3A_123 : vector<1x16xf32> to vector<16xf32>
        %swap3A_125 = vector.shape_cast %add3A_120 : vector<16xf32> to vector<1x16xf32>
        tpu.vector_store %arg10[%swap3A_121, %swap3A_122], %swap3A_125 {strides = array<i32>} : memref<200x128xf32, #tpu.memory_space<vmem>>, vector<1x16xf32>,
        %get3A_126 = arith.index_cast %scan3A_99 : i32 to index
        %get3A_127 = arith.constant 32 : index
        %get3A_128 = tpu.vector_load %arg10[%get3A_126, %get3A_127] {strides = array<i32>} : memref<200x128xf32, #tpu.memory_space<vmem>>, vector<1x16xf32>,
        %get3A_129 = vector.shape_cast %get3A_128 : vector<1x16xf32> to vector<16xf32>
        %get3A_130 = arith.index_cast %scan3A_99 : i32 to index
        %get3A_131 = arith.constant 32 : index
        %get3A_132 = tpu.vector_load %arg12[%get3A_130, %get3A_131] {strides = array<i32>} : memref<200x128xf32, #tpu.memory_space<vmem>>, vector<1x16xf32>,
        %get3A_133 = vector.shape_cast %get3A_132 : vector<1x16xf32> to vector<16xf32>
        %add3A_134 = arith.addf %get3A_129, %get3A_133 : vector<16xf32>
        %swap3A_135 = arith.index_cast %scan3A_99 : i32 to index
        %swap3A_136 = arith.constant 32 : index
        %swap3A_137 = tpu.vector_load %arg10[%swap3A_135, %swap3A_136] {strides = array<i32>} : memref<200x128xf32, #tpu.memory_space<vmem>>, vector<1x16xf32>,
        %swap3A_138 = vector.shape_cast %swap3A_137 : vector<1x16xf32> to vector<16xf32>
        %swap3A_139 = vector.shape_cast %add3A_134 : vector<16xf32> to vector<1x16xf32>
        tpu.vector_store %arg10[%swap3A_135, %swap3A_136], %swap3A_139 {strides = array<i32>} : memref<200x128xf32, #tpu.memory_space<vmem>>, vector<1x16xf32>,
        %get3A_140 = arith.index_cast %scan3A_99 : i32 to index
        %get3A_141 = arith.constant 48 : index
        %get3A_142 = tpu.vector_load %arg10[%get3A_140, %get3A_141] {strides = array<i32>} : memref<200x128xf32, #tpu.memory_space<vmem>>, vector<1x16xf32>,
        %get3A_143 = vector.shape_cast %get3A_142 : vector<1x16xf32> to vector<16xf32>
        %get3A_144 = arith.index_cast %scan3A_99 : i32 to index
        %get3A_145 = arith.constant 48 : index
        %get3A_146 = tpu.vector_load %arg12[%get3A_144, %get3A_145] {strides = array<i32>} : memref<200x128xf32, #tpu.memory_space<vmem>>, vector<1x16xf32>,
        %get3A_147 = vector.shape_cast %get3A_146 : vector<1x16xf32> to vector<16xf32>
        %add3A_148 = arith.addf %get3A_143, %get3A_147 : vector<16xf32>
        %swap3A_149 = arith.index_cast %scan3A_99 : i32 to index
        %swap3A_150 = arith.constant 48 : index
        %swap3A_151 = tpu.vector_load %arg10[%swap3A_149, %swap3A_150] {strides = array<i32>} : memref<200x128xf32, #tpu.memory_space<vmem>>, vector<1x16xf32>,
        %swap3A_152 = vector.shape_cast %swap3A_151 : vector<1x16xf32> to vector<16xf32>
        %swap3A_153 = vector.shape_cast %add3A_148 : vector<16xf32> to vector<1x16xf32>
        tpu.vector_store %arg10[%swap3A_149, %swap3A_150], %swap3A_153 {strides = array<i32>} : memref<200x128xf32, #tpu.memory_space<vmem>>, vector<1x16xf32>,
        %get3A_154 = arith.index_cast %scan3A_99 : i32 to index
        %get3A_155 = arith.constant 64 : index
        %get3A_156 = tpu.vector_load %arg10[%get3A_154, %get3A_155] {strides = array<i32>} : memref<200x128xf32, #tpu.memory_space<vmem>>, vector<1x16xf32>,
        %get3A_157 = vector.shape_cast %get3A_156 : vector<1x16xf32> to vector<16xf32>
        %get3A_158 = arith.index_cast %scan3A_99 : i32 to index
        %get3A_159 = arith.constant 64 : index
        %get3A_160 = tpu.vector_load %arg12[%get3A_158, %get3A_159] {strides = array<i32>} : memref<200x128xf32, #tpu.memory_space<vmem>>, vector<1x16xf32>,
        %get3A_161 = vector.shape_cast %get3A_160 : vector<1x16xf32> to vector<16xf32>
        %add3A_162 = arith.addf %get3A_157, %get3A_161 : vector<16xf32>
        %swap3A_163 = arith.index_cast %scan3A_99 : i32 to index
        %swap3A_164 = arith.constant 64 : index
        %swap3A_165 = tpu.vector_load %arg10[%swap3A_163, %swap3A_164] {strides = array<i32>} : memref<200x128xf32, #tpu.memory_space<vmem>>, vector<1x16xf32>,
        %swap3A_166 = vector.shape_cast %swap3A_165 : vector<1x16xf32> to vector<16xf32>
        %swap3A_167 = vector.shape_cast %add3A_162 : vector<16xf32> to vector<1x16xf32>
        tpu.vector_store %arg10[%swap3A_163, %swap3A_164], %swap3A_167 {strides = array<i32>} : memref<200x128xf32, #tpu.memory_space<vmem>>, vector<1x16xf32>,
        %get3A_168 = arith.index_cast %scan3A_99 : i32 to index
        %get3A_169 = arith.constant 80 : index
        %get3A_170 = tpu.vector_load %arg10[%get3A_168, %get3A_169] {strides = array<i32>} : memref<200x128xf32, #tpu.memory_space<vmem>>, vector<1x16xf32>,
        %get3A_171 = vector.shape_cast %get3A_170 : vector<1x16xf32> to vector<16xf32>
        %get3A_172 = arith.index_cast %scan3A_99 : i32 to index
        %get3A_173 = arith.constant 80 : index
        %get3A_174 = tpu.vector_load %arg12[%get3A_172, %get3A_173] {strides = array<i32>} : memref<200x128xf32, #tpu.memory_space<vmem>>, vector<1x16xf32>,
        %get3A_175 = vector.shape_cast %get3A_174 : vector<1x16xf32> to vector<16xf32>
        %add3A_176 = arith.addf %get3A_171, %get3A_175 : vector<16xf32>
        %swap3A_177 = arith.index_cast %scan3A_99 : i32 to index
        %swap3A_178 = arith.constant 80 : index
        %swap3A_179 = tpu.vector_load %arg10[%swap3A_177, %swap3A_178] {strides = array<i32>} : memref<200x128xf32, #tpu.memory_space<vmem>>, vector<1x16xf32>,
        %swap3A_180 = vector.shape_cast %swap3A_179 : vector<1x16xf32> to vector<16xf32>
        %swap3A_181 = vector.shape_cast %add3A_176 : vector<16xf32> to vector<1x16xf32>
        tpu.vector_store %arg10[%swap3A_177, %swap3A_178], %swap3A_181 {strides = array<i32>} : memref<200x128xf32, #tpu.memory_space<vmem>>, vector<1x16xf32>,
        %get3A_182 = arith.index_cast %scan3A_99 : i32 to index
        %get3A_183 = arith.constant 96 : index
        %get3A_184 = tpu.vector_load %arg10[%get3A_182, %get3A_183] {strides = array<i32>} : memref<200x128xf32, #tpu.memory_space<vmem>>, vector<1x16xf32>,
        %get3A_185 = vector.shape_cast %get3A_184 : vector<1x16xf32> to vector<16xf32>
        %get3A_186 = arith.index_cast %scan3A_99 : i32 to index
        %get3A_187 = arith.constant 96 : index
        %get3A_188 = tpu.vector_load %arg12[%get3A_186, %get3A_187] {strides = array<i32>} : memref<200x128xf32, #tpu.memory_space<vmem>>, vector<1x16xf32>,
        %get3A_189 = vector.shape_cast %get3A_188 : vector<1x16xf32> to vector<16xf32>
        %add3A_190 = arith.addf %get3A_185, %get3A_189 : vector<16xf32>
        %swap3A_191 = arith.index_cast %scan3A_99 : i32 to index
        %swap3A_192 = arith.constant 96 : index
        %swap3A_193 = tpu.vector_load %arg10[%swap3A_191, %swap3A_192] {strides = array<i32>} : memref<200x128xf32, #tpu.memory_space<vmem>>, vector<1x16xf32>,
        %swap3A_194 = vector.shape_cast %swap3A_193 : vector<1x16xf32> to vector<16xf32>
        %swap3A_195 = vector.shape_cast %add3A_190 : vector<16xf32> to vector<1x16xf32>
        tpu.vector_store %arg10[%swap3A_191, %swap3A_192], %swap3A_195 {strides = array<i32>} : memref<200x128xf32, #tpu.memory_space<vmem>>, vector<1x16xf32>,
        %get3A_196 = arith.index_cast %scan3A_99 : i32 to index
        %get3A_197 = arith.constant 112 : index
        %get3A_198 = tpu.vector_load %arg10[%get3A_196, %get3A_197] {strides = array<i32>} : memref<200x128xf32, #tpu.memory_space<vmem>>, vector<1x16xf32>,
        %get3A_199 = vector.shape_cast %get3A_198 : vector<1x16xf32> to vector<16xf32>
        %get3A_200 = arith.index_cast %scan3A_99 : i32 to index
        %get3A_201 = arith.constant 112 : index
        %get3A_202 = tpu.vector_load %arg12[%get3A_200, %get3A_201] {strides = array<i32>} : memref<200x128xf32, #tpu.memory_space<vmem>>, vector<1x16xf32>,
        %get3A_203 = vector.shape_cast %get3A_202 : vector<1x16xf32> to vector<16xf32>
        %add3A_204 = arith.addf %get3A_199, %get3A_203 : vector<16xf32>
        %swap3A_205 = arith.index_cast %scan3A_99 : i32 to index
        %swap3A_206 = arith.constant 112 : index
        %swap3A_207 = tpu.vector_load %arg10[%swap3A_205, %swap3A_206] {strides = array<i32>} : memref<200x128xf32, #tpu.memory_space<vmem>>, vector<1x16xf32>,
        %swap3A_208 = vector.shape_cast %swap3A_207 : vector<1x16xf32> to vector<16xf32>
        %swap3A_209 = vector.shape_cast %add3A_204 : vector<16xf32> to vector<1x16xf32>
        tpu.vector_store %arg10[%swap3A_205, %swap3A_206], %swap3A_209 {strides = array<i32>} : memref<200x128xf32, #tpu.memory_space<vmem>>, vector<1x16xf32>,
      }
      %scan3A_91 = arith.constant 200 : i32
      %mul3A_92 = arith.constant 200 : i32
      %mul3A_93 = arith.muli %add3A_61, %mul3A_92 : i32
      %add3A_94 = arith.addi %mul3A_2, %mul3A_93 : i32
      %dma_start3A_95 = arith.constant 0 : i32
      %dma_start3A_96 = tpu.memref_slice %arg6[%add3A_94, %dma_start3A_95] : memref<166400x128xf32, #tpu.memory_space<hbm>> -> memref<200x128xf32, #tpu.memory_space<hbm>>
      %dma_start3A_97 = arith.constant 0 : i32
      %dma_start3A_98 = tpu.memref_slice %arg6[%add3A_94, %dma_start3A_97] : memref<166400x128xf32, #tpu.memory_space<hbm>> -> memref<200x128xf32, #tpu.memory_space<hbm>>
      tpu.enqueue_dma source(%arg10 : memref<200x128xf32, #tpu.memory_space<vmem>>) target(%dma_start3A_98 : memref<200x128xf32, #tpu.memory_space<hbm>>) target_semaphore(%arg18 : memref<!tpu.dma_semaphore, #tpu.memory_space<semaphore_mem>>)
    }
    %scan3A_16 = arith.constant 13 : i32
    %add3A_17 = arith.constant 5000 : i32
    %add3A_18 = arith.addi %mul3A_2, %add3A_17 : i32
    %dma_wait3A = arith.constant 0 : i32
    %dma_wait3A_19 = tpu.memref_slice %arg6[%add3A_18, %dma_wait3A] : memref<166400x128xf32, #tpu.memory_space<hbm>> -> memref<200x128xf32, #tpu.memory_space<hbm>>
    %dma_wait3A_20 = arith.constant 0 : i32
    %dma_wait3A_21 = tpu.memref_slice %arg6[%add3A_18, %dma_wait3A_20] : memref<166400x128xf32, #tpu.memory_space<hbm>> -> memref<200x128xf32, #tpu.memory_space<hbm>>
    tpu.wait_dma2 semaphore(%arg18 : memref<!tpu.dma_semaphore, #tpu.memory_space<semaphore_mem>>) src(%arg10 : memref<200x128xf32, #tpu.memory_space<vmem>>) dst(%dma_wait3A_21 : memref<200x128xf32, #tpu.memory_space<hbm>>)
    return
  }
}

#map = affine_map<(d0, d1) -> (0, 0)>
#map1 = affine_map<(d0, d1) -> (0, 0, 0)>
module attributes {stable_mosaic.version = 14 : i64} {
  func.func @_sc_scatter(%arg0: i32, %arg1: i32, %arg2: memref<153600x128xf32, #tpu.memory_space<hbm>>, %arg3: memref<32x60x80xi32, #tpu.memory_space<hbm>>, %arg4: memref<2x10240x128xf32, #tpu.memory_space<hbm>>, %arg5: memref<60x80xi32, #tpu.memory_space<vmem>>, %arg6: memref<80x128xf32, #tpu.memory_space<vmem>>, %arg7: memref<80x128xf32, #tpu.memory_space<vmem>>, %arg8: memref<64x128xf32, #tpu.memory_space<vmem>>, %arg9: memref<10240x128xf32, #tpu.memory_space<vmem_shared>>, %arg10: memref<!tpu.dma_semaphore, #tpu.memory_space<semaphore_mem>>, %arg11: memref<!tpu.dma_semaphore, #tpu.memory_space<semaphore_mem>>, %arg12: memref<!tpu.dma_semaphore, #tpu.memory_space<semaphore_mem>>, %arg13: memref<!tpu.dma_semaphore, #tpu.memory_space<semaphore_mem>>) attributes {dimension_semantics = [#tpu.dimension_semantics<core_parallel>, #tpu.dimension_semantics<subcore_parallel>], iteration_bounds = array<i64: 2, 16>, scalar_prefetch = 0 : i64, scratch_operands = 9 : i64, tpu.core_type = #tpu.core_type<sc_vector_subcore>, window_params = [{transform_indices = #map}, {transform_indices = #map1}, {transform_indices = #map1}]} {
    %mul3A = arith.constant 2 : i32
    %mul3A_0 = arith.muli %arg1, %mul3A : i32
    %add3A = arith.addi %mul3A_0, %arg0 : i32
    "tpu.region"() ({
      %run_scoped3A = tpu.sem_alloc : memref<!tpu.dma_semaphore, #tpu.memory_space<semaphore_mem>>
      %dma_start3A_39 = arith.constant 0 : i32
      %dma_start3A_40 = arith.constant 0 : i32
      %dma_start3A_41 = tpu.memref_slice %arg3[%add3A, %dma_start3A_39, %dma_start3A_40] : memref<32x60x80xi32, #tpu.memory_space<hbm>> -> memref<1x60x80xi32, #tpu.memory_space<hbm>>
      %dma_start3A_42 = tpu.memref_squeeze %dma_start3A_41 : memref<1x60x80xi32, #tpu.memory_space<hbm>> -> memref<60x80xi32, #tpu.memory_space<hbm>>
      %dma_start3A_43 = arith.constant 0 : i32
      %dma_start3A_44 = arith.constant 0 : i32
      %dma_start3A_45 = tpu.memref_slice %arg3[%add3A, %dma_start3A_43, %dma_start3A_44] : memref<32x60x80xi32, #tpu.memory_space<hbm>> -> memref<1x60x80xi32, #tpu.memory_space<hbm>>
      %dma_start3A_46 = tpu.memref_squeeze %dma_start3A_45 : memref<1x60x80xi32, #tpu.memory_space<hbm>> -> memref<60x80xi32, #tpu.memory_space<hbm>>
      tpu.enqueue_dma source(%dma_start3A_46 : memref<60x80xi32, #tpu.memory_space<hbm>>) target(%arg5 : memref<60x80xi32, #tpu.memory_space<vmem>>) target_semaphore(%run_scoped3A : memref<!tpu.dma_semaphore, #tpu.memory_space<semaphore_mem>>)
      %dma_wait3A_47 = arith.constant 0 : i32
      %dma_wait3A_48 = arith.constant 0 : i32
      %dma_wait3A_49 = tpu.memref_slice %arg3[%add3A, %dma_wait3A_47, %dma_wait3A_48] : memref<32x60x80xi32, #tpu.memory_space<hbm>> -> memref<1x60x80xi32, #tpu.memory_space<hbm>>
      %dma_wait3A_50 = tpu.memref_squeeze %dma_wait3A_49 : memref<1x60x80xi32, #tpu.memory_space<hbm>> -> memref<60x80xi32, #tpu.memory_space<hbm>>
      %dma_wait3A_51 = arith.constant 0 : i32
      %dma_wait3A_52 = arith.constant 0 : i32
      %dma_wait3A_53 = tpu.memref_slice %arg3[%add3A, %dma_wait3A_51, %dma_wait3A_52] : memref<32x60x80xi32, #tpu.memory_space<hbm>> -> memref<1x60x80xi32, #tpu.memory_space<hbm>>
      %dma_wait3A_54 = tpu.memref_squeeze %dma_wait3A_53 : memref<1x60x80xi32, #tpu.memory_space<hbm>> -> memref<60x80xi32, #tpu.memory_space<hbm>>
      tpu.wait_dma2 semaphore(%run_scoped3A : memref<!tpu.dma_semaphore, #tpu.memory_space<semaphore_mem>>) src(%dma_wait3A_54 : memref<60x80xi32, #tpu.memory_space<hbm>>) dst(%arg5 : memref<60x80xi32, #tpu.memory_space<vmem>>)
      tpu.yield
    }) : () -> ()
    %broadcast_in_dim3A = arith.constant 0.000000e+00 : f32
    %broadcast_in_dim3A_1 = vector.broadcast %broadcast_in_dim3A : f32 to vector<16xf32>
    %scan3A = arith.constant 0 : i32
    %scan3A_2 = arith.constant 0 : i32
    %scan3A_3 = arith.constant 512 : i32
    %scan3A_4 = arith.addi %scan3A_2, %scan3A_3 : i32
    %scan3A_5 = arith.constant 1 : i32
    scf.for %scan3A_39 = %scan3A_2 to %scan3A_4 step %scan3A_5  : i32 {
      %jit3A = arith.constant 8 : i32
      %div3A = arith.divsi %scan3A_39, %jit3A : i32
      %sign3A = arith.constant 0 : i32
      %sign3A_40 = arith.cmpi sgt, %scan3A_39, %sign3A : i32
      %sign3A_41 = arith.extui %sign3A_40 : i1 to i32
      %sign3A_42 = arith.constant 0 : i32
      %sign3A_43 = arith.cmpi slt, %scan3A_39, %sign3A_42 : i32
      %sign3A_44 = arith.extui %sign3A_43 : i1 to i32
      %sign3A_45 = arith.subi %sign3A_41, %sign3A_44 : i32
      %sign3A_46 = arith.constant 0 : i32
      %sign3A_47 = arith.cmpi sgt, %jit3A, %sign3A_46 : i32
      %sign3A_48 = arith.extui %sign3A_47 : i1 to i32
      %sign3A_49 = arith.constant 0 : i32
      %sign3A_50 = arith.cmpi slt, %jit3A, %sign3A_49 : i32
      %sign3A_51 = arith.extui %sign3A_50 : i1 to i32
      %sign3A_52 = arith.subi %sign3A_48, %sign3A_51 : i32
      %ne3A = arith.cmpi ne, %sign3A_45, %sign3A_52 : i32
      %rem3A = arith.remsi %scan3A_39, %jit3A : i32
      %ne3A_53 = arith.constant 0 : i32
      %ne3A_54 = arith.cmpi ne, %rem3A, %ne3A_53 : i32
      %and3A = arith.andi %ne3A, %ne3A_54 : i1
      %sub3A = arith.constant 1 : i32
      %sub3A_55 = arith.subi %div3A, %sub3A : i32
      %select_n3A = arith.select %and3A, %sub3A_55, %div3A : i32
      %jit3A_56 = arith.constant 8 : i32
      %eq3A = arith.constant 0 : i32
      %eq3A_57 = arith.cmpi eq, %jit3A_56, %eq3A : i32
      %jit3A_58 = arith.constant 1 : i32
      %select_n3A_59 = arith.select %eq3A_57, %jit3A_58, %jit3A_56 : i32
      %rem3A_60 = arith.remsi %scan3A_39, %select_n3A_59 : i32
      %ne3A_61 = arith.constant 0 : i32
      %ne3A_62 = arith.cmpi ne, %rem3A_60, %ne3A_61 : i32
      %lt3A = arith.constant 0 : i32
      %lt3A_63 = arith.cmpi slt, %rem3A_60, %lt3A : i32
      %lt3A_64 = arith.constant 0 : i32
      %lt3A_65 = arith.cmpi slt, %select_n3A_59, %lt3A_64 : i32
      %ne3A_66 = arith.xori %lt3A_63, %lt3A_65 : i1
      %and3A_67 = arith.andi %ne3A_66, %ne3A_62 : i1
      %add3A_68 = arith.addi %rem3A_60, %select_n3A_59 : i32
      %select_n3A_69 = arith.select %and3A_67, %add3A_68, %rem3A_60 : i32
      %mul3A_70 = arith.constant 16 : i32
      %mul3A_71 = arith.muli %select_n3A_69, %mul3A_70 : i32
      %swap3A = arith.index_cast %select_n3A : i32 to index
      %swap3A_72 = arith.index_cast %mul3A_71 : i32 to index
      %swap3A_73 = tpu.vector_load %arg8[%swap3A, %swap3A_72] {strides = array<i32>} : memref<64x128xf32, #tpu.memory_space<vmem>>, vector<1x16xf32>,
      %swap3A_74 = vector.shape_cast %swap3A_73 : vector<1x16xf32> to vector<16xf32>
      %swap3A_75 = vector.shape_cast %broadcast_in_dim3A_1 : vector<16xf32> to vector<1x16xf32>
      tpu.vector_store %arg8[%swap3A, %swap3A_72], %swap3A_75 {strides = array<i32>} : memref<64x128xf32, #tpu.memory_space<vmem>>, vector<1x16xf32>,
    }
    %scan3A_6 = arith.constant 512 : i32
    %scan3A_7 = arith.constant 0 : i32
    %scan3A_8 = arith.constant 0 : i32
    %scan3A_9 = arith.constant 10 : i32
    %scan3A_10 = arith.addi %scan3A_8, %scan3A_9 : i32
    %scan3A_11 = arith.constant 1 : i32
    scf.for %scan3A_39 = %scan3A_8 to %scan3A_10 step %scan3A_11  : i32 {
      %mul3A_40 = arith.constant 640 : i32
      %mul3A_41 = arith.muli %arg1, %mul3A_40 : i32
      %mul3A_42 = arith.constant 64 : i32
      %mul3A_43 = arith.muli %scan3A_39, %mul3A_42 : i32
      %add3A_44 = arith.addi %mul3A_41, %mul3A_43 : i32
      "tpu.region"() ({
        %run_scoped3A = tpu.sem_alloc : memref<!tpu.dma_semaphore, #tpu.memory_space<semaphore_mem>>
        %dma_start3A_45 = arith.constant 0 : i32
        %dma_start3A_46 = tpu.memref_slice %arg9[%add3A_44, %dma_start3A_45] : memref<10240x128xf32, #tpu.memory_space<vmem_shared>> -> memref<64x128xf32, #tpu.memory_space<vmem_shared>>
        %dma_start3A_47 = arith.constant 0 : i32
        %dma_start3A_48 = tpu.memref_slice %arg9[%add3A_44, %dma_start3A_47] : memref<10240x128xf32, #tpu.memory_space<vmem_shared>> -> memref<64x128xf32, #tpu.memory_space<vmem_shared>>
        tpu.enqueue_dma source(%arg8 : memref<64x128xf32, #tpu.memory_space<vmem>>) target(%dma_start3A_48 : memref<64x128xf32, #tpu.memory_space<vmem_shared>>) target_semaphore(%run_scoped3A : memref<!tpu.dma_semaphore, #tpu.memory_space<semaphore_mem>>)
        %dma_wait3A_49 = arith.constant 0 : i32
        %dma_wait3A_50 = tpu.memref_slice %arg9[%add3A_44, %dma_wait3A_49] : memref<10240x128xf32, #tpu.memory_space<vmem_shared>> -> memref<64x128xf32, #tpu.memory_space<vmem_shared>>
        %dma_wait3A_51 = arith.constant 0 : i32
        %dma_wait3A_52 = tpu.memref_slice %arg9[%add3A_44, %dma_wait3A_51] : memref<10240x128xf32, #tpu.memory_space<vmem_shared>> -> memref<64x128xf32, #tpu.memory_space<vmem_shared>>
        tpu.wait_dma2 semaphore(%run_scoped3A : memref<!tpu.dma_semaphore, #tpu.memory_space<semaphore_mem>>) src(%arg8 : memref<64x128xf32, #tpu.memory_space<vmem>>) dst(%dma_wait3A_52 : memref<64x128xf32, #tpu.memory_space<vmem_shared>>)
        tpu.yield
      }) : () -> ()
    }
    %scan3A_12 = arith.constant 10 : i32
    %barrier3A = arith.constant 0 : index
    tpu.barrier barrier_id(%barrier3A)
    %mul3A_13 = arith.constant 4800 : i32
    %mul3A_14 = arith.muli %add3A, %mul3A_13 : i32
    %add3A_15 = arith.constant 0 : i32
    %add3A_16 = arith.addi %mul3A_14, %add3A_15 : i32
    %dma_start3A = arith.constant 0 : i32
    %dma_start3A_17 = tpu.memref_slice %arg2[%add3A_16, %dma_start3A] : memref<153600x128xf32, #tpu.memory_space<hbm>> -> memref<80x128xf32, #tpu.memory_space<hbm>>
    %dma_start3A_18 = arith.constant 0 : i32
    %dma_start3A_19 = tpu.memref_slice %arg2[%add3A_16, %dma_start3A_18] : memref<153600x128xf32, #tpu.memory_space<hbm>> -> memref<80x128xf32, #tpu.memory_space<hbm>>
    tpu.enqueue_dma source(%dma_start3A_19 : memref<80x128xf32, #tpu.memory_space<hbm>>) target(%arg6 : memref<80x128xf32, #tpu.memory_space<vmem>>) target_semaphore(%arg10 : memref<!tpu.dma_semaphore, #tpu.memory_space<semaphore_mem>>)
    %scan3A_20 = arith.constant 0 : i32
    %scan3A_21 = arith.constant 0 : i32
    %scan3A_22 = arith.constant 30 : i32
    %scan3A_23 = arith.addi %scan3A_21, %scan3A_22 : i32
    %scan3A_24 = arith.constant 1 : i32
    scf.for %scan3A_39 = %scan3A_21 to %scan3A_23 step %scan3A_24  : i32 {
      %mul3A_40 = arith.constant 2 : i32
      %mul3A_41 = arith.muli %scan3A_39, %mul3A_40 : i32
      %ge3A = arith.constant 1 : i32
      %ge3A_42 = arith.cmpi sge, %mul3A_41, %ge3A : i32
      %convert_element_type3A = arith.extui %ge3A_42 : i1 to i32
      %cond3A = arith.constant 0 : i32
      %cond3A_43 = arith.cmpi ne, %convert_element_type3A, %cond3A : i32
      scf.if %cond3A_43 {
        %sub3A = arith.constant 1 : i32
        %sub3A_92 = arith.subi %mul3A_41, %sub3A : i32
        %dma_wait3A_93 = arith.constant 0 : i32
        %dma_wait3A_94 = tpu.memref_slice %arg5[%sub3A_92, %dma_wait3A_93] : memref<60x80xi32, #tpu.memory_space<vmem>> -> memref<1x80xi32, #tpu.memory_space<vmem>>
        %dma_wait3A_95 = tpu.memref_squeeze %dma_wait3A_94 : memref<1x80xi32, #tpu.memory_space<vmem>> -> memref<80xi32, #tpu.memory_space<vmem>>
        %dma_wait3A_96 = arith.constant 0 : i32
        %dma_wait3A_97 = arith.constant 0 : i32
        %dma_wait3A_98 = tpu.memref_slice %arg9[%dma_wait3A_96, %dma_wait3A_97] : memref<10240x128xf32, #tpu.memory_space<vmem_shared>> -> memref<10240x128xf32, #tpu.memory_space<vmem_shared>>
        tpu.wait_indirect_dma semaphore(%arg13 : memref<!tpu.dma_semaphore, #tpu.memory_space<semaphore_mem>>) src(%arg7 : memref<80x128xf32, #tpu.memory_space<vmem>>) dst(%dma_wait3A_98 : memref<10240x128xf32, #tpu.memory_space<vmem_shared>>)
      } else {
      }
      %add3A_44 = arith.constant 1 : i32
      %add3A_45 = arith.addi %mul3A_41, %add3A_44 : i32
      %lt3A = arith.constant 60 : i32
      %lt3A_46 = arith.cmpi slt, %add3A_45, %lt3A : i32
      %convert_element_type3A_47 = arith.extui %lt3A_46 : i1 to i32
      %cond3A_48 = arith.constant 0 : i32
      %cond3A_49 = arith.cmpi ne, %convert_element_type3A_47, %cond3A_48 : i32
      scf.if %cond3A_49 {
        %add3A_92 = arith.constant 1 : i32
        %add3A_93 = arith.addi %mul3A_41, %add3A_92 : i32
        %mul3A_94 = arith.constant 80 : i32
        %mul3A_95 = arith.muli %add3A_93, %mul3A_94 : i32
        %add3A_96 = arith.addi %mul3A_14, %mul3A_95 : i32
        %dma_start3A_97 = arith.constant 0 : i32
        %dma_start3A_98 = tpu.memref_slice %arg2[%add3A_96, %dma_start3A_97] : memref<153600x128xf32, #tpu.memory_space<hbm>> -> memref<80x128xf32, #tpu.memory_space<hbm>>
        %dma_start3A_99 = arith.constant 0 : i32
        %dma_start3A_100 = tpu.memref_slice %arg2[%add3A_96, %dma_start3A_99] : memref<153600x128xf32, #tpu.memory_space<hbm>> -> memref<80x128xf32, #tpu.memory_space<hbm>>
        tpu.enqueue_dma source(%dma_start3A_100 : memref<80x128xf32, #tpu.memory_space<hbm>>) target(%arg7 : memref<80x128xf32, #tpu.memory_space<vmem>>) target_semaphore(%arg11 : memref<!tpu.dma_semaphore, #tpu.memory_space<semaphore_mem>>)
      } else {
      }
      %mul3A_50 = arith.constant 80 : i32
      %mul3A_51 = arith.muli %mul3A_41, %mul3A_50 : i32
      %add3A_52 = arith.addi %mul3A_14, %mul3A_51 : i32
      %dma_wait3A_53 = arith.constant 0 : i32
      %dma_wait3A_54 = tpu.memref_slice %arg2[%add3A_52, %dma_wait3A_53] : memref<153600x128xf32, #tpu.memory_space<hbm>> -> memref<80x128xf32, #tpu.memory_space<hbm>>
      %dma_wait3A_55 = arith.constant 0 : i32
      %dma_wait3A_56 = tpu.memref_slice %arg2[%add3A_52, %dma_wait3A_55] : memref<153600x128xf32, #tpu.memory_space<hbm>> -> memref<80x128xf32, #tpu.memory_space<hbm>>
      tpu.wait_dma2 semaphore(%arg10 : memref<!tpu.dma_semaphore, #tpu.memory_space<semaphore_mem>>) src(%dma_wait3A_56 : memref<80x128xf32, #tpu.memory_space<hbm>>) dst(%arg6 : memref<80x128xf32, #tpu.memory_space<vmem>>)
      %dma_start3A_57 = arith.constant 0 : i32
      %dma_start3A_58 = tpu.memref_slice %arg5[%mul3A_41, %dma_start3A_57] : memref<60x80xi32, #tpu.memory_space<vmem>> -> memref<1x80xi32, #tpu.memory_space<vmem>>
      %dma_start3A_59 = tpu.memref_squeeze %dma_start3A_58 : memref<1x80xi32, #tpu.memory_space<vmem>> -> memref<80xi32, #tpu.memory_space<vmem>>
      %dma_start3A_60 = arith.constant 0 : i32
      %dma_start3A_61 = arith.constant 0 : i32
      %dma_start3A_62 = tpu.memref_slice %arg9[%dma_start3A_60, %dma_start3A_61] : memref<10240x128xf32, #tpu.memory_space<vmem_shared>> -> memref<10240x128xf32, #tpu.memory_space<vmem_shared>>
      tpu.enqueue_indirect_dma source(%arg6 : memref<80x128xf32, #tpu.memory_space<vmem>>) target(%dma_start3A_62 : memref<10240x128xf32, #tpu.memory_space<vmem_shared>>) offsets(%dma_start3A_59 : memref<80xi32, #tpu.memory_space<vmem>>) semaphore(%arg12 : memref<!tpu.dma_semaphore, #tpu.memory_space<semaphore_mem>>) {add = true}
      %mul3A_63 = arith.constant 2 : i32
      %mul3A_64 = arith.muli %scan3A_39, %mul3A_63 : i32
      %add3A_65 = arith.constant 1 : i32
      %add3A_66 = arith.addi %mul3A_64, %add3A_65 : i32
      %ge3A_67 = arith.constant 1 : i32
      %ge3A_68 = arith.cmpi sge, %add3A_66, %ge3A_67 : i32
      %convert_element_type3A_69 = arith.extui %ge3A_68 : i1 to i32
      %cond3A_70 = arith.constant 0 : i32
      %cond3A_71 = arith.cmpi ne, %convert_element_type3A_69, %cond3A_70 : i32
      scf.if %cond3A_71 {
        %sub3A = arith.constant 1 : i32
        %sub3A_92 = arith.subi %add3A_66, %sub3A : i32
        %dma_wait3A_93 = arith.constant 0 : i32
        %dma_wait3A_94 = tpu.memref_slice %arg5[%sub3A_92, %dma_wait3A_93] : memref<60x80xi32, #tpu.memory_space<vmem>> -> memref<1x80xi32, #tpu.memory_space<vmem>>
        %dma_wait3A_95 = tpu.memref_squeeze %dma_wait3A_94 : memref<1x80xi32, #tpu.memory_space<vmem>> -> memref<80xi32, #tpu.memory_space<vmem>>
        %dma_wait3A_96 = arith.constant 0 : i32
        %dma_wait3A_97 = arith.constant 0 : i32
        %dma_wait3A_98 = tpu.memref_slice %arg9[%dma_wait3A_96, %dma_wait3A_97] : memref<10240x128xf32, #tpu.memory_space<vmem_shared>> -> memref<10240x128xf32, #tpu.memory_space<vmem_shared>>
        tpu.wait_indirect_dma semaphore(%arg12 : memref<!tpu.dma_semaphore, #tpu.memory_space<semaphore_mem>>) src(%arg6 : memref<80x128xf32, #tpu.memory_space<vmem>>) dst(%dma_wait3A_98 : memref<10240x128xf32, #tpu.memory_space<vmem_shared>>)
      } else {
      }
      %add3A_72 = arith.constant 1 : i32
      %add3A_73 = arith.addi %add3A_66, %add3A_72 : i32
      %lt3A_74 = arith.constant 60 : i32
      %lt3A_75 = arith.cmpi slt, %add3A_73, %lt3A_74 : i32
      %convert_element_type3A_76 = arith.extui %lt3A_75 : i1 to i32
      %cond3A_77 = arith.constant 0 : i32
      %cond3A_78 = arith.cmpi ne, %convert_element_type3A_76, %cond3A_77 : i32
      scf.if %cond3A_78 {
        %add3A_92 = arith.constant 1 : i32
        %add3A_93 = arith.addi %add3A_66, %add3A_92 : i32
        %mul3A_94 = arith.constant 80 : i32
        %mul3A_95 = arith.muli %add3A_93, %mul3A_94 : i32
        %add3A_96 = arith.addi %mul3A_14, %mul3A_95 : i32
        %dma_start3A_97 = arith.constant 0 : i32
        %dma_start3A_98 = tpu.memref_slice %arg2[%add3A_96, %dma_start3A_97] : memref<153600x128xf32, #tpu.memory_space<hbm>> -> memref<80x128xf32, #tpu.memory_space<hbm>>
        %dma_start3A_99 = arith.constant 0 : i32
        %dma_start3A_100 = tpu.memref_slice %arg2[%add3A_96, %dma_start3A_99] : memref<153600x128xf32, #tpu.memory_space<hbm>> -> memref<80x128xf32, #tpu.memory_space<hbm>>
        tpu.enqueue_dma source(%dma_start3A_100 : memref<80x128xf32, #tpu.memory_space<hbm>>) target(%arg6 : memref<80x128xf32, #tpu.memory_space<vmem>>) target_semaphore(%arg10 : memref<!tpu.dma_semaphore, #tpu.memory_space<semaphore_mem>>)
      } else {
      }
      %mul3A_79 = arith.constant 80 : i32
      %mul3A_80 = arith.muli %add3A_66, %mul3A_79 : i32
      %add3A_81 = arith.addi %mul3A_14, %mul3A_80 : i32
      %dma_wait3A_82 = arith.constant 0 : i32
      %dma_wait3A_83 = tpu.memref_slice %arg2[%add3A_81, %dma_wait3A_82] : memref<153600x128xf32, #tpu.memory_space<hbm>> -> memref<80x128xf32, #tpu.memory_space<hbm>>
      %dma_wait3A_84 = arith.constant 0 : i32
      %dma_wait3A_85 = tpu.memref_slice %arg2[%add3A_81, %dma_wait3A_84] : memref<153600x128xf32, #tpu.memory_space<hbm>> -> memref<80x128xf32, #tpu.memory_space<hbm>>
      tpu.wait_dma2 semaphore(%arg11 : memref<!tpu.dma_semaphore, #tpu.memory_space<semaphore_mem>>) src(%dma_wait3A_85 : memref<80x128xf32, #tpu.memory_space<hbm>>) dst(%arg7 : memref<80x128xf32, #tpu.memory_space<vmem>>)
      %dma_start3A_86 = arith.constant 0 : i32
      %dma_start3A_87 = tpu.memref_slice %arg5[%add3A_66, %dma_start3A_86] : memref<60x80xi32, #tpu.memory_space<vmem>> -> memref<1x80xi32, #tpu.memory_space<vmem>>
      %dma_start3A_88 = tpu.memref_squeeze %dma_start3A_87 : memref<1x80xi32, #tpu.memory_space<vmem>> -> memref<80xi32, #tpu.memory_space<vmem>>
      %dma_start3A_89 = arith.constant 0 : i32
      %dma_start3A_90 = arith.constant 0 : i32
      %dma_start3A_91 = tpu.memref_slice %arg9[%dma_start3A_89, %dma_start3A_90] : memref<10240x128xf32, #tpu.memory_space<vmem_shared>> -> memref<10240x128xf32, #tpu.memory_space<vmem_shared>>
      tpu.enqueue_indirect_dma source(%arg7 : memref<80x128xf32, #tpu.memory_space<vmem>>) target(%dma_start3A_91 : memref<10240x128xf32, #tpu.memory_space<vmem_shared>>) offsets(%dma_start3A_88 : memref<80xi32, #tpu.memory_space<vmem>>) semaphore(%arg13 : memref<!tpu.dma_semaphore, #tpu.memory_space<semaphore_mem>>) {add = true}
    }
    %scan3A_25 = arith.constant 30 : i32
    %dma_wait3A = arith.constant 59 : i32
    %dma_wait3A_26 = arith.constant 0 : i32
    %dma_wait3A_27 = tpu.memref_slice %arg5[%dma_wait3A, %dma_wait3A_26] : memref<60x80xi32, #tpu.memory_space<vmem>> -> memref<1x80xi32, #tpu.memory_space<vmem>>
    %dma_wait3A_28 = tpu.memref_squeeze %dma_wait3A_27 : memref<1x80xi32, #tpu.memory_space<vmem>> -> memref<80xi32, #tpu.memory_space<vmem>>
    %dma_wait3A_29 = arith.constant 0 : i32
    %dma_wait3A_30 = arith.constant 0 : i32
    %dma_wait3A_31 = tpu.memref_slice %arg9[%dma_wait3A_29, %dma_wait3A_30] : memref<10240x128xf32, #tpu.memory_space<vmem_shared>> -> memref<10240x128xf32, #tpu.memory_space<vmem_shared>>
    tpu.wait_indirect_dma semaphore(%arg13 : memref<!tpu.dma_semaphore, #tpu.memory_space<semaphore_mem>>) src(%arg7 : memref<80x128xf32, #tpu.memory_space<vmem>>) dst(%dma_wait3A_31 : memref<10240x128xf32, #tpu.memory_space<vmem_shared>>)
    %barrier3A_32 = arith.constant 0 : index
    tpu.barrier barrier_id(%barrier3A_32)
    %scan3A_33 = arith.constant 0 : i32
    %scan3A_34 = arith.constant 0 : i32
    %scan3A_35 = arith.constant 10 : i32
    %scan3A_36 = arith.addi %scan3A_34, %scan3A_35 : i32
    %scan3A_37 = arith.constant 1 : i32
    scf.for %scan3A_39 = %scan3A_34 to %scan3A_36 step %scan3A_37  : i32 {
      %mul3A_40 = arith.constant 640 : i32
      %mul3A_41 = arith.muli %arg1, %mul3A_40 : i32
      %mul3A_42 = arith.constant 64 : i32
      %mul3A_43 = arith.muli %scan3A_39, %mul3A_42 : i32
      %add3A_44 = arith.addi %mul3A_41, %mul3A_43 : i32
      "tpu.region"() ({
        %run_scoped3A = tpu.sem_alloc : memref<!tpu.dma_semaphore, #tpu.memory_space<semaphore_mem>>
        %dma_start3A_45 = arith.constant 0 : i32
        %dma_start3A_46 = tpu.memref_slice %arg9[%add3A_44, %dma_start3A_45] : memref<10240x128xf32, #tpu.memory_space<vmem_shared>> -> memref<64x128xf32, #tpu.memory_space<vmem_shared>>
        %dma_start3A_47 = arith.constant 0 : i32
        %dma_start3A_48 = tpu.memref_slice %arg9[%add3A_44, %dma_start3A_47] : memref<10240x128xf32, #tpu.memory_space<vmem_shared>> -> memref<64x128xf32, #tpu.memory_space<vmem_shared>>
        tpu.enqueue_dma source(%dma_start3A_48 : memref<64x128xf32, #tpu.memory_space<vmem_shared>>) target(%arg8 : memref<64x128xf32, #tpu.memory_space<vmem>>) target_semaphore(%run_scoped3A : memref<!tpu.dma_semaphore, #tpu.memory_space<semaphore_mem>>)
        %dma_wait3A_49 = arith.constant 0 : i32
        %dma_wait3A_50 = tpu.memref_slice %arg9[%add3A_44, %dma_wait3A_49] : memref<10240x128xf32, #tpu.memory_space<vmem_shared>> -> memref<64x128xf32, #tpu.memory_space<vmem_shared>>
        %dma_wait3A_51 = arith.constant 0 : i32
        %dma_wait3A_52 = tpu.memref_slice %arg9[%add3A_44, %dma_wait3A_51] : memref<10240x128xf32, #tpu.memory_space<vmem_shared>> -> memref<64x128xf32, #tpu.memory_space<vmem_shared>>
        tpu.wait_dma2 semaphore(%run_scoped3A : memref<!tpu.dma_semaphore, #tpu.memory_space<semaphore_mem>>) src(%dma_wait3A_52 : memref<64x128xf32, #tpu.memory_space<vmem_shared>>) dst(%arg8 : memref<64x128xf32, #tpu.memory_space<vmem>>)
        tpu.yield
      }) : () -> ()
      "tpu.region"() ({
        %run_scoped3A = tpu.sem_alloc : memref<!tpu.dma_semaphore, #tpu.memory_space<semaphore_mem>>
        %dma_start3A_45 = arith.constant 0 : i32
        %dma_start3A_46 = tpu.memref_slice %arg4[%arg0, %add3A_44, %dma_start3A_45] : memref<2x10240x128xf32, #tpu.memory_space<hbm>> -> memref<1x64x128xf32, #tpu.memory_space<hbm>>
        %dma_start3A_47 = tpu.memref_squeeze %dma_start3A_46 : memref<1x64x128xf32, #tpu.memory_space<hbm>> -> memref<64x128xf32, #tpu.memory_space<hbm>>
        %dma_start3A_48 = arith.constant 0 : i32
        %dma_start3A_49 = tpu.memref_slice %arg4[%arg0, %add3A_44, %dma_start3A_48] : memref<2x10240x128xf32, #tpu.memory_space<hbm>> -> memref<1x64x128xf32, #tpu.memory_space<hbm>>
        %dma_start3A_50 = tpu.memref_squeeze %dma_start3A_49 : memref<1x64x128xf32, #tpu.memory_space<hbm>> -> memref<64x128xf32, #tpu.memory_space<hbm>>
        tpu.enqueue_dma source(%arg8 : memref<64x128xf32, #tpu.memory_space<vmem>>) target(%dma_start3A_50 : memref<64x128xf32, #tpu.memory_space<hbm>>) target_semaphore(%run_scoped3A : memref<!tpu.dma_semaphore, #tpu.memory_space<semaphore_mem>>)
        %dma_wait3A_51 = arith.constant 0 : i32
        %dma_wait3A_52 = tpu.memref_slice %arg4[%arg0, %add3A_44, %dma_wait3A_51] : memref<2x10240x128xf32, #tpu.memory_space<hbm>> -> memref<1x64x128xf32, #tpu.memory_space<hbm>>
        %dma_wait3A_53 = tpu.memref_squeeze %dma_wait3A_52 : memref<1x64x128xf32, #tpu.memory_space<hbm>> -> memref<64x128xf32, #tpu.memory_space<hbm>>
        %dma_wait3A_54 = arith.constant 0 : i32
        %dma_wait3A_55 = tpu.memref_slice %arg4[%arg0, %add3A_44, %dma_wait3A_54] : memref<2x10240x128xf32, #tpu.memory_space<hbm>> -> memref<1x64x128xf32, #tpu.memory_space<hbm>>
        %dma_wait3A_56 = tpu.memref_squeeze %dma_wait3A_55 : memref<1x64x128xf32, #tpu.memory_space<hbm>> -> memref<64x128xf32, #tpu.memory_space<hbm>>
        tpu.wait_dma2 semaphore(%run_scoped3A : memref<!tpu.dma_semaphore, #tpu.memory_space<semaphore_mem>>) src(%arg8 : memref<64x128xf32, #tpu.memory_space<vmem>>) dst(%dma_wait3A_56 : memref<64x128xf32, #tpu.memory_space<hbm>>)
        tpu.yield
      }) : () -> ()
    }
    %scan3A_38 = arith.constant 10 : i32
    return
  }
}

#map = affine_map<(d0, d1) -> (0, 0)>
#map1 = affine_map<(d0, d1) -> (0)>
module attributes {stable_mosaic.version = 14 : i64} {
  func.func @_sc_gather(%arg0: i32, %arg1: i32, %arg2: memref<10000x128xf32, #tpu.memory_space<hbm>>, %arg3: memref<10000x128xf32, #tpu.memory_space<hbm>>, %arg4: memref<153600xi32, #tpu.memory_space<hbm>>, %arg5: memref<153600xi32, #tpu.memory_space<hbm>>, %arg6: memref<153600x128xf32, #tpu.memory_space<hbm>>, %arg7: memref<4800xi32, #tpu.memory_space<vmem>>, %arg8: memref<4800xi32, #tpu.memory_space<vmem>>, %arg9: memref<200x128xf32, #tpu.memory_space<vmem>>, %arg10: memref<200x128xf32, #tpu.memory_space<vmem>>, %arg11: memref<200x128xf32, #tpu.memory_space<vmem>>, %arg12: memref<200x128xf32, #tpu.memory_space<vmem>>, %arg13: memref<!tpu.dma_semaphore, #tpu.memory_space<semaphore_mem>>, %arg14: memref<!tpu.dma_semaphore, #tpu.memory_space<semaphore_mem>>, %arg15: memref<!tpu.dma_semaphore, #tpu.memory_space<semaphore_mem>>, %arg16: memref<!tpu.dma_semaphore, #tpu.memory_space<semaphore_mem>>, %arg17: memref<!tpu.dma_semaphore, #tpu.memory_space<semaphore_mem>>, %arg18: memref<!tpu.dma_semaphore, #tpu.memory_space<semaphore_mem>>) attributes {dimension_semantics = [#tpu.dimension_semantics<core_parallel>, #tpu.dimension_semantics<subcore_parallel>], iteration_bounds = array<i64: 2, 16>, scalar_prefetch = 0 : i64, scratch_operands = 12 : i64, tpu.core_type = #tpu.core_type<sc_vector_subcore>, window_params = [{transform_indices = #map}, {transform_indices = #map}, {transform_indices = #map1}, {transform_indices = #map1}, {transform_indices = #map}]} {
    %mul3A = arith.constant 2 : i32
    %mul3A_0 = arith.muli %arg1, %mul3A : i32
    %add3A = arith.addi %mul3A_0, %arg0 : i32
    %mul3A_1 = arith.constant 4800 : i32
    %mul3A_2 = arith.muli %add3A, %mul3A_1 : i32
    "tpu.region"() ({
      %run_scoped3A = tpu.sem_alloc : memref<!tpu.dma_semaphore, #tpu.memory_space<semaphore_mem>>
      %dma_start3A_22 = tpu.memref_slice %arg4[%mul3A_2] : memref<153600xi32, #tpu.memory_space<hbm>> -> memref<4800xi32, #tpu.memory_space<hbm>>
      %dma_start3A_23 = tpu.memref_slice %arg4[%mul3A_2] : memref<153600xi32, #tpu.memory_space<hbm>> -> memref<4800xi32, #tpu.memory_space<hbm>>
      tpu.enqueue_dma source(%dma_start3A_23 : memref<4800xi32, #tpu.memory_space<hbm>>) target(%arg7 : memref<4800xi32, #tpu.memory_space<vmem>>) target_semaphore(%run_scoped3A : memref<!tpu.dma_semaphore, #tpu.memory_space<semaphore_mem>>)
      %dma_wait3A_24 = tpu.memref_slice %arg4[%mul3A_2] : memref<153600xi32, #tpu.memory_space<hbm>> -> memref<4800xi32, #tpu.memory_space<hbm>>
      %dma_wait3A_25 = tpu.memref_slice %arg4[%mul3A_2] : memref<153600xi32, #tpu.memory_space<hbm>> -> memref<4800xi32, #tpu.memory_space<hbm>>
      tpu.wait_dma2 semaphore(%run_scoped3A : memref<!tpu.dma_semaphore, #tpu.memory_space<semaphore_mem>>) src(%dma_wait3A_25 : memref<4800xi32, #tpu.memory_space<hbm>>) dst(%arg7 : memref<4800xi32, #tpu.memory_space<vmem>>)
      tpu.yield
    }) : () -> ()
    "tpu.region"() ({
      %run_scoped3A = tpu.sem_alloc : memref<!tpu.dma_semaphore, #tpu.memory_space<semaphore_mem>>
      %dma_start3A_22 = tpu.memref_slice %arg5[%mul3A_2] : memref<153600xi32, #tpu.memory_space<hbm>> -> memref<4800xi32, #tpu.memory_space<hbm>>
      %dma_start3A_23 = tpu.memref_slice %arg5[%mul3A_2] : memref<153600xi32, #tpu.memory_space<hbm>> -> memref<4800xi32, #tpu.memory_space<hbm>>
      tpu.enqueue_dma source(%dma_start3A_23 : memref<4800xi32, #tpu.memory_space<hbm>>) target(%arg8 : memref<4800xi32, #tpu.memory_space<vmem>>) target_semaphore(%run_scoped3A : memref<!tpu.dma_semaphore, #tpu.memory_space<semaphore_mem>>)
      %dma_wait3A_24 = tpu.memref_slice %arg5[%mul3A_2] : memref<153600xi32, #tpu.memory_space<hbm>> -> memref<4800xi32, #tpu.memory_space<hbm>>
      %dma_wait3A_25 = tpu.memref_slice %arg5[%mul3A_2] : memref<153600xi32, #tpu.memory_space<hbm>> -> memref<4800xi32, #tpu.memory_space<hbm>>
      tpu.wait_dma2 semaphore(%run_scoped3A : memref<!tpu.dma_semaphore, #tpu.memory_space<semaphore_mem>>) src(%dma_wait3A_25 : memref<4800xi32, #tpu.memory_space<hbm>>) dst(%arg8 : memref<4800xi32, #tpu.memory_space<vmem>>)
      tpu.yield
    }) : () -> ()
    %dma_start3A = arith.constant 0 : i32
    %dma_start3A_3 = tpu.memref_slice %arg7[%dma_start3A] : memref<4800xi32, #tpu.memory_space<vmem>> -> memref<200xi32, #tpu.memory_space<vmem>>
    %dma_start3A_4 = arith.constant 0 : i32
    %dma_start3A_5 = arith.constant 0 : i32
    %dma_start3A_6 = tpu.memref_slice %arg2[%dma_start3A_4, %dma_start3A_5] : memref<10000x128xf32, #tpu.memory_space<hbm>> -> memref<10000x128xf32, #tpu.memory_space<hbm>>
    tpu.enqueue_indirect_dma source(%dma_start3A_6 : memref<10000x128xf32, #tpu.memory_space<hbm>>) target(%arg9 : memref<200x128xf32, #tpu.memory_space<vmem>>) offsets(%dma_start3A_3 : memref<200xi32, #tpu.memory_space<vmem>>) semaphore(%arg13 : memref<!tpu.dma_semaphore, #tpu.memory_space<semaphore_mem>>)
    %dma_start3A_7 = arith.constant 0 : i32
    %dma_start3A_8 = tpu.memref_slice %arg8[%dma_start3A_7] : memref<4800xi32, #tpu.memory_space<vmem>> -> memref<200xi32, #tpu.memory_space<vmem>>
    %dma_start3A_9 = arith.constant 0 : i32
    %dma_start3A_10 = arith.constant 0 : i32
    %dma_start3A_11 = tpu.memref_slice %arg3[%dma_start3A_9, %dma_start3A_10] : memref<10000x128xf32, #tpu.memory_space<hbm>> -> memref<10000x128xf32, #tpu.memory_space<hbm>>
    tpu.enqueue_indirect_dma source(%dma_start3A_11 : memref<10000x128xf32, #tpu.memory_space<hbm>>) target(%arg11 : memref<200x128xf32, #tpu.memory_space<vmem>>) offsets(%dma_start3A_8 : memref<200xi32, #tpu.memory_space<vmem>>) semaphore(%arg15 : memref<!tpu.dma_semaphore, #tpu.memory_space<semaphore_mem>>)
    %scan3A = arith.constant 0 : i32
    %scan3A_12 = arith.constant 0 : i32
    %scan3A_13 = arith.constant 12 : i32
    %scan3A_14 = arith.addi %scan3A_12, %scan3A_13 : i32
    %scan3A_15 = arith.constant 1 : i32
    scf.for %scan3A_22 = %scan3A_12 to %scan3A_14 step %scan3A_15  : i32 {
      %mul3A_23 = arith.constant 2 : i32
      %mul3A_24 = arith.muli %scan3A_22, %mul3A_23 : i32
      %ge3A = arith.constant 1 : i32
      %ge3A_25 = arith.cmpi sge, %mul3A_24, %ge3A : i32
      %convert_element_type3A = arith.extui %ge3A_25 : i1 to i32
      %cond3A = arith.constant 0 : i32
      %cond3A_26 = arith.cmpi ne, %convert_element_type3A, %cond3A : i32
      scf.if %cond3A_26 {
        %sub3A = arith.constant 1 : i32
        %sub3A_99 = arith.subi %mul3A_24, %sub3A : i32
        %mul3A_100 = arith.constant 200 : i32
        %mul3A_101 = arith.muli %sub3A_99, %mul3A_100 : i32
        %add3A_102 = arith.addi %mul3A_2, %mul3A_101 : i32
        %dma_wait3A_103 = arith.constant 0 : i32
        %dma_wait3A_104 = tpu.memref_slice %arg6[%add3A_102, %dma_wait3A_103] : memref<153600x128xf32, #tpu.memory_space<hbm>> -> memref<200x128xf32, #tpu.memory_space<hbm>>
        %dma_wait3A_105 = arith.constant 0 : i32
        %dma_wait3A_106 = tpu.memref_slice %arg6[%add3A_102, %dma_wait3A_105] : memref<153600x128xf32, #tpu.memory_space<hbm>> -> memref<200x128xf32, #tpu.memory_space<hbm>>
        tpu.wait_dma2 semaphore(%arg18 : memref<!tpu.dma_semaphore, #tpu.memory_space<semaphore_mem>>) src(%arg10 : memref<200x128xf32, #tpu.memory_space<vmem>>) dst(%dma_wait3A_106 : memref<200x128xf32, #tpu.memory_space<hbm>>)
      } else {
      }
      %add3A_27 = arith.constant 1 : i32
      %add3A_28 = arith.addi %mul3A_24, %add3A_27 : i32
      %lt3A = arith.constant 24 : i32
      %lt3A_29 = arith.cmpi slt, %add3A_28, %lt3A : i32
      %convert_element_type3A_30 = arith.extui %lt3A_29 : i1 to i32
      %cond3A_31 = arith.constant 0 : i32
      %cond3A_32 = arith.cmpi ne, %convert_element_type3A_30, %cond3A_31 : i32
      scf.if %cond3A_32 {
        %add3A_99 = arith.constant 1 : i32
        %add3A_100 = arith.addi %mul3A_24, %add3A_99 : i32
        %mul3A_101 = arith.constant 200 : i32
        %mul3A_102 = arith.muli %add3A_100, %mul3A_101 : i32
        %mul3A_103 = arith.constant 200 : i32
        %mul3A_104 = arith.muli %add3A_100, %mul3A_103 : i32
        %dma_start3A_105 = tpu.memref_slice %arg7[%mul3A_102] : memref<4800xi32, #tpu.memory_space<vmem>> -> memref<200xi32, #tpu.memory_space<vmem>>
        %dma_start3A_106 = arith.constant 0 : i32
        %dma_start3A_107 = arith.constant 0 : i32
        %dma_start3A_108 = tpu.memref_slice %arg2[%dma_start3A_106, %dma_start3A_107] : memref<10000x128xf32, #tpu.memory_space<hbm>> -> memref<10000x128xf32, #tpu.memory_space<hbm>>
        tpu.enqueue_indirect_dma source(%dma_start3A_108 : memref<10000x128xf32, #tpu.memory_space<hbm>>) target(%arg10 : memref<200x128xf32, #tpu.memory_space<vmem>>) offsets(%dma_start3A_105 : memref<200xi32, #tpu.memory_space<vmem>>) semaphore(%arg14 : memref<!tpu.dma_semaphore, #tpu.memory_space<semaphore_mem>>)
        %dma_start3A_109 = tpu.memref_slice %arg8[%mul3A_104] : memref<4800xi32, #tpu.memory_space<vmem>> -> memref<200xi32, #tpu.memory_space<vmem>>
        %dma_start3A_110 = arith.constant 0 : i32
        %dma_start3A_111 = arith.constant 0 : i32
        %dma_start3A_112 = tpu.memref_slice %arg3[%dma_start3A_110, %dma_start3A_111] : memref<10000x128xf32, #tpu.memory_space<hbm>> -> memref<10000x128xf32, #tpu.memory_space<hbm>>
        tpu.enqueue_indirect_dma source(%dma_start3A_112 : memref<10000x128xf32, #tpu.memory_space<hbm>>) target(%arg12 : memref<200x128xf32, #tpu.memory_space<vmem>>) offsets(%dma_start3A_109 : memref<200xi32, #tpu.memory_space<vmem>>) semaphore(%arg16 : memref<!tpu.dma_semaphore, #tpu.memory_space<semaphore_mem>>)
      } else {
      }
      %mul3A_33 = arith.constant 200 : i32
      %mul3A_34 = arith.muli %mul3A_24, %mul3A_33 : i32
      %mul3A_35 = arith.constant 200 : i32
      %mul3A_36 = arith.muli %mul3A_24, %mul3A_35 : i32
      %dma_wait3A_37 = tpu.memref_slice %arg7[%mul3A_34] : memref<4800xi32, #tpu.memory_space<vmem>> -> memref<200xi32, #tpu.memory_space<vmem>>
      %dma_wait3A_38 = arith.constant 0 : i32
      %dma_wait3A_39 = arith.constant 0 : i32
      %dma_wait3A_40 = tpu.memref_slice %arg2[%dma_wait3A_38, %dma_wait3A_39] : memref<10000x128xf32, #tpu.memory_space<hbm>> -> memref<10000x128xf32, #tpu.memory_space<hbm>>
      tpu.wait_indirect_dma semaphore(%arg13 : memref<!tpu.dma_semaphore, #tpu.memory_space<semaphore_mem>>) src(%dma_wait3A_40 : memref<10000x128xf32, #tpu.memory_space<hbm>>) dst(%arg9 : memref<200x128xf32, #tpu.memory_space<vmem>>)
      %dma_wait3A_41 = tpu.memref_slice %arg8[%mul3A_36] : memref<4800xi32, #tpu.memory_space<vmem>> -> memref<200xi32, #tpu.memory_space<vmem>>
      %dma_wait3A_42 = arith.constant 0 : i32
      %dma_wait3A_43 = arith.constant 0 : i32
      %dma_wait3A_44 = tpu.memref_slice %arg3[%dma_wait3A_42, %dma_wait3A_43] : memref<10000x128xf32, #tpu.memory_space<hbm>> -> memref<10000x128xf32, #tpu.memory_space<hbm>>
      tpu.wait_indirect_dma semaphore(%arg15 : memref<!tpu.dma_semaphore, #tpu.memory_space<semaphore_mem>>) src(%dma_wait3A_44 : memref<10000x128xf32, #tpu.memory_space<hbm>>) dst(%arg11 : memref<200x128xf32, #tpu.memory_space<vmem>>)
      %scan3A_45 = arith.constant 0 : i32
      %scan3A_46 = arith.constant 0 : i32
      %scan3A_47 = arith.constant 200 : i32
      %scan3A_48 = arith.addi %scan3A_46, %scan3A_47 : i32
      %scan3A_49 = arith.constant 1 : i32
      scf.for %scan3A_99 = %scan3A_46 to %scan3A_48 step %scan3A_49  : i32 {
        %get3A = arith.index_cast %scan3A_99 : i32 to index
        %get3A_100 = arith.constant 0 : index
        %get3A_101 = tpu.vector_load %arg9[%get3A, %get3A_100] {strides = array<i32>} : memref<200x128xf32, #tpu.memory_space<vmem>>, vector<1x16xf32>,
        %get3A_102 = vector.shape_cast %get3A_101 : vector<1x16xf32> to vector<16xf32>
        %get3A_103 = arith.index_cast %scan3A_99 : i32 to index
        %get3A_104 = arith.constant 0 : index
        %get3A_105 = tpu.vector_load %arg11[%get3A_103, %get3A_104] {strides = array<i32>} : memref<200x128xf32, #tpu.memory_space<vmem>>, vector<1x16xf32>,
        %get3A_106 = vector.shape_cast %get3A_105 : vector<1x16xf32> to vector<16xf32>
        %add3A_107 = arith.addf %get3A_102, %get3A_106 : vector<16xf32>
        %swap3A = arith.index_cast %scan3A_99 : i32 to index
        %swap3A_108 = arith.constant 0 : index
        %swap3A_109 = tpu.vector_load %arg9[%swap3A, %swap3A_108] {strides = array<i32>} : memref<200x128xf32, #tpu.memory_space<vmem>>, vector<1x16xf32>,
        %swap3A_110 = vector.shape_cast %swap3A_109 : vector<1x16xf32> to vector<16xf32>
        %swap3A_111 = vector.shape_cast %add3A_107 : vector<16xf32> to vector<1x16xf32>
        tpu.vector_store %arg9[%swap3A, %swap3A_108], %swap3A_111 {strides = array<i32>} : memref<200x128xf32, #tpu.memory_space<vmem>>, vector<1x16xf32>,
        %get3A_112 = arith.index_cast %scan3A_99 : i32 to index
        %get3A_113 = arith.constant 16 : index
        %get3A_114 = tpu.vector_load %arg9[%get3A_112, %get3A_113] {strides = array<i32>} : memref<200x128xf32, #tpu.memory_space<vmem>>, vector<1x16xf32>,
        %get3A_115 = vector.shape_cast %get3A_114 : vector<1x16xf32> to vector<16xf32>
        %get3A_116 = arith.index_cast %scan3A_99 : i32 to index
        %get3A_117 = arith.constant 16 : index
        %get3A_118 = tpu.vector_load %arg11[%get3A_116, %get3A_117] {strides = array<i32>} : memref<200x128xf32, #tpu.memory_space<vmem>>, vector<1x16xf32>,
        %get3A_119 = vector.shape_cast %get3A_118 : vector<1x16xf32> to vector<16xf32>
        %add3A_120 = arith.addf %get3A_115, %get3A_119 : vector<16xf32>
        %swap3A_121 = arith.index_cast %scan3A_99 : i32 to index
        %swap3A_122 = arith.constant 16 : index
        %swap3A_123 = tpu.vector_load %arg9[%swap3A_121, %swap3A_122] {strides = array<i32>} : memref<200x128xf32, #tpu.memory_space<vmem>>, vector<1x16xf32>,
        %swap3A_124 = vector.shape_cast %swap3A_123 : vector<1x16xf32> to vector<16xf32>
        %swap3A_125 = vector.shape_cast %add3A_120 : vector<16xf32> to vector<1x16xf32>
        tpu.vector_store %arg9[%swap3A_121, %swap3A_122], %swap3A_125 {strides = array<i32>} : memref<200x128xf32, #tpu.memory_space<vmem>>, vector<1x16xf32>,
        %get3A_126 = arith.index_cast %scan3A_99 : i32 to index
        %get3A_127 = arith.constant 32 : index
        %get3A_128 = tpu.vector_load %arg9[%get3A_126, %get3A_127] {strides = array<i32>} : memref<200x128xf32, #tpu.memory_space<vmem>>, vector<1x16xf32>,
        %get3A_129 = vector.shape_cast %get3A_128 : vector<1x16xf32> to vector<16xf32>
        %get3A_130 = arith.index_cast %scan3A_99 : i32 to index
        %get3A_131 = arith.constant 32 : index
        %get3A_132 = tpu.vector_load %arg11[%get3A_130, %get3A_131] {strides = array<i32>} : memref<200x128xf32, #tpu.memory_space<vmem>>, vector<1x16xf32>,
        %get3A_133 = vector.shape_cast %get3A_132 : vector<1x16xf32> to vector<16xf32>
        %add3A_134 = arith.addf %get3A_129, %get3A_133 : vector<16xf32>
        %swap3A_135 = arith.index_cast %scan3A_99 : i32 to index
        %swap3A_136 = arith.constant 32 : index
        %swap3A_137 = tpu.vector_load %arg9[%swap3A_135, %swap3A_136] {strides = array<i32>} : memref<200x128xf32, #tpu.memory_space<vmem>>, vector<1x16xf32>,
        %swap3A_138 = vector.shape_cast %swap3A_137 : vector<1x16xf32> to vector<16xf32>
        %swap3A_139 = vector.shape_cast %add3A_134 : vector<16xf32> to vector<1x16xf32>
        tpu.vector_store %arg9[%swap3A_135, %swap3A_136], %swap3A_139 {strides = array<i32>} : memref<200x128xf32, #tpu.memory_space<vmem>>, vector<1x16xf32>,
        %get3A_140 = arith.index_cast %scan3A_99 : i32 to index
        %get3A_141 = arith.constant 48 : index
        %get3A_142 = tpu.vector_load %arg9[%get3A_140, %get3A_141] {strides = array<i32>} : memref<200x128xf32, #tpu.memory_space<vmem>>, vector<1x16xf32>,
        %get3A_143 = vector.shape_cast %get3A_142 : vector<1x16xf32> to vector<16xf32>
        %get3A_144 = arith.index_cast %scan3A_99 : i32 to index
        %get3A_145 = arith.constant 48 : index
        %get3A_146 = tpu.vector_load %arg11[%get3A_144, %get3A_145] {strides = array<i32>} : memref<200x128xf32, #tpu.memory_space<vmem>>, vector<1x16xf32>,
        %get3A_147 = vector.shape_cast %get3A_146 : vector<1x16xf32> to vector<16xf32>
        %add3A_148 = arith.addf %get3A_143, %get3A_147 : vector<16xf32>
        %swap3A_149 = arith.index_cast %scan3A_99 : i32 to index
        %swap3A_150 = arith.constant 48 : index
        %swap3A_151 = tpu.vector_load %arg9[%swap3A_149, %swap3A_150] {strides = array<i32>} : memref<200x128xf32, #tpu.memory_space<vmem>>, vector<1x16xf32>,
        %swap3A_152 = vector.shape_cast %swap3A_151 : vector<1x16xf32> to vector<16xf32>
        %swap3A_153 = vector.shape_cast %add3A_148 : vector<16xf32> to vector<1x16xf32>
        tpu.vector_store %arg9[%swap3A_149, %swap3A_150], %swap3A_153 {strides = array<i32>} : memref<200x128xf32, #tpu.memory_space<vmem>>, vector<1x16xf32>,
        %get3A_154 = arith.index_cast %scan3A_99 : i32 to index
        %get3A_155 = arith.constant 64 : index
        %get3A_156 = tpu.vector_load %arg9[%get3A_154, %get3A_155] {strides = array<i32>} : memref<200x128xf32, #tpu.memory_space<vmem>>, vector<1x16xf32>,
        %get3A_157 = vector.shape_cast %get3A_156 : vector<1x16xf32> to vector<16xf32>
        %get3A_158 = arith.index_cast %scan3A_99 : i32 to index
        %get3A_159 = arith.constant 64 : index
        %get3A_160 = tpu.vector_load %arg11[%get3A_158, %get3A_159] {strides = array<i32>} : memref<200x128xf32, #tpu.memory_space<vmem>>, vector<1x16xf32>,
        %get3A_161 = vector.shape_cast %get3A_160 : vector<1x16xf32> to vector<16xf32>
        %add3A_162 = arith.addf %get3A_157, %get3A_161 : vector<16xf32>
        %swap3A_163 = arith.index_cast %scan3A_99 : i32 to index
        %swap3A_164 = arith.constant 64 : index
        %swap3A_165 = tpu.vector_load %arg9[%swap3A_163, %swap3A_164] {strides = array<i32>} : memref<200x128xf32, #tpu.memory_space<vmem>>, vector<1x16xf32>,
        %swap3A_166 = vector.shape_cast %swap3A_165 : vector<1x16xf32> to vector<16xf32>
        %swap3A_167 = vector.shape_cast %add3A_162 : vector<16xf32> to vector<1x16xf32>
        tpu.vector_store %arg9[%swap3A_163, %swap3A_164], %swap3A_167 {strides = array<i32>} : memref<200x128xf32, #tpu.memory_space<vmem>>, vector<1x16xf32>,
        %get3A_168 = arith.index_cast %scan3A_99 : i32 to index
        %get3A_169 = arith.constant 80 : index
        %get3A_170 = tpu.vector_load %arg9[%get3A_168, %get3A_169] {strides = array<i32>} : memref<200x128xf32, #tpu.memory_space<vmem>>, vector<1x16xf32>,
        %get3A_171 = vector.shape_cast %get3A_170 : vector<1x16xf32> to vector<16xf32>
        %get3A_172 = arith.index_cast %scan3A_99 : i32 to index
        %get3A_173 = arith.constant 80 : index
        %get3A_174 = tpu.vector_load %arg11[%get3A_172, %get3A_173] {strides = array<i32>} : memref<200x128xf32, #tpu.memory_space<vmem>>, vector<1x16xf32>,
        %get3A_175 = vector.shape_cast %get3A_174 : vector<1x16xf32> to vector<16xf32>
        %add3A_176 = arith.addf %get3A_171, %get3A_175 : vector<16xf32>
        %swap3A_177 = arith.index_cast %scan3A_99 : i32 to index
        %swap3A_178 = arith.constant 80 : index
        %swap3A_179 = tpu.vector_load %arg9[%swap3A_177, %swap3A_178] {strides = array<i32>} : memref<200x128xf32, #tpu.memory_space<vmem>>, vector<1x16xf32>,
        %swap3A_180 = vector.shape_cast %swap3A_179 : vector<1x16xf32> to vector<16xf32>
        %swap3A_181 = vector.shape_cast %add3A_176 : vector<16xf32> to vector<1x16xf32>
        tpu.vector_store %arg9[%swap3A_177, %swap3A_178], %swap3A_181 {strides = array<i32>} : memref<200x128xf32, #tpu.memory_space<vmem>>, vector<1x16xf32>,
        %get3A_182 = arith.index_cast %scan3A_99 : i32 to index
        %get3A_183 = arith.constant 96 : index
        %get3A_184 = tpu.vector_load %arg9[%get3A_182, %get3A_183] {strides = array<i32>} : memref<200x128xf32, #tpu.memory_space<vmem>>, vector<1x16xf32>,
        %get3A_185 = vector.shape_cast %get3A_184 : vector<1x16xf32> to vector<16xf32>
        %get3A_186 = arith.index_cast %scan3A_99 : i32 to index
        %get3A_187 = arith.constant 96 : index
        %get3A_188 = tpu.vector_load %arg11[%get3A_186, %get3A_187] {strides = array<i32>} : memref<200x128xf32, #tpu.memory_space<vmem>>, vector<1x16xf32>,
        %get3A_189 = vector.shape_cast %get3A_188 : vector<1x16xf32> to vector<16xf32>
        %add3A_190 = arith.addf %get3A_185, %get3A_189 : vector<16xf32>
        %swap3A_191 = arith.index_cast %scan3A_99 : i32 to index
        %swap3A_192 = arith.constant 96 : index
        %swap3A_193 = tpu.vector_load %arg9[%swap3A_191, %swap3A_192] {strides = array<i32>} : memref<200x128xf32, #tpu.memory_space<vmem>>, vector<1x16xf32>,
        %swap3A_194 = vector.shape_cast %swap3A_193 : vector<1x16xf32> to vector<16xf32>
        %swap3A_195 = vector.shape_cast %add3A_190 : vector<16xf32> to vector<1x16xf32>
        tpu.vector_store %arg9[%swap3A_191, %swap3A_192], %swap3A_195 {strides = array<i32>} : memref<200x128xf32, #tpu.memory_space<vmem>>, vector<1x16xf32>,
        %get3A_196 = arith.index_cast %scan3A_99 : i32 to index
        %get3A_197 = arith.constant 112 : index
        %get3A_198 = tpu.vector_load %arg9[%get3A_196, %get3A_197] {strides = array<i32>} : memref<200x128xf32, #tpu.memory_space<vmem>>, vector<1x16xf32>,
        %get3A_199 = vector.shape_cast %get3A_198 : vector<1x16xf32> to vector<16xf32>
        %get3A_200 = arith.index_cast %scan3A_99 : i32 to index
        %get3A_201 = arith.constant 112 : index
        %get3A_202 = tpu.vector_load %arg11[%get3A_200, %get3A_201] {strides = array<i32>} : memref<200x128xf32, #tpu.memory_space<vmem>>, vector<1x16xf32>,
        %get3A_203 = vector.shape_cast %get3A_202 : vector<1x16xf32> to vector<16xf32>
        %add3A_204 = arith.addf %get3A_199, %get3A_203 : vector<16xf32>
        %swap3A_205 = arith.index_cast %scan3A_99 : i32 to index
        %swap3A_206 = arith.constant 112 : index
        %swap3A_207 = tpu.vector_load %arg9[%swap3A_205, %swap3A_206] {strides = array<i32>} : memref<200x128xf32, #tpu.memory_space<vmem>>, vector<1x16xf32>,
        %swap3A_208 = vector.shape_cast %swap3A_207 : vector<1x16xf32> to vector<16xf32>
        %swap3A_209 = vector.shape_cast %add3A_204 : vector<16xf32> to vector<1x16xf32>
        tpu.vector_store %arg9[%swap3A_205, %swap3A_206], %swap3A_209 {strides = array<i32>} : memref<200x128xf32, #tpu.memory_space<vmem>>, vector<1x16xf32>,
      }
      %scan3A_50 = arith.constant 200 : i32
      %mul3A_51 = arith.constant 200 : i32
      %mul3A_52 = arith.muli %mul3A_24, %mul3A_51 : i32
      %add3A_53 = arith.addi %mul3A_2, %mul3A_52 : i32
      %dma_start3A_54 = arith.constant 0 : i32
      %dma_start3A_55 = tpu.memref_slice %arg6[%add3A_53, %dma_start3A_54] : memref<153600x128xf32, #tpu.memory_space<hbm>> -> memref<200x128xf32, #tpu.memory_space<hbm>>
      %dma_start3A_56 = arith.constant 0 : i32
      %dma_start3A_57 = tpu.memref_slice %arg6[%add3A_53, %dma_start3A_56] : memref<153600x128xf32, #tpu.memory_space<hbm>> -> memref<200x128xf32, #tpu.memory_space<hbm>>
      tpu.enqueue_dma source(%arg9 : memref<200x128xf32, #tpu.memory_space<vmem>>) target(%dma_start3A_57 : memref<200x128xf32, #tpu.memory_space<hbm>>) target_semaphore(%arg17 : memref<!tpu.dma_semaphore, #tpu.memory_space<semaphore_mem>>)
      %mul3A_58 = arith.constant 2 : i32
      %mul3A_59 = arith.muli %scan3A_22, %mul3A_58 : i32
      %add3A_60 = arith.constant 1 : i32
      %add3A_61 = arith.addi %mul3A_59, %add3A_60 : i32
      %ge3A_62 = arith.constant 1 : i32
      %ge3A_63 = arith.cmpi sge, %add3A_61, %ge3A_62 : i32
      %convert_element_type3A_64 = arith.extui %ge3A_63 : i1 to i32
      %cond3A_65 = arith.constant 0 : i32
      %cond3A_66 = arith.cmpi ne, %convert_element_type3A_64, %cond3A_65 : i32
      scf.if %cond3A_66 {
        %sub3A = arith.constant 1 : i32
        %sub3A_99 = arith.subi %add3A_61, %sub3A : i32
        %mul3A_100 = arith.constant 200 : i32
        %mul3A_101 = arith.muli %sub3A_99, %mul3A_100 : i32
        %add3A_102 = arith.addi %mul3A_2, %mul3A_101 : i32
        %dma_wait3A_103 = arith.constant 0 : i32
        %dma_wait3A_104 = tpu.memref_slice %arg6[%add3A_102, %dma_wait3A_103] : memref<153600x128xf32, #tpu.memory_space<hbm>> -> memref<200x128xf32, #tpu.memory_space<hbm>>
        %dma_wait3A_105 = arith.constant 0 : i32
        %dma_wait3A_106 = tpu.memref_slice %arg6[%add3A_102, %dma_wait3A_105] : memref<153600x128xf32, #tpu.memory_space<hbm>> -> memref<200x128xf32, #tpu.memory_space<hbm>>
        tpu.wait_dma2 semaphore(%arg17 : memref<!tpu.dma_semaphore, #tpu.memory_space<semaphore_mem>>) src(%arg9 : memref<200x128xf32, #tpu.memory_space<vmem>>) dst(%dma_wait3A_106 : memref<200x128xf32, #tpu.memory_space<hbm>>)
      } else {
      }
      %add3A_67 = arith.constant 1 : i32
      %add3A_68 = arith.addi %add3A_61, %add3A_67 : i32
      %lt3A_69 = arith.constant 24 : i32
      %lt3A_70 = arith.cmpi slt, %add3A_68, %lt3A_69 : i32
      %convert_element_type3A_71 = arith.extui %lt3A_70 : i1 to i32
      %cond3A_72 = arith.constant 0 : i32
      %cond3A_73 = arith.cmpi ne, %convert_element_type3A_71, %cond3A_72 : i32
      scf.if %cond3A_73 {
        %add3A_99 = arith.constant 1 : i32
        %add3A_100 = arith.addi %add3A_61, %add3A_99 : i32
        %mul3A_101 = arith.constant 200 : i32
        %mul3A_102 = arith.muli %add3A_100, %mul3A_101 : i32
        %mul3A_103 = arith.constant 200 : i32
        %mul3A_104 = arith.muli %add3A_100, %mul3A_103 : i32
        %dma_start3A_105 = tpu.memref_slice %arg7[%mul3A_102] : memref<4800xi32, #tpu.memory_space<vmem>> -> memref<200xi32, #tpu.memory_space<vmem>>
        %dma_start3A_106 = arith.constant 0 : i32
        %dma_start3A_107 = arith.constant 0 : i32
        %dma_start3A_108 = tpu.memref_slice %arg2[%dma_start3A_106, %dma_start3A_107] : memref<10000x128xf32, #tpu.memory_space<hbm>> -> memref<10000x128xf32, #tpu.memory_space<hbm>>
        tpu.enqueue_indirect_dma source(%dma_start3A_108 : memref<10000x128xf32, #tpu.memory_space<hbm>>) target(%arg9 : memref<200x128xf32, #tpu.memory_space<vmem>>) offsets(%dma_start3A_105 : memref<200xi32, #tpu.memory_space<vmem>>) semaphore(%arg13 : memref<!tpu.dma_semaphore, #tpu.memory_space<semaphore_mem>>)
        %dma_start3A_109 = tpu.memref_slice %arg8[%mul3A_104] : memref<4800xi32, #tpu.memory_space<vmem>> -> memref<200xi32, #tpu.memory_space<vmem>>
        %dma_start3A_110 = arith.constant 0 : i32
        %dma_start3A_111 = arith.constant 0 : i32
        %dma_start3A_112 = tpu.memref_slice %arg3[%dma_start3A_110, %dma_start3A_111] : memref<10000x128xf32, #tpu.memory_space<hbm>> -> memref<10000x128xf32, #tpu.memory_space<hbm>>
        tpu.enqueue_indirect_dma source(%dma_start3A_112 : memref<10000x128xf32, #tpu.memory_space<hbm>>) target(%arg11 : memref<200x128xf32, #tpu.memory_space<vmem>>) offsets(%dma_start3A_109 : memref<200xi32, #tpu.memory_space<vmem>>) semaphore(%arg15 : memref<!tpu.dma_semaphore, #tpu.memory_space<semaphore_mem>>)
      } else {
      }
      %mul3A_74 = arith.constant 200 : i32
      %mul3A_75 = arith.muli %add3A_61, %mul3A_74 : i32
      %mul3A_76 = arith.constant 200 : i32
      %mul3A_77 = arith.muli %add3A_61, %mul3A_76 : i32
      %dma_wait3A_78 = tpu.memref_slice %arg7[%mul3A_75] : memref<4800xi32, #tpu.memory_space<vmem>> -> memref<200xi32, #tpu.memory_space<vmem>>
      %dma_wait3A_79 = arith.constant 0 : i32
      %dma_wait3A_80 = arith.constant 0 : i32
      %dma_wait3A_81 = tpu.memref_slice %arg2[%dma_wait3A_79, %dma_wait3A_80] : memref<10000x128xf32, #tpu.memory_space<hbm>> -> memref<10000x128xf32, #tpu.memory_space<hbm>>
      tpu.wait_indirect_dma semaphore(%arg14 : memref<!tpu.dma_semaphore, #tpu.memory_space<semaphore_mem>>) src(%dma_wait3A_81 : memref<10000x128xf32, #tpu.memory_space<hbm>>) dst(%arg10 : memref<200x128xf32, #tpu.memory_space<vmem>>)
      %dma_wait3A_82 = tpu.memref_slice %arg8[%mul3A_77] : memref<4800xi32, #tpu.memory_space<vmem>> -> memref<200xi32, #tpu.memory_space<vmem>>
      %dma_wait3A_83 = arith.constant 0 : i32
      %dma_wait3A_84 = arith.constant 0 : i32
      %dma_wait3A_85 = tpu.memref_slice %arg3[%dma_wait3A_83, %dma_wait3A_84] : memref<10000x128xf32, #tpu.memory_space<hbm>> -> memref<10000x128xf32, #tpu.memory_space<hbm>>
      tpu.wait_indirect_dma semaphore(%arg16 : memref<!tpu.dma_semaphore, #tpu.memory_space<semaphore_mem>>) src(%dma_wait3A_85 : memref<10000x128xf32, #tpu.memory_space<hbm>>) dst(%arg12 : memref<200x128xf32, #tpu.memory_space<vmem>>)
      %scan3A_86 = arith.constant 0 : i32
      %scan3A_87 = arith.constant 0 : i32
      %scan3A_88 = arith.constant 200 : i32
      %scan3A_89 = arith.addi %scan3A_87, %scan3A_88 : i32
      %scan3A_90 = arith.constant 1 : i32
      scf.for %scan3A_99 = %scan3A_87 to %scan3A_89 step %scan3A_90  : i32 {
        %get3A = arith.index_cast %scan3A_99 : i32 to index
        %get3A_100 = arith.constant 0 : index
        %get3A_101 = tpu.vector_load %arg10[%get3A, %get3A_100] {strides = array<i32>} : memref<200x128xf32, #tpu.memory_space<vmem>>, vector<1x16xf32>,
        %get3A_102 = vector.shape_cast %get3A_101 : vector<1x16xf32> to vector<16xf32>
        %get3A_103 = arith.index_cast %scan3A_99 : i32 to index
        %get3A_104 = arith.constant 0 : index
        %get3A_105 = tpu.vector_load %arg12[%get3A_103, %get3A_104] {strides = array<i32>} : memref<200x128xf32, #tpu.memory_space<vmem>>, vector<1x16xf32>,
        %get3A_106 = vector.shape_cast %get3A_105 : vector<1x16xf32> to vector<16xf32>
        %add3A_107 = arith.addf %get3A_102, %get3A_106 : vector<16xf32>
        %swap3A = arith.index_cast %scan3A_99 : i32 to index
        %swap3A_108 = arith.constant 0 : index
        %swap3A_109 = tpu.vector_load %arg10[%swap3A, %swap3A_108] {strides = array<i32>} : memref<200x128xf32, #tpu.memory_space<vmem>>, vector<1x16xf32>,
        %swap3A_110 = vector.shape_cast %swap3A_109 : vector<1x16xf32> to vector<16xf32>
        %swap3A_111 = vector.shape_cast %add3A_107 : vector<16xf32> to vector<1x16xf32>
        tpu.vector_store %arg10[%swap3A, %swap3A_108], %swap3A_111 {strides = array<i32>} : memref<200x128xf32, #tpu.memory_space<vmem>>, vector<1x16xf32>,
        %get3A_112 = arith.index_cast %scan3A_99 : i32 to index
        %get3A_113 = arith.constant 16 : index
        %get3A_114 = tpu.vector_load %arg10[%get3A_112, %get3A_113] {strides = array<i32>} : memref<200x128xf32, #tpu.memory_space<vmem>>, vector<1x16xf32>,
        %get3A_115 = vector.shape_cast %get3A_114 : vector<1x16xf32> to vector<16xf32>
        %get3A_116 = arith.index_cast %scan3A_99 : i32 to index
        %get3A_117 = arith.constant 16 : index
        %get3A_118 = tpu.vector_load %arg12[%get3A_116, %get3A_117] {strides = array<i32>} : memref<200x128xf32, #tpu.memory_space<vmem>>, vector<1x16xf32>,
        %get3A_119 = vector.shape_cast %get3A_118 : vector<1x16xf32> to vector<16xf32>
        %add3A_120 = arith.addf %get3A_115, %get3A_119 : vector<16xf32>
        %swap3A_121 = arith.index_cast %scan3A_99 : i32 to index
        %swap3A_122 = arith.constant 16 : index
        %swap3A_123 = tpu.vector_load %arg10[%swap3A_121, %swap3A_122] {strides = array<i32>} : memref<200x128xf32, #tpu.memory_space<vmem>>, vector<1x16xf32>,
        %swap3A_124 = vector.shape_cast %swap3A_123 : vector<1x16xf32> to vector<16xf32>
        %swap3A_125 = vector.shape_cast %add3A_120 : vector<16xf32> to vector<1x16xf32>
        tpu.vector_store %arg10[%swap3A_121, %swap3A_122], %swap3A_125 {strides = array<i32>} : memref<200x128xf32, #tpu.memory_space<vmem>>, vector<1x16xf32>,
        %get3A_126 = arith.index_cast %scan3A_99 : i32 to index
        %get3A_127 = arith.constant 32 : index
        %get3A_128 = tpu.vector_load %arg10[%get3A_126, %get3A_127] {strides = array<i32>} : memref<200x128xf32, #tpu.memory_space<vmem>>, vector<1x16xf32>,
        %get3A_129 = vector.shape_cast %get3A_128 : vector<1x16xf32> to vector<16xf32>
        %get3A_130 = arith.index_cast %scan3A_99 : i32 to index
        %get3A_131 = arith.constant 32 : index
        %get3A_132 = tpu.vector_load %arg12[%get3A_130, %get3A_131] {strides = array<i32>} : memref<200x128xf32, #tpu.memory_space<vmem>>, vector<1x16xf32>,
        %get3A_133 = vector.shape_cast %get3A_132 : vector<1x16xf32> to vector<16xf32>
        %add3A_134 = arith.addf %get3A_129, %get3A_133 : vector<16xf32>
        %swap3A_135 = arith.index_cast %scan3A_99 : i32 to index
        %swap3A_136 = arith.constant 32 : index
        %swap3A_137 = tpu.vector_load %arg10[%swap3A_135, %swap3A_136] {strides = array<i32>} : memref<200x128xf32, #tpu.memory_space<vmem>>, vector<1x16xf32>,
        %swap3A_138 = vector.shape_cast %swap3A_137 : vector<1x16xf32> to vector<16xf32>
        %swap3A_139 = vector.shape_cast %add3A_134 : vector<16xf32> to vector<1x16xf32>
        tpu.vector_store %arg10[%swap3A_135, %swap3A_136], %swap3A_139 {strides = array<i32>} : memref<200x128xf32, #tpu.memory_space<vmem>>, vector<1x16xf32>,
        %get3A_140 = arith.index_cast %scan3A_99 : i32 to index
        %get3A_141 = arith.constant 48 : index
        %get3A_142 = tpu.vector_load %arg10[%get3A_140, %get3A_141] {strides = array<i32>} : memref<200x128xf32, #tpu.memory_space<vmem>>, vector<1x16xf32>,
        %get3A_143 = vector.shape_cast %get3A_142 : vector<1x16xf32> to vector<16xf32>
        %get3A_144 = arith.index_cast %scan3A_99 : i32 to index
        %get3A_145 = arith.constant 48 : index
        %get3A_146 = tpu.vector_load %arg12[%get3A_144, %get3A_145] {strides = array<i32>} : memref<200x128xf32, #tpu.memory_space<vmem>>, vector<1x16xf32>,
        %get3A_147 = vector.shape_cast %get3A_146 : vector<1x16xf32> to vector<16xf32>
        %add3A_148 = arith.addf %get3A_143, %get3A_147 : vector<16xf32>
        %swap3A_149 = arith.index_cast %scan3A_99 : i32 to index
        %swap3A_150 = arith.constant 48 : index
        %swap3A_151 = tpu.vector_load %arg10[%swap3A_149, %swap3A_150] {strides = array<i32>} : memref<200x128xf32, #tpu.memory_space<vmem>>, vector<1x16xf32>,
        %swap3A_152 = vector.shape_cast %swap3A_151 : vector<1x16xf32> to vector<16xf32>
        %swap3A_153 = vector.shape_cast %add3A_148 : vector<16xf32> to vector<1x16xf32>
        tpu.vector_store %arg10[%swap3A_149, %swap3A_150], %swap3A_153 {strides = array<i32>} : memref<200x128xf32, #tpu.memory_space<vmem>>, vector<1x16xf32>,
        %get3A_154 = arith.index_cast %scan3A_99 : i32 to index
        %get3A_155 = arith.constant 64 : index
        %get3A_156 = tpu.vector_load %arg10[%get3A_154, %get3A_155] {strides = array<i32>} : memref<200x128xf32, #tpu.memory_space<vmem>>, vector<1x16xf32>,
        %get3A_157 = vector.shape_cast %get3A_156 : vector<1x16xf32> to vector<16xf32>
        %get3A_158 = arith.index_cast %scan3A_99 : i32 to index
        %get3A_159 = arith.constant 64 : index
        %get3A_160 = tpu.vector_load %arg12[%get3A_158, %get3A_159] {strides = array<i32>} : memref<200x128xf32, #tpu.memory_space<vmem>>, vector<1x16xf32>,
        %get3A_161 = vector.shape_cast %get3A_160 : vector<1x16xf32> to vector<16xf32>
        %add3A_162 = arith.addf %get3A_157, %get3A_161 : vector<16xf32>
        %swap3A_163 = arith.index_cast %scan3A_99 : i32 to index
        %swap3A_164 = arith.constant 64 : index
        %swap3A_165 = tpu.vector_load %arg10[%swap3A_163, %swap3A_164] {strides = array<i32>} : memref<200x128xf32, #tpu.memory_space<vmem>>, vector<1x16xf32>,
        %swap3A_166 = vector.shape_cast %swap3A_165 : vector<1x16xf32> to vector<16xf32>
        %swap3A_167 = vector.shape_cast %add3A_162 : vector<16xf32> to vector<1x16xf32>
        tpu.vector_store %arg10[%swap3A_163, %swap3A_164], %swap3A_167 {strides = array<i32>} : memref<200x128xf32, #tpu.memory_space<vmem>>, vector<1x16xf32>,
        %get3A_168 = arith.index_cast %scan3A_99 : i32 to index
        %get3A_169 = arith.constant 80 : index
        %get3A_170 = tpu.vector_load %arg10[%get3A_168, %get3A_169] {strides = array<i32>} : memref<200x128xf32, #tpu.memory_space<vmem>>, vector<1x16xf32>,
        %get3A_171 = vector.shape_cast %get3A_170 : vector<1x16xf32> to vector<16xf32>
        %get3A_172 = arith.index_cast %scan3A_99 : i32 to index
        %get3A_173 = arith.constant 80 : index
        %get3A_174 = tpu.vector_load %arg12[%get3A_172, %get3A_173] {strides = array<i32>} : memref<200x128xf32, #tpu.memory_space<vmem>>, vector<1x16xf32>,
        %get3A_175 = vector.shape_cast %get3A_174 : vector<1x16xf32> to vector<16xf32>
        %add3A_176 = arith.addf %get3A_171, %get3A_175 : vector<16xf32>
        %swap3A_177 = arith.index_cast %scan3A_99 : i32 to index
        %swap3A_178 = arith.constant 80 : index
        %swap3A_179 = tpu.vector_load %arg10[%swap3A_177, %swap3A_178] {strides = array<i32>} : memref<200x128xf32, #tpu.memory_space<vmem>>, vector<1x16xf32>,
        %swap3A_180 = vector.shape_cast %swap3A_179 : vector<1x16xf32> to vector<16xf32>
        %swap3A_181 = vector.shape_cast %add3A_176 : vector<16xf32> to vector<1x16xf32>
        tpu.vector_store %arg10[%swap3A_177, %swap3A_178], %swap3A_181 {strides = array<i32>} : memref<200x128xf32, #tpu.memory_space<vmem>>, vector<1x16xf32>,
        %get3A_182 = arith.index_cast %scan3A_99 : i32 to index
        %get3A_183 = arith.constant 96 : index
        %get3A_184 = tpu.vector_load %arg10[%get3A_182, %get3A_183] {strides = array<i32>} : memref<200x128xf32, #tpu.memory_space<vmem>>, vector<1x16xf32>,
        %get3A_185 = vector.shape_cast %get3A_184 : vector<1x16xf32> to vector<16xf32>
        %get3A_186 = arith.index_cast %scan3A_99 : i32 to index
        %get3A_187 = arith.constant 96 : index
        %get3A_188 = tpu.vector_load %arg12[%get3A_186, %get3A_187] {strides = array<i32>} : memref<200x128xf32, #tpu.memory_space<vmem>>, vector<1x16xf32>,
        %get3A_189 = vector.shape_cast %get3A_188 : vector<1x16xf32> to vector<16xf32>
        %add3A_190 = arith.addf %get3A_185, %get3A_189 : vector<16xf32>
        %swap3A_191 = arith.index_cast %scan3A_99 : i32 to index
        %swap3A_192 = arith.constant 96 : index
        %swap3A_193 = tpu.vector_load %arg10[%swap3A_191, %swap3A_192] {strides = array<i32>} : memref<200x128xf32, #tpu.memory_space<vmem>>, vector<1x16xf32>,
        %swap3A_194 = vector.shape_cast %swap3A_193 : vector<1x16xf32> to vector<16xf32>
        %swap3A_195 = vector.shape_cast %add3A_190 : vector<16xf32> to vector<1x16xf32>
        tpu.vector_store %arg10[%swap3A_191, %swap3A_192], %swap3A_195 {strides = array<i32>} : memref<200x128xf32, #tpu.memory_space<vmem>>, vector<1x16xf32>,
        %get3A_196 = arith.index_cast %scan3A_99 : i32 to index
        %get3A_197 = arith.constant 112 : index
        %get3A_198 = tpu.vector_load %arg10[%get3A_196, %get3A_197] {strides = array<i32>} : memref<200x128xf32, #tpu.memory_space<vmem>>, vector<1x16xf32>,
        %get3A_199 = vector.shape_cast %get3A_198 : vector<1x16xf32> to vector<16xf32>
        %get3A_200 = arith.index_cast %scan3A_99 : i32 to index
        %get3A_201 = arith.constant 112 : index
        %get3A_202 = tpu.vector_load %arg12[%get3A_200, %get3A_201] {strides = array<i32>} : memref<200x128xf32, #tpu.memory_space<vmem>>, vector<1x16xf32>,
        %get3A_203 = vector.shape_cast %get3A_202 : vector<1x16xf32> to vector<16xf32>
        %add3A_204 = arith.addf %get3A_199, %get3A_203 : vector<16xf32>
        %swap3A_205 = arith.index_cast %scan3A_99 : i32 to index
        %swap3A_206 = arith.constant 112 : index
        %swap3A_207 = tpu.vector_load %arg10[%swap3A_205, %swap3A_206] {strides = array<i32>} : memref<200x128xf32, #tpu.memory_space<vmem>>, vector<1x16xf32>,
        %swap3A_208 = vector.shape_cast %swap3A_207 : vector<1x16xf32> to vector<16xf32>
        %swap3A_209 = vector.shape_cast %add3A_204 : vector<16xf32> to vector<1x16xf32>
        tpu.vector_store %arg10[%swap3A_205, %swap3A_206], %swap3A_209 {strides = array<i32>} : memref<200x128xf32, #tpu.memory_space<vmem>>, vector<1x16xf32>,
      }
      %scan3A_91 = arith.constant 200 : i32
      %mul3A_92 = arith.constant 200 : i32
      %mul3A_93 = arith.muli %add3A_61, %mul3A_92 : i32
      %add3A_94 = arith.addi %mul3A_2, %mul3A_93 : i32
      %dma_start3A_95 = arith.constant 0 : i32
      %dma_start3A_96 = tpu.memref_slice %arg6[%add3A_94, %dma_start3A_95] : memref<153600x128xf32, #tpu.memory_space<hbm>> -> memref<200x128xf32, #tpu.memory_space<hbm>>
      %dma_start3A_97 = arith.constant 0 : i32
      %dma_start3A_98 = tpu.memref_slice %arg6[%add3A_94, %dma_start3A_97] : memref<153600x128xf32, #tpu.memory_space<hbm>> -> memref<200x128xf32, #tpu.memory_space<hbm>>
      tpu.enqueue_dma source(%arg10 : memref<200x128xf32, #tpu.memory_space<vmem>>) target(%dma_start3A_98 : memref<200x128xf32, #tpu.memory_space<hbm>>) target_semaphore(%arg18 : memref<!tpu.dma_semaphore, #tpu.memory_space<semaphore_mem>>)
    }
    %scan3A_16 = arith.constant 12 : i32
    %add3A_17 = arith.constant 4600 : i32
    %add3A_18 = arith.addi %mul3A_2, %add3A_17 : i32
    %dma_wait3A = arith.constant 0 : i32
    %dma_wait3A_19 = tpu.memref_slice %arg6[%add3A_18, %dma_wait3A] : memref<153600x128xf32, #tpu.memory_space<hbm>> -> memref<200x128xf32, #tpu.memory_space<hbm>>
    %dma_wait3A_20 = arith.constant 0 : i32
    %dma_wait3A_21 = tpu.memref_slice %arg6[%add3A_18, %dma_wait3A_20] : memref<153600x128xf32, #tpu.memory_space<hbm>> -> memref<200x128xf32, #tpu.memory_space<hbm>>
    tpu.wait_dma2 semaphore(%arg18 : memref<!tpu.dma_semaphore, #tpu.memory_space<semaphore_mem>>) src(%arg10 : memref<200x128xf32, #tpu.memory_space<vmem>>) dst(%dma_wait3A_21 : memref<200x128xf32, #tpu.memory_space<hbm>>)
    return
  }
}

module attributes {stable_mosaic.version = 14 : i64} {
  func.func @_tables_body(%arg0: i32, %arg1: memref<1000x128xf32, #tpu.memory_space<vmem>>, %arg2: memref<1000x3xf32, #tpu.memory_space<vmem>>, %arg3: memref<128x64xf32, #tpu.memory_space<vmem>>, %arg4: memref<128x64xf32, #tpu.memory_space<vmem>>, %arg5: memref<1x64xf32, #tpu.memory_space<vmem>>, %arg6: memref<1000x128xf32, #tpu.memory_space<vmem>>, %arg7: memref<1000x128xf32, #tpu.memory_space<vmem>>) attributes {dimension_semantics = [#tpu.dimension_semantics<arbitrary>], iteration_bounds = array<i64: 10>, scalar_prefetch = 0 : i64, scratch_operands = 0 : i64, tpu.core_type = #tpu.core_type<tc>, window_params = [{transform_indices = @transform_0, window_bounds = array<i64: 1000, 128>}, {transform_indices = @transform_1, window_bounds = array<i64: 1000, 3>}, {pipeline_mode = #tpu.pipeline_mode<synchronous>, transform_indices = @transform_2, window_bounds = array<i64: 128, 64>}, {pipeline_mode = #tpu.pipeline_mode<synchronous>, transform_indices = @transform_3, window_bounds = array<i64: 128, 64>}, {pipeline_mode = #tpu.pipeline_mode<synchronous>, transform_indices = @transform_4, window_bounds = array<i64: 1, 64>}, {transform_indices = @transform_5, window_bounds = array<i64: 1000, 128>}, {transform_indices = @transform_6, window_bounds = array<i64: 1000, 128>}]} {
    %get3A = arith.constant 0 : index
    %get3A_0 = arith.constant 0 : index
    %get3A_1 = vector.load %arg1[%get3A, %get3A_0] : memref<1000x128xf32, #tpu.memory_space<vmem>>, vector<1000x128xf32>
    %get3A_2 = arith.constant 0 : index
    %get3A_3 = arith.constant 0 : index
    %get3A_4 = vector.load %arg2[%get3A_2, %get3A_3] : memref<1000x3xf32, #tpu.memory_space<vmem>>, vector<1000x3xf32>
    %broadcast_in_dim3A = arith.constant 0.000000e+00 : f32
    %broadcast_in_dim3A_5 = vector.broadcast %broadcast_in_dim3A : f32 to vector<1000x61xf32>
    %get3A_6 = arith.constant 0 : index
    %get3A_7 = arith.constant 0 : index
    %get3A_8 = vector.load %arg3[%get3A_6, %get3A_7] : memref<128x64xf32, #tpu.memory_space<vmem>>, vector<128x64xf32>
    %dot_general3A = arith.constant dense<0.000000e+00> : vector<1000x64xf32>
    %dot_general3A_9 = tpu.matmul %get3A_1, %get3A_8, %dot_general3A {dimension_numbers = #tpu.dot_dimension_numbers<[1], [0], [0], [1], [0, 0, 1, 1], [], []>, transpose_lhs_hint = false} : vector<1000x128xf32>, vector<128x64xf32>, vector<1000x64xf32> -> vector<1000x64xf32>
    %get3A_10 = arith.constant 0 : index
    %get3A_11 = arith.constant 0 : index
    %get3A_12 = vector.load %arg5[%get3A_10, %get3A_11] : memref<1x64xf32, #tpu.memory_space<vmem>>, vector<1x64xf32>
    %add3A = vector.broadcast %get3A_12 : vector<1x64xf32> to vector<1000x64xf32>
    %add3A_13 = arith.addf %dot_general3A_9, %add3A : vector<1000x64xf32>
    %get3A_14 = arith.constant 0 : index
    %get3A_15 = arith.constant 0 : index
    %get3A_16 = vector.load %arg4[%get3A_14, %get3A_15] : memref<128x64xf32, #tpu.memory_space<vmem>>, vector<128x64xf32>
    %dot_general3A_17 = arith.constant dense<0.000000e+00> : vector<1000x64xf32>
    %dot_general3A_18 = tpu.matmul %get3A_1, %get3A_16, %dot_general3A_17 {dimension_numbers = #tpu.dot_dimension_numbers<[1], [0], [0], [1], [0, 0, 1, 1], [], []>, transpose_lhs_hint = false} : vector<1000x128xf32>, vector<128x64xf32>, vector<1000x64xf32> -> vector<1000x64xf32>
    %concatenate3A = tpu.concatenate %add3A_13, %get3A_4, %broadcast_in_dim3A_5 in 1 : vector<1000x64xf32>, vector<1000x3xf32>, vector<1000x61xf32> -> vector<1000x128xf32>
    %swap3A = arith.constant 0 : index
    %swap3A_19 = arith.constant 0 : index
    %swap3A_20 = vector.load %arg6[%swap3A, %swap3A_19] : memref<1000x128xf32, #tpu.memory_space<vmem>>, vector<1000x128xf32>
    tpu.vector_store %arg6[%swap3A, %swap3A_19], %concatenate3A {strides = array<i32>} : memref<1000x128xf32, #tpu.memory_space<vmem>>, vector<1000x128xf32>,
    %neg3A = arith.constant 0.000000e+00 : f32
    %neg3A_21 = vector.broadcast %neg3A : f32 to vector<1000x3xf32>
    %neg3A_22 = arith.subf %neg3A_21, %get3A_4 : vector<1000x3xf32>
    %concatenate3A_23 = tpu.concatenate %dot_general3A_18, %neg3A_22, %broadcast_in_dim3A_5 in 1 : vector<1000x64xf32>, vector<1000x3xf32>, vector<1000x61xf32> -> vector<1000x128xf32>
    %swap3A_24 = arith.constant 0 : index
    %swap3A_25 = arith.constant 0 : index
    %swap3A_26 = vector.load %arg7[%swap3A_24, %swap3A_25] : memref<1000x128xf32, #tpu.memory_space<vmem>>, vector<1000x128xf32>
    tpu.vector_store %arg7[%swap3A_24, %swap3A_25], %concatenate3A_23 {strides = array<i32>} : memref<1000x128xf32, #tpu.memory_space<vmem>>, vector<1000x128xf32>,
    return
  }
  func.func @transform_0(%arg0: i32) -> (i32, i32) {
    %c0_i32 = arith.constant 0 : i32
    %c0_i32_0 = arith.constant 0 : i32
    return %arg0, %c0_i32 : i32, i32
  }
  func.func @transform_1(%arg0: i32) -> (i32, i32) {
    %c0_i32 = arith.constant 0 : i32
    %c0_i32_0 = arith.constant 0 : i32
    return %arg0, %c0_i32 : i32, i32
  }
  func.func @transform_2(%arg0: i32) -> (i32, i32) {
    %c0_i32 = arith.constant 0 : i32
    %c0_i32_0 = arith.constant 0 : i32
    %c0_i32_1 = arith.constant 0 : i32
    return %c0_i32, %c0_i32_0 : i32, i32
  }
  func.func @transform_3(%arg0: i32) -> (i32, i32) {
    %c0_i32 = arith.constant 0 : i32
    %c0_i32_0 = arith.constant 0 : i32
    %c0_i32_1 = arith.constant 0 : i32
    return %c0_i32, %c0_i32_0 : i32, i32
  }
  func.func @transform_4(%arg0: i32) -> (i32, i32) {
    %c0_i32 = arith.constant 0 : i32
    %c0_i32_0 = arith.constant 0 : i32
    %c0_i32_1 = arith.constant 0 : i32
    return %c0_i32, %c0_i32_0 : i32, i32
  }
  func.func @transform_5(%arg0: i32) -> (i32, i32) {
    %c0_i32 = arith.constant 0 : i32
    %c0_i32_0 = arith.constant 0 : i32
    return %arg0, %c0_i32 : i32, i32
  }
  func.func @transform_6(%arg0: i32) -> (i32, i32) {
    %c0_i32 = arith.constant 0 : i32
    %c0_i32_0 = arith.constant 0 : i32
    return %arg0, %c0_i32 : i32, i32
  }
}

module attributes {stable_mosaic.version = 14 : i64} {
  func.func @_edge_body(%arg0: i32, %arg1: memref<3200x128xf32, #tpu.memory_space<vmem>>, %arg2: memref<3200x16xf32, #tpu.memory_space<vmem>>, %arg3: memref<16x64xf32, #tpu.memory_space<vmem>>, %arg4: memref<1x64xf32, #tpu.memory_space<vmem>>, %arg5: memref<64x64xf32, #tpu.memory_space<vmem>>, %arg6: memref<1x64xf32, #tpu.memory_space<vmem>>, %arg7: memref<64x1xf32, #tpu.memory_space<vmem>>, %arg8: memref<1x1xf32, #tpu.memory_space<vmem>>, %arg9: memref<3200x128xf32, #tpu.memory_space<vmem>>) attributes {dimension_semantics = [#tpu.dimension_semantics<arbitrary>], iteration_bounds = array<i64: 52>, scalar_prefetch = 0 : i64, scratch_operands = 0 : i64, tpu.core_type = #tpu.core_type<tc>, window_params = [{transform_indices = @transform_0, window_bounds = array<i64: 3200, 128>}, {transform_indices = @transform_1, window_bounds = array<i64: 3200, 16>}, {pipeline_mode = #tpu.pipeline_mode<synchronous>, transform_indices = @transform_2, window_bounds = array<i64: 16, 64>}, {pipeline_mode = #tpu.pipeline_mode<synchronous>, transform_indices = @transform_3, window_bounds = array<i64: 1, 64>}, {pipeline_mode = #tpu.pipeline_mode<synchronous>, transform_indices = @transform_4, window_bounds = array<i64: 64, 64>}, {pipeline_mode = #tpu.pipeline_mode<synchronous>, transform_indices = @transform_5, window_bounds = array<i64: 1, 64>}, {pipeline_mode = #tpu.pipeline_mode<synchronous>, transform_indices = @transform_6, window_bounds = array<i64: 64, 1>}, {pipeline_mode = #tpu.pipeline_mode<synchronous>, transform_indices = @transform_7, window_bounds = array<i64: 1, 1>}, {transform_indices = @transform_8, window_bounds = array<i64: 3200, 128>}]} {
    %get3A = arith.constant 0 : index
    %get3A_0 = arith.constant 0 : index
    %get3A_1 = vector.load %arg1[%get3A, %get3A_0] : memref<3200x128xf32, #tpu.memory_space<vmem>>, vector<3200x128xf32>
    %slice3A = vector.extract_strided_slice %get3A_1 {offsets = [0, 0], sizes = [3200, 64], strides = [1, 1]} : vector<3200x128xf32> to vector<3200x64xf32>
    %slice3A_2 = vector.extract_strided_slice %get3A_1 {offsets = [0, 64], sizes = [3200, 3], strides = [1, 1]} : vector<3200x128xf32> to vector<3200x3xf32>
    %mul3A = arith.mulf %slice3A_2, %slice3A_2 : vector<3200x3xf32>
    %reduce_sum3A = arith.constant dense<0.000000e+00> : vector<3200xf32>
    %reduce_sum3A_3 = vector.multi_reduction <add>, %mul3A, %reduce_sum3A [1] : vector<3200x3xf32> to vector<3200xf32>
    %broadcast_in_dim3A = vector.shape_cast %reduce_sum3A_3 : vector<3200xf32> to vector<3200x1xf32>
    %get3A_4 = arith.constant 0 : index
    %get3A_5 = arith.constant 0 : index
    %get3A_6 = vector.load %arg2[%get3A_4, %get3A_5] : memref<3200x16xf32, #tpu.memory_space<vmem>>, vector<3200x16xf32>
    %get3A_7 = arith.constant 0 : index
    %get3A_8 = arith.constant 0 : index
    %get3A_9 = vector.load %arg3[%get3A_7, %get3A_8] : memref<16x64xf32, #tpu.memory_space<vmem>>, vector<16x64xf32>
    %dot_general3A = arith.constant dense<0.000000e+00> : vector<3200x64xf32>
    %dot_general3A_10 = tpu.matmul %get3A_6, %get3A_9, %dot_general3A {dimension_numbers = #tpu.dot_dimension_numbers<[1], [0], [0], [1], [0, 0, 1, 1], [], []>, transpose_lhs_hint = false} : vector<3200x16xf32>, vector<16x64xf32>, vector<3200x64xf32> -> vector<3200x64xf32>
    %add3A = arith.addf %slice3A, %dot_general3A_10 : vector<3200x64xf32>
    %get3A_11 = arith.constant 0 : index
    %get3A_12 = arith.constant 0 : index
    %get3A_13 = vector.load %arg4[%get3A_11, %get3A_12] : memref<1x64xf32, #tpu.memory_space<vmem>>, vector<1x64xf32>
    %mul3A_14 = vector.broadcast %broadcast_in_dim3A : vector<3200x1xf32> to vector<3200x64xf32>
    %mul3A_15 = vector.broadcast %get3A_13 : vector<1x64xf32> to vector<3200x64xf32>
    %mul3A_16 = arith.mulf %mul3A_14, %mul3A_15 : vector<3200x64xf32>
    %add3A_17 = arith.addf %add3A, %mul3A_16 : vector<3200x64xf32>
    %logistic3A = arith.negf %add3A_17 : vector<3200x64xf32>
    %logistic3A_18 = math.exp %logistic3A : vector<3200x64xf32>
    %logistic3A_19 = arith.constant 1.000000e+00 : f32
    %logistic3A_20 = vector.broadcast %logistic3A_19 : f32 to vector<3200x64xf32>
    %logistic3A_21 = arith.addf %logistic3A_20, %logistic3A_18 : vector<3200x64xf32>
    %logistic3A_22 = arith.divf %logistic3A_20, %logistic3A_21 : vector<3200x64xf32>
    %mul3A_23 = arith.mulf %add3A_17, %logistic3A_22 : vector<3200x64xf32>
    %get3A_24 = arith.constant 0 : index
    %get3A_25 = arith.constant 0 : index
    %get3A_26 = vector.load %arg5[%get3A_24, %get3A_25] : memref<64x64xf32, #tpu.memory_space<vmem>>, vector<64x64xf32>
    %dot_general3A_27 = arith.constant dense<0.000000e+00> : vector<3200x64xf32>
    %dot_general3A_28 = tpu.matmul %mul3A_23, %get3A_26, %dot_general3A_27 {dimension_numbers = #tpu.dot_dimension_numbers<[1], [0], [0], [1], [0, 0, 1, 1], [], []>, transpose_lhs_hint = false} : vector<3200x64xf32>, vector<64x64xf32>, vector<3200x64xf32> -> vector<3200x64xf32>
    %get3A_29 = arith.constant 0 : index
    %get3A_30 = arith.constant 0 : index
    %get3A_31 = vector.load %arg6[%get3A_29, %get3A_30] : memref<1x64xf32, #tpu.memory_space<vmem>>, vector<1x64xf32>
    %add3A_32 = vector.broadcast %get3A_31 : vector<1x64xf32> to vector<3200x64xf32>
    %add3A_33 = arith.addf %dot_general3A_28, %add3A_32 : vector<3200x64xf32>
    %logistic3A_34 = arith.negf %add3A_33 : vector<3200x64xf32>
    %logistic3A_35 = math.exp %logistic3A_34 : vector<3200x64xf32>
    %logistic3A_36 = arith.constant 1.000000e+00 : f32
    %logistic3A_37 = vector.broadcast %logistic3A_36 : f32 to vector<3200x64xf32>
    %logistic3A_38 = arith.addf %logistic3A_37, %logistic3A_35 : vector<3200x64xf32>
    %logistic3A_39 = arith.divf %logistic3A_37, %logistic3A_38 : vector<3200x64xf32>
    %mul3A_40 = arith.mulf %add3A_33, %logistic3A_39 : vector<3200x64xf32>
    %get3A_41 = arith.constant 0 : index
    %get3A_42 = arith.constant 0 : index
    %get3A_43 = vector.load %arg7[%get3A_41, %get3A_42] : memref<64x1xf32, #tpu.memory_space<vmem>>, vector<64x1xf32>
    %dot_general3A_44 = arith.constant dense<0.000000e+00> : vector<3200x1xf32>
    %dot_general3A_45 = tpu.matmul %mul3A_40, %get3A_43, %dot_general3A_44 {dimension_numbers = #tpu.dot_dimension_numbers<[1], [0], [0], [1], [0, 0, 1, 1], [], []>, transpose_lhs_hint = false} : vector<3200x64xf32>, vector<64x1xf32>, vector<3200x1xf32> -> vector<3200x1xf32>
    %get3A_46 = arith.constant 0 : index
    %get3A_47 = arith.constant 0 : index
    %get3A_48 = vector.load %arg8[%get3A_46, %get3A_47] : memref<1x1xf32, #tpu.memory_space<vmem>>, vector<1x1xf32>
    %add3A_49 = vector.broadcast %get3A_48 : vector<1x1xf32> to vector<3200x1xf32>
    %add3A_50 = arith.addf %dot_general3A_45, %add3A_49 : vector<3200x1xf32>
    %tanh3A = math.tanh %add3A_50 : vector<3200x1xf32>
    %broadcast_in_dim3A_51 = arith.constant 0.000000e+00 : f32
    %broadcast_in_dim3A_52 = vector.broadcast %broadcast_in_dim3A_51 : f32 to vector<3200x61xf32>
    %mul3A_53 = vector.broadcast %tanh3A : vector<3200x1xf32> to vector<3200x3xf32>
    %mul3A_54 = arith.mulf %slice3A_2, %mul3A_53 : vector<3200x3xf32>
    %concatenate3A = tpu.concatenate %mul3A_40, %mul3A_54, %broadcast_in_dim3A_52 in 1 : vector<3200x64xf32>, vector<3200x3xf32>, vector<3200x61xf32> -> vector<3200x128xf32>
    %swap3A = arith.constant 0 : index
    %swap3A_55 = arith.constant 0 : index
    %swap3A_56 = vector.load %arg9[%swap3A, %swap3A_55] : memref<3200x128xf32, #tpu.memory_space<vmem>>, vector<3200x128xf32>
    tpu.vector_store %arg9[%swap3A, %swap3A_55], %concatenate3A {strides = array<i32>} : memref<3200x128xf32, #tpu.memory_space<vmem>>, vector<3200x128xf32>,
    return
  }
  func.func @transform_0(%arg0: i32) -> (i32, i32) {
    %c0_i32 = arith.constant 0 : i32
    %c0_i32_0 = arith.constant 0 : i32
    return %arg0, %c0_i32 : i32, i32
  }
  func.func @transform_1(%arg0: i32) -> (i32, i32) {
    %c0_i32 = arith.constant 0 : i32
    %c0_i32_0 = arith.constant 0 : i32
    return %arg0, %c0_i32 : i32, i32
  }
  func.func @transform_2(%arg0: i32) -> (i32, i32) {
    %c0_i32 = arith.constant 0 : i32
    %c0_i32_0 = arith.constant 0 : i32
    %c0_i32_1 = arith.constant 0 : i32
    return %c0_i32, %c0_i32_0 : i32, i32
  }
  func.func @transform_3(%arg0: i32) -> (i32, i32) {
    %c0_i32 = arith.constant 0 : i32
    %c0_i32_0 = arith.constant 0 : i32
    %c0_i32_1 = arith.constant 0 : i32
    return %c0_i32, %c0_i32_0 : i32, i32
  }
  func.func @transform_4(%arg0: i32) -> (i32, i32) {
    %c0_i32 = arith.constant 0 : i32
    %c0_i32_0 = arith.constant 0 : i32
    %c0_i32_1 = arith.constant 0 : i32
    return %c0_i32, %c0_i32_0 : i32, i32
  }
  func.func @transform_5(%arg0: i32) -> (i32, i32) {
    %c0_i32 = arith.constant 0 : i32
    %c0_i32_0 = arith.constant 0 : i32
    %c0_i32_1 = arith.constant 0 : i32
    return %c0_i32, %c0_i32_0 : i32, i32
  }
  func.func @transform_6(%arg0: i32) -> (i32, i32) {
    %c0_i32 = arith.constant 0 : i32
    %c0_i32_0 = arith.constant 0 : i32
    %c0_i32_1 = arith.constant 0 : i32
    return %c0_i32, %c0_i32_0 : i32, i32
  }
  func.func @transform_7(%arg0: i32) -> (i32, i32) {
    %c0_i32 = arith.constant 0 : i32
    %c0_i32_0 = arith.constant 0 : i32
    %c0_i32_1 = arith.constant 0 : i32
    return %c0_i32, %c0_i32_0 : i32, i32
  }
  func.func @transform_8(%arg0: i32) -> (i32, i32) {
    %c0_i32 = arith.constant 0 : i32
    %c0_i32_0 = arith.constant 0 : i32
    return %arg0, %c0_i32 : i32, i32
  }
}

module attributes {stable_mosaic.version = 14 : i64} {
  func.func @_edge_body(%arg0: i32, %arg1: memref<3200x128xf32, #tpu.memory_space<vmem>>, %arg2: memref<3200x16xf32, #tpu.memory_space<vmem>>, %arg3: memref<16x64xf32, #tpu.memory_space<vmem>>, %arg4: memref<1x64xf32, #tpu.memory_space<vmem>>, %arg5: memref<64x64xf32, #tpu.memory_space<vmem>>, %arg6: memref<1x64xf32, #tpu.memory_space<vmem>>, %arg7: memref<64x1xf32, #tpu.memory_space<vmem>>, %arg8: memref<1x1xf32, #tpu.memory_space<vmem>>, %arg9: memref<3200x128xf32, #tpu.memory_space<vmem>>) attributes {dimension_semantics = [#tpu.dimension_semantics<arbitrary>], iteration_bounds = array<i64: 48>, scalar_prefetch = 0 : i64, scratch_operands = 0 : i64, tpu.core_type = #tpu.core_type<tc>, window_params = [{transform_indices = @transform_0, window_bounds = array<i64: 3200, 128>}, {transform_indices = @transform_1, window_bounds = array<i64: 3200, 16>}, {pipeline_mode = #tpu.pipeline_mode<synchronous>, transform_indices = @transform_2, window_bounds = array<i64: 16, 64>}, {pipeline_mode = #tpu.pipeline_mode<synchronous>, transform_indices = @transform_3, window_bounds = array<i64: 1, 64>}, {pipeline_mode = #tpu.pipeline_mode<synchronous>, transform_indices = @transform_4, window_bounds = array<i64: 64, 64>}, {pipeline_mode = #tpu.pipeline_mode<synchronous>, transform_indices = @transform_5, window_bounds = array<i64: 1, 64>}, {pipeline_mode = #tpu.pipeline_mode<synchronous>, transform_indices = @transform_6, window_bounds = array<i64: 64, 1>}, {pipeline_mode = #tpu.pipeline_mode<synchronous>, transform_indices = @transform_7, window_bounds = array<i64: 1, 1>}, {transform_indices = @transform_8, window_bounds = array<i64: 3200, 128>}]} {
    %get3A = arith.constant 0 : index
    %get3A_0 = arith.constant 0 : index
    %get3A_1 = vector.load %arg1[%get3A, %get3A_0] : memref<3200x128xf32, #tpu.memory_space<vmem>>, vector<3200x128xf32>
    %slice3A = vector.extract_strided_slice %get3A_1 {offsets = [0, 0], sizes = [3200, 64], strides = [1, 1]} : vector<3200x128xf32> to vector<3200x64xf32>
    %slice3A_2 = vector.extract_strided_slice %get3A_1 {offsets = [0, 64], sizes = [3200, 3], strides = [1, 1]} : vector<3200x128xf32> to vector<3200x3xf32>
    %mul3A = arith.mulf %slice3A_2, %slice3A_2 : vector<3200x3xf32>
    %reduce_sum3A = arith.constant dense<0.000000e+00> : vector<3200xf32>
    %reduce_sum3A_3 = vector.multi_reduction <add>, %mul3A, %reduce_sum3A [1] : vector<3200x3xf32> to vector<3200xf32>
    %broadcast_in_dim3A = vector.shape_cast %reduce_sum3A_3 : vector<3200xf32> to vector<3200x1xf32>
    %get3A_4 = arith.constant 0 : index
    %get3A_5 = arith.constant 0 : index
    %get3A_6 = vector.load %arg2[%get3A_4, %get3A_5] : memref<3200x16xf32, #tpu.memory_space<vmem>>, vector<3200x16xf32>
    %get3A_7 = arith.constant 0 : index
    %get3A_8 = arith.constant 0 : index
    %get3A_9 = vector.load %arg3[%get3A_7, %get3A_8] : memref<16x64xf32, #tpu.memory_space<vmem>>, vector<16x64xf32>
    %dot_general3A = arith.constant dense<0.000000e+00> : vector<3200x64xf32>
    %dot_general3A_10 = tpu.matmul %get3A_6, %get3A_9, %dot_general3A {dimension_numbers = #tpu.dot_dimension_numbers<[1], [0], [0], [1], [0, 0, 1, 1], [], []>, transpose_lhs_hint = false} : vector<3200x16xf32>, vector<16x64xf32>, vector<3200x64xf32> -> vector<3200x64xf32>
    %add3A = arith.addf %slice3A, %dot_general3A_10 : vector<3200x64xf32>
    %get3A_11 = arith.constant 0 : index
    %get3A_12 = arith.constant 0 : index
    %get3A_13 = vector.load %arg4[%get3A_11, %get3A_12] : memref<1x64xf32, #tpu.memory_space<vmem>>, vector<1x64xf32>
    %mul3A_14 = vector.broadcast %broadcast_in_dim3A : vector<3200x1xf32> to vector<3200x64xf32>
    %mul3A_15 = vector.broadcast %get3A_13 : vector<1x64xf32> to vector<3200x64xf32>
    %mul3A_16 = arith.mulf %mul3A_14, %mul3A_15 : vector<3200x64xf32>
    %add3A_17 = arith.addf %add3A, %mul3A_16 : vector<3200x64xf32>
    %logistic3A = arith.negf %add3A_17 : vector<3200x64xf32>
    %logistic3A_18 = math.exp %logistic3A : vector<3200x64xf32>
    %logistic3A_19 = arith.constant 1.000000e+00 : f32
    %logistic3A_20 = vector.broadcast %logistic3A_19 : f32 to vector<3200x64xf32>
    %logistic3A_21 = arith.addf %logistic3A_20, %logistic3A_18 : vector<3200x64xf32>
    %logistic3A_22 = arith.divf %logistic3A_20, %logistic3A_21 : vector<3200x64xf32>
    %mul3A_23 = arith.mulf %add3A_17, %logistic3A_22 : vector<3200x64xf32>
    %get3A_24 = arith.constant 0 : index
    %get3A_25 = arith.constant 0 : index
    %get3A_26 = vector.load %arg5[%get3A_24, %get3A_25] : memref<64x64xf32, #tpu.memory_space<vmem>>, vector<64x64xf32>
    %dot_general3A_27 = arith.constant dense<0.000000e+00> : vector<3200x64xf32>
    %dot_general3A_28 = tpu.matmul %mul3A_23, %get3A_26, %dot_general3A_27 {dimension_numbers = #tpu.dot_dimension_numbers<[1], [0], [0], [1], [0, 0, 1, 1], [], []>, transpose_lhs_hint = false} : vector<3200x64xf32>, vector<64x64xf32>, vector<3200x64xf32> -> vector<3200x64xf32>
    %get3A_29 = arith.constant 0 : index
    %get3A_30 = arith.constant 0 : index
    %get3A_31 = vector.load %arg6[%get3A_29, %get3A_30] : memref<1x64xf32, #tpu.memory_space<vmem>>, vector<1x64xf32>
    %add3A_32 = vector.broadcast %get3A_31 : vector<1x64xf32> to vector<3200x64xf32>
    %add3A_33 = arith.addf %dot_general3A_28, %add3A_32 : vector<3200x64xf32>
    %logistic3A_34 = arith.negf %add3A_33 : vector<3200x64xf32>
    %logistic3A_35 = math.exp %logistic3A_34 : vector<3200x64xf32>
    %logistic3A_36 = arith.constant 1.000000e+00 : f32
    %logistic3A_37 = vector.broadcast %logistic3A_36 : f32 to vector<3200x64xf32>
    %logistic3A_38 = arith.addf %logistic3A_37, %logistic3A_35 : vector<3200x64xf32>
    %logistic3A_39 = arith.divf %logistic3A_37, %logistic3A_38 : vector<3200x64xf32>
    %mul3A_40 = arith.mulf %add3A_33, %logistic3A_39 : vector<3200x64xf32>
    %get3A_41 = arith.constant 0 : index
    %get3A_42 = arith.constant 0 : index
    %get3A_43 = vector.load %arg7[%get3A_41, %get3A_42] : memref<64x1xf32, #tpu.memory_space<vmem>>, vector<64x1xf32>
    %dot_general3A_44 = arith.constant dense<0.000000e+00> : vector<3200x1xf32>
    %dot_general3A_45 = tpu.matmul %mul3A_40, %get3A_43, %dot_general3A_44 {dimension_numbers = #tpu.dot_dimension_numbers<[1], [0], [0], [1], [0, 0, 1, 1], [], []>, transpose_lhs_hint = false} : vector<3200x64xf32>, vector<64x1xf32>, vector<3200x1xf32> -> vector<3200x1xf32>
    %get3A_46 = arith.constant 0 : index
    %get3A_47 = arith.constant 0 : index
    %get3A_48 = vector.load %arg8[%get3A_46, %get3A_47] : memref<1x1xf32, #tpu.memory_space<vmem>>, vector<1x1xf32>
    %add3A_49 = vector.broadcast %get3A_48 : vector<1x1xf32> to vector<3200x1xf32>
    %add3A_50 = arith.addf %dot_general3A_45, %add3A_49 : vector<3200x1xf32>
    %tanh3A = math.tanh %add3A_50 : vector<3200x1xf32>
    %broadcast_in_dim3A_51 = arith.constant 0.000000e+00 : f32
    %broadcast_in_dim3A_52 = vector.broadcast %broadcast_in_dim3A_51 : f32 to vector<3200x61xf32>
    %mul3A_53 = vector.broadcast %tanh3A : vector<3200x1xf32> to vector<3200x3xf32>
    %mul3A_54 = arith.mulf %slice3A_2, %mul3A_53 : vector<3200x3xf32>
    %concatenate3A = tpu.concatenate %mul3A_40, %mul3A_54, %broadcast_in_dim3A_52 in 1 : vector<3200x64xf32>, vector<3200x3xf32>, vector<3200x61xf32> -> vector<3200x128xf32>
    %swap3A = arith.constant 0 : index
    %swap3A_55 = arith.constant 0 : index
    %swap3A_56 = vector.load %arg9[%swap3A, %swap3A_55] : memref<3200x128xf32, #tpu.memory_space<vmem>>, vector<3200x128xf32>
    tpu.vector_store %arg9[%swap3A, %swap3A_55], %concatenate3A {strides = array<i32>} : memref<3200x128xf32, #tpu.memory_space<vmem>>, vector<3200x128xf32>,
    return
  }
  func.func @transform_0(%arg0: i32) -> (i32, i32) {
    %c0_i32 = arith.constant 0 : i32
    %c0_i32_0 = arith.constant 0 : i32
    return %arg0, %c0_i32 : i32, i32
  }
  func.func @transform_1(%arg0: i32) -> (i32, i32) {
    %c0_i32 = arith.constant 0 : i32
    %c0_i32_0 = arith.constant 0 : i32
    return %arg0, %c0_i32 : i32, i32
  }
  func.func @transform_2(%arg0: i32) -> (i32, i32) {
    %c0_i32 = arith.constant 0 : i32
    %c0_i32_0 = arith.constant 0 : i32
    %c0_i32_1 = arith.constant 0 : i32
    return %c0_i32, %c0_i32_0 : i32, i32
  }
  func.func @transform_3(%arg0: i32) -> (i32, i32) {
    %c0_i32 = arith.constant 0 : i32
    %c0_i32_0 = arith.constant 0 : i32
    %c0_i32_1 = arith.constant 0 : i32
    return %c0_i32, %c0_i32_0 : i32, i32
  }
  func.func @transform_4(%arg0: i32) -> (i32, i32) {
    %c0_i32 = arith.constant 0 : i32
    %c0_i32_0 = arith.constant 0 : i32
    %c0_i32_1 = arith.constant 0 : i32
    return %c0_i32, %c0_i32_0 : i32, i32
  }
  func.func @transform_5(%arg0: i32) -> (i32, i32) {
    %c0_i32 = arith.constant 0 : i32
    %c0_i32_0 = arith.constant 0 : i32
    %c0_i32_1 = arith.constant 0 : i32
    return %c0_i32, %c0_i32_0 : i32, i32
  }
  func.func @transform_6(%arg0: i32) -> (i32, i32) {
    %c0_i32 = arith.constant 0 : i32
    %c0_i32_0 = arith.constant 0 : i32
    %c0_i32_1 = arith.constant 0 : i32
    return %c0_i32, %c0_i32_0 : i32, i32
  }
  func.func @transform_7(%arg0: i32) -> (i32, i32) {
    %c0_i32 = arith.constant 0 : i32
    %c0_i32_0 = arith.constant 0 : i32
    %c0_i32_1 = arith.constant 0 : i32
    return %c0_i32, %c0_i32_0 : i32, i32
  }
  func.func @transform_8(%arg0: i32) -> (i32, i32) {
    %c0_i32 = arith.constant 0 : i32
    %c0_i32_0 = arith.constant 0 : i32
    return %arg0, %c0_i32 : i32, i32
  }
}

module attributes {stable_mosaic.version = 14 : i64} {
  func.func @_node_body(%arg0: i32, %arg1: memref<1000x128xf32, #tpu.memory_space<vmem>>, %arg2: memref<1000x3xf32, #tpu.memory_space<vmem>>, %arg3: memref<1000x128xf32, #tpu.memory_space<vmem>>, %arg4: memref<1000x128xf32, #tpu.memory_space<vmem>>, %arg5: memref<1000x128xf32, #tpu.memory_space<vmem>>, %arg6: memref<1000x128xf32, #tpu.memory_space<vmem>>, %arg7: memref<128x64xf32, #tpu.memory_space<vmem>>, %arg8: memref<64x64xf32, #tpu.memory_space<vmem>>, %arg9: memref<1x64xf32, #tpu.memory_space<vmem>>, %arg10: memref<64x128xf32, #tpu.memory_space<vmem>>, %arg11: memref<1x128xf32, #tpu.memory_space<vmem>>, %arg12: memref<1000x128xf32, #tpu.memory_space<vmem>>, %arg13: memref<1000x3xf32, #tpu.memory_space<vmem>>) attributes {dimension_semantics = [#tpu.dimension_semantics<arbitrary>], iteration_bounds = array<i64: 10>, scalar_prefetch = 0 : i64, scratch_operands = 0 : i64, tpu.core_type = #tpu.core_type<tc>, window_params = [{transform_indices = @transform_0, window_bounds = array<i64: 1000, 128>}, {transform_indices = @transform_1, window_bounds = array<i64: 1000, 3>}, {transform_indices = @transform_2, window_bounds = array<i64: 1000, 128>}, {transform_indices = @transform_3, window_bounds = array<i64: 1000, 128>}, {transform_indices = @transform_4, window_bounds = array<i64: 1000, 128>}, {transform_indices = @transform_5, window_bounds = array<i64: 1000, 128>}, {pipeline_mode = #tpu.pipeline_mode<synchronous>, transform_indices = @transform_6, window_bounds = array<i64: 128, 64>}, {pipeline_mode = #tpu.pipeline_mode<synchronous>, transform_indices = @transform_7, window_bounds = array<i64: 64, 64>}, {pipeline_mode = #tpu.pipeline_mode<synchronous>, transform_indices = @transform_8, window_bounds = array<i64: 1, 64>}, {pipeline_mode = #tpu.pipeline_mode<synchronous>, transform_indices = @transform_9, window_bounds = array<i64: 64, 128>}, {pipeline_mode = #tpu.pipeline_mode<synchronous>, transform_indices = @transform_10, window_bounds = array<i64: 1, 128>}, {transform_indices = @transform_11, window_bounds = array<i64: 1000, 128>}, {transform_indices = @transform_12, window_bounds = array<i64: 1000, 3>}]} {
    %get3A = arith.constant 0 : index
    %get3A_0 = arith.constant 0 : index
    %get3A_1 = vector.load %arg1[%get3A, %get3A_0] : memref<1000x128xf32, #tpu.memory_space<vmem>>, vector<1000x128xf32>
    %get3A_2 = arith.constant 0 : index
    %get3A_3 = arith.constant 0 : index
    %get3A_4 = vector.load %arg3[%get3A_2, %get3A_3] : memref<1000x128xf32, #tpu.memory_space<vmem>>, vector<1000x128xf32>
    %get3A_5 = arith.constant 0 : index
    %get3A_6 = arith.constant 0 : index
    %get3A_7 = vector.load %arg4[%get3A_5, %get3A_6] : memref<1000x128xf32, #tpu.memory_space<vmem>>, vector<1000x128xf32>
    %add3A = arith.addf %get3A_4, %get3A_7 : vector<1000x128xf32>
    %get3A_8 = arith.constant 0 : index
    %get3A_9 = arith.constant 0 : index
    %get3A_10 = vector.load %arg5[%get3A_8, %get3A_9] : memref<1000x128xf32, #tpu.memory_space<vmem>>, vector<1000x128xf32>
    %get3A_11 = arith.constant 0 : index
    %get3A_12 = arith.constant 0 : index
    %get3A_13 = vector.load %arg6[%get3A_11, %get3A_12] : memref<1000x128xf32, #tpu.memory_space<vmem>>, vector<1000x128xf32>
    %add3A_14 = arith.addf %get3A_10, %get3A_13 : vector<1000x128xf32>
    %add3A_15 = arith.addf %add3A, %add3A_14 : vector<1000x128xf32>
    %slice3A = vector.extract_strided_slice %add3A_15 {offsets = [0, 0], sizes = [1000, 64], strides = [1, 1]} : vector<1000x128xf32> to vector<1000x64xf32>
    %slice3A_16 = vector.extract_strided_slice %add3A_15 {offsets = [0, 64], sizes = [1000, 3], strides = [1, 1]} : vector<1000x128xf32> to vector<1000x3xf32>
    %get3A_17 = arith.constant 0 : index
    %get3A_18 = arith.constant 0 : index
    %get3A_19 = vector.load %arg7[%get3A_17, %get3A_18] : memref<128x64xf32, #tpu.memory_space<vmem>>, vector<128x64xf32>
    %dot_general3A = arith.constant dense<0.000000e+00> : vector<1000x64xf32>
    %dot_general3A_20 = tpu.matmul %get3A_1, %get3A_19, %dot_general3A {dimension_numbers = #tpu.dot_dimension_numbers<[1], [0], [0], [1], [0, 0, 1, 1], [], []>, transpose_lhs_hint = false} : vector<1000x128xf32>, vector<128x64xf32>, vector<1000x64xf32> -> vector<1000x64xf32>
    %get3A_21 = arith.constant 0 : index
    %get3A_22 = arith.constant 0 : index
    %get3A_23 = vector.load %arg8[%get3A_21, %get3A_22] : memref<64x64xf32, #tpu.memory_space<vmem>>, vector<64x64xf32>
    %dot_general3A_24 = arith.constant dense<0.000000e+00> : vector<1000x64xf32>
    %dot_general3A_25 = tpu.matmul %slice3A, %get3A_23, %dot_general3A_24 {dimension_numbers = #tpu.dot_dimension_numbers<[1], [0], [0], [1], [0, 0, 1, 1], [], []>, transpose_lhs_hint = false} : vector<1000x64xf32>, vector<64x64xf32>, vector<1000x64xf32> -> vector<1000x64xf32>
    %add3A_26 = arith.addf %dot_general3A_20, %dot_general3A_25 : vector<1000x64xf32>
    %get3A_27 = arith.constant 0 : index
    %get3A_28 = arith.constant 0 : index
    %get3A_29 = vector.load %arg9[%get3A_27, %get3A_28] : memref<1x64xf32, #tpu.memory_space<vmem>>, vector<1x64xf32>
    %add3A_30 = vector.broadcast %get3A_29 : vector<1x64xf32> to vector<1000x64xf32>
    %add3A_31 = arith.addf %add3A_26, %add3A_30 : vector<1000x64xf32>
    %logistic3A = arith.negf %add3A_31 : vector<1000x64xf32>
    %logistic3A_32 = math.exp %logistic3A : vector<1000x64xf32>
    %logistic3A_33 = arith.constant 1.000000e+00 : f32
    %logistic3A_34 = vector.broadcast %logistic3A_33 : f32 to vector<1000x64xf32>
    %logistic3A_35 = arith.addf %logistic3A_34, %logistic3A_32 : vector<1000x64xf32>
    %logistic3A_36 = arith.divf %logistic3A_34, %logistic3A_35 : vector<1000x64xf32>
    %mul3A = arith.mulf %add3A_31, %logistic3A_36 : vector<1000x64xf32>
    %get3A_37 = arith.constant 0 : index
    %get3A_38 = arith.constant 0 : index
    %get3A_39 = vector.load %arg10[%get3A_37, %get3A_38] : memref<64x128xf32, #tpu.memory_space<vmem>>, vector<64x128xf32>
    %dot_general3A_40 = arith.constant dense<0.000000e+00> : vector<1000x128xf32>
    %dot_general3A_41 = tpu.matmul %mul3A, %get3A_39, %dot_general3A_40 {dimension_numbers = #tpu.dot_dimension_numbers<[1], [0], [0], [1], [0, 0, 1, 1], [], []>, transpose_lhs_hint = false} : vector<1000x64xf32>, vector<64x128xf32>, vector<1000x128xf32> -> vector<1000x128xf32>
    %add3A_42 = arith.addf %get3A_1, %dot_general3A_41 : vector<1000x128xf32>
    %get3A_43 = arith.constant 0 : index
    %get3A_44 = arith.constant 0 : index
    %get3A_45 = vector.load %arg11[%get3A_43, %get3A_44] : memref<1x128xf32, #tpu.memory_space<vmem>>, vector<1x128xf32>
    %add3A_46 = vector.broadcast %get3A_45 : vector<1x128xf32> to vector<1000x128xf32>
    %add3A_47 = arith.addf %add3A_42, %add3A_46 : vector<1000x128xf32>
    %swap3A = arith.constant 0 : index
    %swap3A_48 = arith.constant 0 : index
    %swap3A_49 = vector.load %arg12[%swap3A, %swap3A_48] : memref<1000x128xf32, #tpu.memory_space<vmem>>, vector<1000x128xf32>
    tpu.vector_store %arg12[%swap3A, %swap3A_48], %add3A_47 {strides = array<i32>} : memref<1000x128xf32, #tpu.memory_space<vmem>>, vector<1000x128xf32>,
    %get3A_50 = arith.constant 0 : index
    %get3A_51 = arith.constant 0 : index
    %get3A_52 = vector.load %arg2[%get3A_50, %get3A_51] : memref<1000x3xf32, #tpu.memory_space<vmem>>, vector<1000x3xf32>
    %add3A_53 = arith.addf %get3A_52, %slice3A_16 : vector<1000x3xf32>
    %swap3A_54 = arith.constant 0 : index
    %swap3A_55 = arith.constant 0 : index
    %swap3A_56 = vector.load %arg13[%swap3A_54, %swap3A_55] : memref<1000x3xf32, #tpu.memory_space<vmem>>, vector<1000x3xf32>
    tpu.vector_store %arg13[%swap3A_54, %swap3A_55], %add3A_53 {strides = array<i32>} : memref<1000x3xf32, #tpu.memory_space<vmem>>, vector<1000x3xf32>,
    return
  }
  func.func @transform_0(%arg0: i32) -> (i32, i32) {
    %c0_i32 = arith.constant 0 : i32
    %c0_i32_0 = arith.constant 0 : i32
    return %arg0, %c0_i32 : i32, i32
  }
  func.func @transform_1(%arg0: i32) -> (i32, i32) {
    %c0_i32 = arith.constant 0 : i32
    %c0_i32_0 = arith.constant 0 : i32
    return %arg0, %c0_i32 : i32, i32
  }
  func.func @transform_2(%arg0: i32) -> (i32, i32) {
    %c0_i32 = arith.constant 0 : i32
    %c0_i32_0 = arith.constant 0 : i32
    return %arg0, %c0_i32 : i32, i32
  }
  func.func @transform_3(%arg0: i32) -> (i32, i32) {
    %c0_i32 = arith.constant 0 : i32
    %c0_i32_0 = arith.constant 0 : i32
    return %arg0, %c0_i32 : i32, i32
  }
  func.func @transform_4(%arg0: i32) -> (i32, i32) {
    %c0_i32 = arith.constant 0 : i32
    %c0_i32_0 = arith.constant 0 : i32
    return %arg0, %c0_i32 : i32, i32
  }
  func.func @transform_5(%arg0: i32) -> (i32, i32) {
    %c0_i32 = arith.constant 0 : i32
    %c0_i32_0 = arith.constant 0 : i32
    return %arg0, %c0_i32 : i32, i32
  }
  func.func @transform_6(%arg0: i32) -> (i32, i32) {
    %c0_i32 = arith.constant 0 : i32
    %c0_i32_0 = arith.constant 0 : i32
    %c0_i32_1 = arith.constant 0 : i32
    return %c0_i32, %c0_i32_0 : i32, i32
  }
  func.func @transform_7(%arg0: i32) -> (i32, i32) {
    %c0_i32 = arith.constant 0 : i32
    %c0_i32_0 = arith.constant 0 : i32
    %c0_i32_1 = arith.constant 0 : i32
    return %c0_i32, %c0_i32_0 : i32, i32
  }
  func.func @transform_8(%arg0: i32) -> (i32, i32) {
    %c0_i32 = arith.constant 0 : i32
    %c0_i32_0 = arith.constant 0 : i32
    %c0_i32_1 = arith.constant 0 : i32
    return %c0_i32, %c0_i32_0 : i32, i32
  }
  func.func @transform_9(%arg0: i32) -> (i32, i32) {
    %c0_i32 = arith.constant 0 : i32
    %c0_i32_0 = arith.constant 0 : i32
    %c0_i32_1 = arith.constant 0 : i32
    return %c0_i32, %c0_i32_0 : i32, i32
  }
  func.func @transform_10(%arg0: i32) -> (i32, i32) {
    %c0_i32 = arith.constant 0 : i32
    %c0_i32_0 = arith.constant 0 : i32
    %c0_i32_1 = arith.constant 0 : i32
    return %c0_i32, %c0_i32_0 : i32, i32
  }
  func.func @transform_11(%arg0: i32) -> (i32, i32) {
    %c0_i32 = arith.constant 0 : i32
    %c0_i32_0 = arith.constant 0 : i32
    return %arg0, %c0_i32 : i32, i32
  }
  func.func @transform_12(%arg0: i32) -> (i32, i32) {
    %c0_i32 = arith.constant 0 : i32
    %c0_i32_0 = arith.constant 0 : i32
    return %arg0, %c0_i32 : i32, i32
  }
}

</mosaic_0001>

<sc_bundles>
// kernel: kernel.10.cloned.1.call-start
scs
__scs_entry_jumppad:
0x0: {  	(pc) =	sbr.rel $0x88, $3  }
0x1: {  	(tag) =	ssettag $0x0;
	lr =	simm.s32 $0x1  }
0x2: {  	[smem:$0x3F93] =	sst lr;
	_ =	strace $0xD0000000  }
0x3: {  	_ = 	snop  }
0x4: {  	_ = 	snop  }
0x5: {  	_ = 	snop  }
0x6: {  	_ = 	snop  }
0x7: {  	_ = 	snop  }
__scs_overlays_trampoline_lowered:
0x8: {  	[smem:$0x3FA2] =	sst s0  }
0x9: {  	[smem:$0x3FA3] =	sst s1  }
0xa: {  	[smem:$0x3FA4] =	sst s2  }
0xb: {  	[smem:$0x3FA5] =	sst s3  }
0xc: {  	[smem:$0x3FA6] =	sst s4  }
0xd: {  	[smem:$0x3FA7] =	sst s5  }
0xe: {  	[smem:$0x3FA8] =	sst s6  }
0xf: {  	[smem:$0x3FA9] =	sst s7  }
0x10: {  	[smem:$0x3FAA] =	sst s8  }
0x11: {  	[smem:$0x3FAB] =	sst s9;
	s0 =	simm.s32 @!p0 $0x0  }
0x12: {  	s1 =	sld [smem:$0x3F91];
	s0 =	simm.s32 @p0 $0x1  }
0x13: {  	[smem:$0x3FAC] =	sst s0;
	s0 =	simm.s32 @!p1 $0x0  }
0x14: {  	s2 =	sld [smem:$0x3F90];
	s0 =	simm.s32 @p1 $0x1  }
0x15: {  	[smem:$0x3FAD] =	sst s0;
	s0 =	simm.s32 @!p2 $0x0  }
0x16: {  	s3 =	sld [smem:$0x3FDB];
	s0 =	simm.s32 @p2 $0x1  }
0x17: {  	s4 =	simm.s32 $0x1BF5;
	[smem:$0x3FAF] =	sst s0  }
0x18: {  	s0 =	sld [smem:$0x3F92];
	_ =	swait.ge [sflag:s4], $0x0  }
0x19: {  	s7 =	sld [smem:$0x3F93]  }
0x1a: {  	s8 =	sadd.s32 $0xFFFFE003, lr  }
0x1b: {  	s9 =	sadd.s32 $0xFFFFFEF7, lr;
	s5 =	simm.s32 $0xFFFFFFFF;
	p2 =	slt.u32 s8, $0xFFFFF086  }
0x1c: {  	p1 =	slt.u32 s9, $0xF7A;
	s5 =	simm.s32 @!p2 $0x0  }
0x1d: {  	s5 =	simm.s32 @p1 $0x1;
	p0 =	seq.s32 s7, s2  }
0x1e: {  	s7 =	smul.u32 @!p0 $0xF7A, s2;
	p2 =	seq.s32 @!p0 s5, $0x0  }
0x1f: {  	s9 =	smul.u32 $0xF7A, s1;
	s8 =	simm.s32 @!p0 $0x1BF5;
	p2 =	por !p2, p0  }
0x20: {  	[sflag:s8] =	ssyncset.s32 @!p0 $0xFFFFF086;
	s6 =	sadd.s32 @!p0 s3, s7;
	s7 =	simm.s32 @!p0 $0x108  }
0x21: {  	s3 =	sadd.s32 s3, s9;
	s6 =	sadd.s32 @!p0 $0x88, s6;
	s7 =	simm.s32 @p2 $0x1082  }
0x22: {  	[simem:s7], [sflag:s8] =	dma.local @!p0 [hbm:s6], $0xF7A  }
0x23: {  	s9 =	sor.u32 $0xD0000000, s2;
	s6 =	simm.s32 $0x108;
	_ =	swait.ge @!p0 [sflag:s8], $0x0  }
0x24: {  	s3 =	sadd.s32 $0x88, s3;
	s6 =	simm.s32 @!p1 $0x1082;
	[sflag:s4] =	ssyncset.s32 $0xFFFFF086  }
0x25: {  	[simem:s6], [sflag:s4] =	dma.local [hbm:s3], $0xF7A  }
0x26: {  	[smem:$0x3F93] =	sst s1;
	(tag) =	ssettag s2;
	_ =	strace s9  }
0x27: {  	s1 =	sld [smem:$0x3FA3]  }
0x28: {  	s2 =	sld [smem:$0x3FA4]  }
0x29: {  	s4 =	sld [smem:$0x3FA6]  }
0x2a: {  	p0 =	seq.s32 s5, $0x0;
	s5 =	sld [smem:$0x3FA7]  }
0x2b: {  	s6 =	sld [smem:$0x3FA8]  }
0x2c: {  	s7 =	sld [smem:$0x3FA9]  }
0x2d: {  	s3 =	simm.s32 $0x108;
	s8 =	sld [smem:$0x3FAA]  }
0x2e: {  	s3 =	simm.s32 @!p0 $0x1082;
	s9 =	sld [smem:$0x3FAB]  }
0x2f: {  	lr =	sadd.s32 s0, s3;
	s0 =	sld [smem:$0x3FA2]  }
0x30: {  	s3 =	sld [smem:$0x3FA5]  }
0x31: {  	[smem:$0x3FAE] =	sst s10  }
0x32: {  	s10 =	sld [smem:$0x3FAC];
	_ =	sdelay $0x3  }
0x33: {  	p0 =	seq.s32 s10, $0x1;
	s10 =	sld [smem:$0x3FAE];
	_ =	sdelay $0x3  }
0x34: {  	[smem:$0x3FAE] =	sst s10  }
0x35: {  	s10 =	sld [smem:$0x3FAD];
	_ =	sdelay $0x3  }
0x36: {  	p1 =	seq.s32 s10, $0x1;
	s10 =	sld [smem:$0x3FAE];
	_ =	sdelay $0x3  }
0x37: {  	[smem:$0x3FAE] =	sst s10  }
0x38: {  	s10 =	sld [smem:$0x3FAF]  }
0x39: {  	_ = 	snop;
	(pc) =	sbr.ind lr, $3  }
0x3a: {  	_ = 	snop  }
0x3b: {  	_ = 	snop  }
0x3c: {  	p2 =	seq.s32 s10, $0x1;
	s10 =	sld [smem:$0x3FAE]  }
0x3d: {  	_ =	shalt  }
0x3e: {  	_ =	shalt  }
0x3f: {  	_ =	shalt  }
0x40: {  	_ =	shalt  }
0x41: {  	_ =	shalt  }
0x42: {  	_ =	shalt  }
0x43: {  	_ =	shalt  }
0x44: {  	_ =	shalt  }
0x45: {  	_ =	shalt  }
0x46: {  	_ =	shalt  }
0x47: {  	_ =	shalt  }
0x48: {  	_ =	shalt  }
0x49: {  	_ =	shalt  }
0x4a: {  	_ =	shalt  }
0x4b: {  	_ =	shalt  }
0x4c: {  	_ =	shalt  }
0x4d: {  	_ =	shalt  }
0x4e: {  	_ =	shalt  }
0x4f: {  	_ =	shalt  }
0x50: {  	_ =	shalt  }
0x51: {  	_ =	shalt  }
0x52: {  	_ =	shalt  }
0x53: {  	_ =	shalt  }
0x54: {  	_ =	shalt  }
0x55: {  	_ =	shalt  }
0x56: {  	_ =	shalt  }
0x57: {  	_ =	shalt  }
0x58: {  	_ =	shalt  }
0x59: {  	_ =	shalt  }
0x5a: {  	_ =	shalt  }
0x5b: {  	_ =	shalt  }
0x5c: {  	_ =	shalt  }
0x5d: {  	_ =	shalt  }
0x5e: {  	_ =	shalt  }
0x5f: {  	_ =	shalt  }
0x60: {  	_ =	shalt  }
0x61: {  	_ =	shalt  }
0x62: {  	_ =	shalt  }
0x63: {  	_ =	shalt  }
0x64: {  	_ =	shalt  }
0x65: {  	_ =	shalt  }
0x66: {  	_ =	shalt  }
0x67: {  	_ =	shalt  }
0x68: {  	_ =	shalt  }
0x69: {  	_ =	shalt  }
0x6a: {  	_ =	shalt  }
0x6b: {  	_ =	shalt  }
0x6c: {  	_ =	shalt  }
0x6d: {  	_ =	shalt  }
0x6e: {  	_ =	shalt  }
0x6f: {  	_ =	shalt  }
0x70: {  	_ =	shalt  }
0x71: {  	_ =	shalt  }
0x72: {  	_ =	shalt  }
0x73: {  	_ =	shalt  }
0x74: {  	_ =	shalt  }
0x75: {  	_ =	shalt  }
0x76: {  	_ =	shalt  }
0x77: {  	_ =	shalt  }
0x78: {  	_ =	shalt  }
0x79: {  	_ =	shalt  }
0x7a: {  	_ =	shalt  }
0x7b: {  	_ =	shalt  }
0x7c: {  	_ =	shalt  }
0x7d: {  	_ =	shalt  }
0x7e: {  	_ =	shalt  }
0x7f: {  	_ =	shalt  }
0x80: {  	_ =	shalt  }
0x81: {  	_ =	shalt  }
0x82: {  	_ =	shalt  }
0x83: {  	_ =	shalt  }
0x84: {  	_ =	shalt  }
0x85: {  	_ =	shalt  }
0x86: {  	_ =	shalt  }
0x87: {  	_ =	shalt  }
.Lfunc_end0:
.L_simem_size_0:
called_computation_lowered:
.L_overlay_start_0:
0x88: {  	s2 =	sld [smem:$0x3FD9]  }
0x89: {  	s3 =	sld [smem:$0x3FFE];
	_ =	sdelay $0x1  }
0x8a: {  	s1 =	srdreg.scid  }
0x8b: {  	s0 =	sand.u32 $0x1, s1  }
0x8c: {  	s16 =	sshll.u32 s0, $0xA;
	s2 =	sadd.s32 s3, s2  }
0x8d: {  	s2 =	sadd.s32 s2, s16  }
0x8e: {  	[smem:$0x3FBA] =	sst s2  }
0x8f: {  	_ = 	snop  }
0x90: {  	(tm) =	ssettm $0x1  }
0x91: {  	s17 =	sld [smem:$0x3FFB];
	_ =	sdelay $0x3  }
0x92: {  	_ =	strace s17  }
0x93: {  	s2 =	sld [smem:$0x3FFC];
	_ =	sdelay $0x3  }
0x94: {  	_ =	strace s2  }
0x95: {  	s2 =	sld [smem:$0x3FFD];
	_ =	sdelay $0x3  }
0x96: {  	_ =	strace s2  }
0x97: {  	_ =	strace $0x8FFFFFFF  }
0x98: {  	s18 =	sld [smem:$0x3FDB];
	_ =	sdelay $0x1  }
0x99: {  	s19 =	simm.s32 $_scs_section_size  }
0x9a: {  	s4 =	simm.s32 $_size__tile_overlayer_lowered;
	s5 =	simm.s32 $_tile_overlayer_lowered  }
0x9b: {  	s22 =	simm.s32 $0x1BFF;
	s21 =	sshll.u32 s5, $0x1;
	s2 =	sadd.s32 s19, s18  }
0x9c: {  	s6 =	simm.s32 $0x0;
	s20 =	sshll.u32 s4, $0x1;
	s4 =	sadd.s32 s21, s2  }
0x9d: {  	[timem:s6], [sflag:s22] =	dma.local [hbm:s4], s20  }
0x9e: {  	_ =	swait.ge [sflag:s22], s20  }
0x9f: {  	s3 =	ssub.s32 $0x0, s20;
	[sflag:s22] =	ssyncset.done $0x0  }
0xa0: {  	[sflag:s22] =	ssyncadd.s32 s3;
	_ =	sdelay $0x1  }
0xa1: {  	s23 =	simm.s32 $0x1B8B  }
0xa2: {  	_ =	swait.ge [sflag:s23], $0x1  }
0xa3: {  	[sflag:s23] =	ssyncset.done $0x0  }
0xa4: {  	s25 =	simm.s32 $0x1B8E;
	s24 =	sld [smem:$0x3FFE];
	[sflag:s23] =	ssyncadd.s32 $0xFFFFFFFF  }
0xa5: {  	s26 =	simm.s32 $execute0_lowered;
	[smem:$0x3FD2] =	sst s25  }
0xa6: {  	s4 =	sshll.u32 s26, $0x1;
	_ =	strace $0x80000046;
	[dreg:$0x1] =	wrdreg $0xFFFFFFFF  }
0xa7: {  	s28 =	simm.s32 $_size_execute0_lowered;
	s2 =	sadd.s32 s2, s4;
	[dreg:$0x0] =	wrdreg $0x0  }
0xa8: {  	s4 =	sshll.u32 s28, $0x1;
	[dreg:$0x2] =	wrdreg s2  }
0xa9: {  	[dreg:$0x3] =	wrdreg s4  }
0xaa: {  	[dreg:$0x4] =	wrdreg $0xC0  }
0xab: {  	_ =	task [dreg:s6], $0x5FFFF  }
0xac: {  	[dreg:$0x1] =	wrdreg $0xFFFFFFFF  }
0xad: {  	[dreg:$0x0] =	wrdreg $0x60  }
0xae: {  	[dreg:$0x2] =	wrdreg s24  }
0xaf: {  	[dreg:$0x3] =	wrdreg $0x9  }
0xb0: {  	_ =	task.clear_ibuf [dreg:s6], $0x4FFFF;
	_ =	strace $0x90000046  }
0xb1: {  	s29 =	simm.s32 $0x9;
	_ =	strace $0x80000048  }
0xb2: {  	_ =	swait.ge [sflag:s29], $0x1  }
0xb3: {  	[sflag:s29] =	ssyncadd.s32 $0xFFFFFFFF  }
0xb4: {  	_ =	strace $0x90000048  }
0xb5: {  	_ =	sfence  }
0xb6: {  	s30 =	sld [smem:$0x0];
	_ =	sdelay $0x2  }
0xb7: {  	s31 =	sshll.u32 s1, $0xD;
	s1 =	sshrl.u32 s1, $0x2  }
0xb8: {  	s3 =	sand.u32 $0x4000, s31;
	s1 =	sadd.s32 s1, s30  }
0xb9: {  	s0 =	sor.u32 s3, s0;
	s1 =	sshll.u32 s1, $0x11  }
0xba: {  	s0 =	sor.u32 s1, s0  }
0xbb: {  	s0 =	sadd.s32 $0x8F2B, s0  }
0xbc: {  	[sflag:s0] =	ssyncadd.remote.s32 $0x1  }
0xbd: {  	_ =	sfence.sel $0xFFFF  }
0xbe: {  	[dreg:$0x0] =	wrdreg $0xFFFFFFFF;
	(pc) =	sbr.abs _section_cstart, $3  }
0xbf: {  	[dreg:$0x1] =	wrdreg $0xFFFFFFFF  }
0xc0: {  	_ =	task.clear_ibuf [dreg:s6], $0x2FFFF;
	_ =	strace $0x9FFFFFFF  }
0xc1: {  	(tm) =	ssettm $0x7FFFFFFF  }
tec
execute0_lowered:
.L_overlay_start_1:
0x0: {  	(tag) =	ssettag $0x1  }
0x1: {  	s1 =	srdreg.scid  }
0x2: {  	s0 =	stileid.u32;
	s6 =	rddreg [dreg:$0x0]  }
0x3: {  	s2 =	simm.s32 $0x0;
	s10 =	simm.s32 $0x7;
	s11 =	simm.s32 $0x1480  }
0x4: {  	s12 =	simm.s32 $0xC8;
	s13 =	simm.s32 $0x2900;
	s14 =	simm.s32 $0xF100  }
0x5: {  	s15 =	simm.s32 $0x8D00;
	s16 =	simm.s32 $0x15500;
	s17 =	simm.s32 $0x1  }
0x6: {  	s18 =	simm.s32 $0x3;
	s19 =	simm.s32 $0x5;
	s20 =	simm.s32 $0x2  }
0x7: {  	s21 =	simm.s32 $0x4;
	s7 =	sand.u32 $0x1, s1;
	s3 =	sshll.u32 s0, $0x1  }
0x8: {  	s22 =	simm.s32 $0x6;
	s23 =	simm.s32 $0x0;
	s3 =	sor.u32 s7, s3  }
0x9: {  	s1 =	rddreg [dreg:$0x1];
	s7 =	ssub.s32 $0x2, s7;
	s3 =	smul.u32 $0x1450, s3  }
0xa: {  	[smem:$0x7FF] =	sst s2;
	s4 =	sadd.s32 $0xEE00, s6;
	s9 =	sshrl.u32 s7, $0x1  }
0xb: {  	s5 =	sadd.s32 $0x36000, s6;
	s9 =	ssub.s32 s7, s9;
	s8 =	sshrl.u32 s3, $0x3  }
0xc: {  	_ =	strace $0x80000047;
	s9 =	smax.u32 s9, $0x1;
	s8 =	sadd.s32 s8, s6  }
0xd: {  	s6 =	sadd.s32 $0x5D200, s6;
	s7 =	sadd.s32 $0x9C00, s8;
	s8 =	sadd.s32 $0x4A00, s8  }
.LBB2_1:
0xe: {  	[tilespmem:s2], [sflag:$0x7] =	stream.linear.gather [hbm4b:s7+s2], $0x1450, $0x38;
	[tilespmem:$0x1B900] =	vst v63  }
0xf: {  	_ =	swait.ge [sflag:s10], $0x1450  }
0x10: {  	[sflag:s10] =	ssyncset.done $0x0  }
0x11: {  	[sflag:s10] =	ssyncadd.s32 $0xFFFFEBB0  }
0x12: {  	[tilespmem:s11], [sflag:$0x7] =	stream.linear.gather [hbm4b:s8+s2], $0x1450, $0x38;
	[tilespmem:$0x1B900] =	vst v63  }
0x13: {  	_ =	swait.ge [sflag:s10], $0x1450  }
0x14: {  	[sflag:s10] =	ssyncset.done $0x0  }
0x15: {  	[sflag:s10] =	ssyncadd.s32 $0xFFFFEBB0  }
0x16: {  	[tilespmem:s13], [sflag:$0x1] =	stream.indirect.gather [hbm4b:s4+s12], $0x80, s2, s12, $0xb8;
	[tilespmem:$0x1B900] =	vst v63  }
0x17: {  	s24 =	simm.s32 $0x0  }
0x18: {  	[tilespmem:s14], [sflag:$0x3] =	stream.indirect.gather [hbm4b:s5+s12], $0x80, s11, s12, $0xb8;
	[tilespmem:$0x1B900] =	vst v63  }
.LBB2_2:
0x19: {  	p0 =	seq.s32 s24, $0x0  }
0x1a: {  	s25 =	simm.s32 @!p0 $0x6  }
0x1b: {  	s26 =	smul.u32 $0x190, s24;
	_ =	swait.ge @!p0 [sflag:s25], $0x6400  }
0x1c: {  	[sflag:s25] =	ssyncset.done @!p0 $0x0  }
0x1d: {  	[sflag:s25] =	ssyncadd.s32 @!p0 $0xFFFF9C00;
	s25 =	sadd.s32 $0xC8, s26  }
0x1e: {  	[tilespmem:s15], [sflag:$0x2] =	stream.indirect.gather [hbm4b:s4+s12], $0x80, s25, s12, $0xb8;
	[tilespmem:$0x1B900] =	vst v63  }
0x1f: {  	s28 =	sadd.s32 $0x1548, s26  }
0x20: {  	[tilespmem:s16], [sflag:$0x4] =	stream.indirect.gather [hbm4b:s5+s12], $0x80, s28, s12, $0xb8;
	[tilespmem:$0x1B900] =	vst v63  }
0x21: {  	_ =	swait.ge [sflag:s17], $0x6400  }
0x22: {  	[sflag:s17] =	ssyncset.done $0x0  }
0x23: {  	[sflag:s17] =	ssyncadd.s32 $0xFFFF9C00  }
0x24: {  	_ =	swait.ge [sflag:s18], $0x6400  }
0x25: {  	[sflag:s18] =	ssyncset.done $0x0  }
0x26: {  	s28 =	simm.s32 $0x0;
	[sflag:s18] =	ssyncadd.s32 $0xFFFF9C00  }
0x27: {  	v7 =	vld [tilespmem:s28+$0xF100]  }
0x28: {  	v11 =	vld [tilespmem:s28+$0xF110]  }
0x29: {  	v5 =	vld [tilespmem:s28+$0xF120]  }
0x2a: {  	v4 =	vld [tilespmem:s28+$0xF130]  }
0x2b: {  	v3 =	vld [tilespmem:s28+$0xF140]  }
0x2c: {  	v2 =	vld [tilespmem:s28+$0xF150]  }
0x2d: {  	v1 =	vld [tilespmem:s28+$0xF160]  }
0x2e: {  	v0 =	vld [tilespmem:s28+$0xF170]  }
0x2f: {  	v12 =	vld [tilespmem:s28+$0x2900]  }
0x30: {  	v13 =	vld [tilespmem:s28+$0x2910]  }
0x31: {  	v10 =	vld [tilespmem:s28+$0x2920]  }
0x32: {  	v9 =	vld [tilespmem:s28+$0x2930]  }
0x33: {  	v8 =	vld [tilespmem:s28+$0x2940]  }
0x34: {  	v6 =	vld [tilespmem:s28+$0x2950];
	v12 =	vadd.f32 v7, v12  }
0x35: {  	s29 =	simm.s32 $0x200;
	v11 =	vadd.f32 v11, v13;
	v7 =	vld [tilespmem:s28+$0x2960]  }
.LBB2_3:
0x36: {  	s30 =	sshra.s32 s29, $0x2;
	p0 =	sne.s32 s29, $0x18E00;
	[tilespmem:s28+$0x2900] =	vst v12;
	v5 =	vadd.f32 v5, v10;
	v10 =	vld [tilespmem:s28+$0x2970]  }
0x37: {  	v12 =	vld [tilespmem:s30+$0xF100];
	[tilespmem:s28+$0x2910] =	vst v11;
	v4 =	vadd.f32 v4, v9  }
0x38: {  	v11 =	vld [tilespmem:s30+$0xF110];
	[tilespmem:s28+$0x2920] =	vst v5;
	v3 =	vadd.f32 v3, v8  }
0x39: {  	v5 =	vld [tilespmem:s30+$0xF120];
	[tilespmem:s28+$0x2930] =	vst v4;
	v2 =	vadd.f32 v2, v6  }
0x3a: {  	v4 =	vld [tilespmem:s30+$0xF130];
	[tilespmem:s28+$0x2940] =	vst v3;
	v1 =	vadd.f32 v1, v7  }
0x3b: {  	v3 =	vld [tilespmem:s30+$0xF140];
	[tilespmem:s28+$0x2950] =	vst v2;
	v0 =	vadd.f32 v0, v10  }
0x3c: {  	v2 =	vld [tilespmem:s30+$0xF150];
	[tilespmem:s28+$0x2960] =	vst v1  }
0x3d: {  	v1 =	vld [tilespmem:s30+$0xF160];
	[tilespmem:s28+$0x2970] =	vst v0;
	s28 =	smov.u32 s30  }
0x3e: {  	v0 =	vld [tilespmem:s28+$0xF170]  }
0x3f: {  	v6 =	vld [tilespmem:s28+$0x2900]  }
0x40: {  	v7 =	vld [tilespmem:s28+$0x2910]  }
.Ltmp0:
0x41: {  	v10 =	vld [tilespmem:s28+$0x2920];
	(pc) =	sbr.rel @p0 .LBB2_3-.Ltmp0, $4  }
0x42: {  	v9 =	vld [tilespmem:s28+$0x2930]  }
0x43: {  	v8 =	vld [tilespmem:s28+$0x2940]  }
0x44: {  	v12 =	vadd.f32 v12, v6;
	v6 =	vld [tilespmem:s28+$0x2950]  }
0x45: {  	s29 =	sadd.s32 $0x200, s29;
	v11 =	vadd.f32 v11, v7;
	v7 =	vld [tilespmem:s28+$0x2960]  }
0x46: {  	[tilespmem:s28+$0x2900] =	vst v12;
	v5 =	vadd.f32 v5, v10;
	v10 =	vld [tilespmem:s28+$0x2970]  }
0x47: {  	[tilespmem:s28+$0x2910] =	vst v11;
	v4 =	vadd.f32 v4, v9  }
0x48: {  	[tilespmem:s28+$0x2920] =	vst v5;
	v3 =	vadd.f32 v3, v8  }
0x49: {  	[tilespmem:s28+$0x2930] =	vst v4;
	v2 =	vadd.f32 v2, v6  }
0x4a: {  	[tilespmem:s28+$0x2940] =	vst v3;
	v1 =	vadd.f32 v1, v7  }
0x4b: {  	s29 =	sadd.s32 s3, s26;
	[tilespmem:s28+$0x2950] =	vst v2;
	v0 =	vadd.f32 v0, v10  }
0x4c: {  	s29 =	sshll.u32 s29, $0x4;
	[tilespmem:s28+$0x2960] =	vst v1  }
0x4d: {  	[tilespmem:s28+$0x2970] =	vst v0;
	s28 =	sadd.s32 s6, s29  }
0x4e: {  	[hbm4b:s28+s2] =	stream.linear.scatter [tilespmem:s13], [sflag:$0x5], $0x6400, $0x38;
	[tilespmem:$0x1B900] =	vst v63  }
0x4f: {  	p0 =	seq.s32 s24, $0xC;
	_ =	swait.ge [sflag:s19], $0x6400  }
0x50: {  	s30 =	simm.s32 @!p0 $0x2900;
	[sflag:s19] =	ssyncset.done $0x0  }
0x51: {  	s29 =	simm.s32 @!p0 $0xC8;
	s28 =	sadd.s32 @!p0 $0x190, s26;
	[sflag:s19] =	ssyncadd.s32 $0xFFFF9C00  }
0x52: {  	[tilespmem:s30], [sflag:$0x1] =	stream.indirect.gather @!p0 [hbm4b:s4+s29], $0x80, s28, s29, $0xb8;
	[tilespmem:$0x1B900] =	vst v63  }
0x53: {  	s26 =	sadd.s32 @!p0 $0x1610, s26;
	s28 =	simm.s32 @!p0 $0xF100  }
0x54: {  	[tilespmem:s28], [sflag:$0x3] =	stream.indirect.gather @!p0 [hbm4b:s5+s29], $0x80, s26, s29, $0xb8;
	[tilespmem:$0x1B900] =	vst v63  }
0x55: {  	_ =	swait.ge [sflag:s20], $0x6400  }
0x56: {  	[sflag:s20] =	ssyncset.done $0x0  }
0x57: {  	[sflag:s20] =	ssyncadd.s32 $0xFFFF9C00  }
0x58: {  	_ =	swait.ge [sflag:s21], $0x6400  }
0x59: {  	[sflag:s21] =	ssyncset.done $0x0  }
0x5a: {  	s26 =	simm.s32 $0x0;
	[sflag:s21] =	ssyncadd.s32 $0xFFFF9C00  }
0x5b: {  	v7 =	vld [tilespmem:s26+$0x15500]  }
0x5c: {  	v11 =	vld [tilespmem:s26+$0x15510]  }
0x5d: {  	v5 =	vld [tilespmem:s26+$0x15520]  }
0x5e: {  	v4 =	vld [tilespmem:s26+$0x15530]  }
0x5f: {  	v3 =	vld [tilespmem:s26+$0x15540]  }
0x60: {  	v2 =	vld [tilespmem:s26+$0x15550]  }
0x61: {  	v1 =	vld [tilespmem:s26+$0x15560]  }
0x62: {  	v0 =	vld [tilespmem:s26+$0x15570]  }
0x63: {  	v12 =	vld [tilespmem:s26+$0x8D00]  }
0x64: {  	v13 =	vld [tilespmem:s26+$0x8D10]  }
0x65: {  	v10 =	vld [tilespmem:s26+$0x8D20]  }
0x66: {  	v9 =	vld [tilespmem:s26+$0x8D30]  }
0x67: {  	v8 =	vld [tilespmem:s26+$0x8D40]  }
0x68: {  	v6 =	vld [tilespmem:s26+$0x8D50];
	v12 =	vadd.f32 v7, v12  }
0x69: {  	s28 =	simm.s32 $0x200;
	v11 =	vadd.f32 v11, v13;
	v7 =	vld [tilespmem:s26+$0x8D60]  }
.LBB2_5:
0x6a: {  	s29 =	sshra.s32 s28, $0x2;
	p0 =	sne.s32 s28, $0x18E00;
	[tilespmem:s26+$0x8D00] =	vst v12;
	v5 =	vadd.f32 v5, v10;
	v10 =	vld [tilespmem:s26+$0x8D70]  }
0x6b: {  	v12 =	vld [tilespmem:s29+$0x15500];
	[tilespmem:s26+$0x8D10] =	vst v11;
	v4 =	vadd.f32 v4, v9  }
0x6c: {  	v11 =	vld [tilespmem:s29+$0x15510];
	[tilespmem:s26+$0x8D20] =	vst v5;
	v3 =	vadd.f32 v3, v8  }
0x6d: {  	v5 =	vld [tilespmem:s29+$0x15520];
	[tilespmem:s26+$0x8D30] =	vst v4;
	v2 =	vadd.f32 v2, v6  }
0x6e: {  	v4 =	vld [tilespmem:s29+$0x15530];
	[tilespmem:s26+$0x8D40] =	vst v3;
	v1 =	vadd.f32 v1, v7  }
0x6f: {  	v3 =	vld [tilespmem:s29+$0x15540];
	[tilespmem:s26+$0x8D50] =	vst v2;
	v0 =	vadd.f32 v0, v10  }
0x70: {  	v2 =	vld [tilespmem:s29+$0x15550];
	[tilespmem:s26+$0x8D60] =	vst v1  }
0x71: {  	v1 =	vld [tilespmem:s29+$0x15560];
	[tilespmem:s26+$0x8D70] =	vst v0;
	s26 =	smov.u32 s29  }
0x72: {  	v0 =	vld [tilespmem:s26+$0x15570]  }
0x73: {  	v6 =	vld [tilespmem:s26+$0x8D00]  }
0x74: {  	v7 =	vld [tilespmem:s26+$0x8D10]  }
.Ltmp1:
0x75: {  	v10 =	vld [tilespmem:s26+$0x8D20];
	(pc) =	sbr.rel @p0 .LBB2_5-.Ltmp1, $4  }
0x76: {  	v9 =	vld [tilespmem:s26+$0x8D30]  }
0x77: {  	v8 =	vld [tilespmem:s26+$0x8D40]  }
0x78: {  	v12 =	vadd.f32 v12, v6;
	v6 =	vld [tilespmem:s26+$0x8D50]  }
0x79: {  	s28 =	sadd.s32 $0x200, s28;
	v11 =	vadd.f32 v11, v7;
	v7 =	vld [tilespmem:s26+$0x8D60]  }
0x7a: {  	[tilespmem:s26+$0x8D00] =	vst v12;
	v5 =	vadd.f32 v5, v10;
	v63 =	vld [tilespmem:s26+$0x8D70]  }
0x7b: {  	[tilespmem:s26+$0x8D10] =	vst v11;
	v4 =	vadd.f32 v4, v9  }
0x7c: {  	s24 =	sadd.s32 $0x1, s24;
	[tilespmem:s26+$0x8D20] =	vst v5;
	v3 =	vadd.f32 v3, v8  }
0x7d: {  	p0 =	sne.s32 s24, $0xD;
	[tilespmem:s26+$0x8D30] =	vst v4;
	v2 =	vadd.f32 v2, v6  }
.Ltmp2:
0x7e: {  	[tilespmem:s26+$0x8D40] =	vst v3;
	v1 =	vadd.f32 v1, v7;
	(pc) =	sbr.rel @p0 .LBB2_2-.Ltmp2, $4  }
0x7f: {  	s25 =	sadd.s32 s3, s25;
	[tilespmem:s26+$0x8D50] =	vst v2;
	v0 =	vadd.f32 v0, v63  }
0x80: {  	s25 =	sshll.u32 s25, $0x4;
	[tilespmem:s26+$0x8D60] =	vst v1  }
0x81: {  	s25 =	sadd.s32 s6, s25;
	[tilespmem:s26+$0x8D70] =	vst v0  }
0x82: {  	[hbm4b:s25+s2] =	stream.linear.scatter [tilespmem:s15], [sflag:$0x6], $0x6400, $0x38;
	[tilespmem:$0x1B900] =	vst v63  }
0x83: {  	s23 =	sadd.s32 $0x1, s23  }
0x84: {  	p0 =	sne.s32 s23, s9  }
.Ltmp3:
0x85: {  	_ = 	snop;
	(pc) =	sbr.rel @p0 .LBB2_1-.Ltmp3, $4  }
0x86: {  	_ = 	snop  }
0x87: {  	_ =	swait.ge [sflag:s22], $0x6400  }
0x88: {  	[sflag:s22] =	ssyncset.done $0x0  }
0x89: {  	[sflag:s22] =	ssyncadd.s32 $0xFFFF9C00  }
0x8a: {  	_ =	sfence.sel $0x180000  }
0x8b: {  	[bflag:$0x0] =	sbarrier.arrive $0xFFFF  }
0x8c: {  	p0 =	sne.s32 s0, $0x0;
	_ =	strace $0x90000047  }
0x8d: {  	s0 =	sadd.s32 @!p0 $0x100000, s1;
	[bflag:$0x2] =	sbarrier.arrive $0xFFFF  }
0x8e: {  	[sflag:s0] =	ssyncadd.tile.s32 @!p0 $0x1;
	_ =	shalt  }
.Lfunc_end2:
_tile_overlayer_lowered:
.L_overlay_start_2:
0x8f: {  	(tag) =	ssettag $0x2  }
0x90: {  	s0 =	rddreg [dreg:$0x0];
	s2 =	stileid.u32  }
0x91: {  	s1 =	rddreg [dreg:$0x1];
	p0 =	sne.s32 s2, $0x0  }
0x92: {  	s3 =	rddreg [dreg:$0x2];
	[bflag:$0x3] =	sbarrier.arrive $0xFFFF;
	s2 =	simm.s32 @!p0 $0x1C07  }
0x93: {  	[timem:s3], [sflag:s2] =	dma.local @!p0 [hbm:s0], s1  }
0x94: {  	s0 =	simm.s32 @!p0 $0x7  }
0x95: {  	_ =	swait.ge @!p0 [sflag:s0], s1  }
0x96: {  	s1 =	ssub.s32 @!p0 $0x0, s1;
	[sflag:s0] =	ssyncset.done @!p0 $0x0  }
0x97: {  	[sflag:s0] =	ssyncadd.s32 @!p0 s1  }
0x98: {  	[bflag:$0x3] =	sbarrier.arrive $0xFFFF  }
0x99: {  	_ =	shalt  }

// kernel: kernel.13.cloned.1.call-start
scs
__scs_entry_jumppad:
0x0: {  	(pc) =	sbr.rel $0x88, $3  }
0x1: {  	(tag) =	ssettag $0x0;
	lr =	simm.s32 $0x1  }
0x2: {  	[smem:$0x3F93] =	sst lr;
	_ =	strace $0xD0000000  }
0x3: {  	_ = 	snop  }
0x4: {  	_ = 	snop  }
0x5: {  	_ = 	snop  }
0x6: {  	_ = 	snop  }
0x7: {  	_ = 	snop  }
__scs_overlays_trampoline_lowered:
0x8: {  	[smem:$0x3FA2] =	sst s0  }
0x9: {  	[smem:$0x3FA3] =	sst s1  }
0xa: {  	[smem:$0x3FA4] =	sst s2  }
0xb: {  	[smem:$0x3FA5] =	sst s3  }
0xc: {  	[smem:$0x3FA6] =	sst s4  }
0xd: {  	[smem:$0x3FA7] =	sst s5  }
0xe: {  	[smem:$0x3FA8] =	sst s6  }
0xf: {  	[smem:$0x3FA9] =	sst s7  }
0x10: {  	[smem:$0x3FAA] =	sst s8  }
0x11: {  	[smem:$0x3FAB] =	sst s9;
	s0 =	simm.s32 @!p0 $0x0  }
0x12: {  	s1 =	sld [smem:$0x3F91];
	s0 =	simm.s32 @p0 $0x1  }
0x13: {  	[smem:$0x3FAC] =	sst s0;
	s0 =	simm.s32 @!p1 $0x0  }
0x14: {  	s2 =	sld [smem:$0x3F90];
	s0 =	simm.s32 @p1 $0x1  }
0x15: {  	[smem:$0x3FAD] =	sst s0;
	s0 =	simm.s32 @!p2 $0x0  }
0x16: {  	s3 =	sld [smem:$0x3FDB];
	s0 =	simm.s32 @p2 $0x1  }
0x17: {  	s4 =	simm.s32 $0x1BF5;
	[smem:$0x3FAF] =	sst s0  }
0x18: {  	s0 =	sld [smem:$0x3F92];
	_ =	swait.ge [sflag:s4], $0x0  }
0x19: {  	s7 =	sld [smem:$0x3F93]  }
0x1a: {  	s8 =	sadd.s32 $0xFFFFE003, lr  }
0x1b: {  	s9 =	sadd.s32 $0xFFFFFEF7, lr;
	s5 =	simm.s32 $0xFFFFFFFF;
	p2 =	slt.u32 s8, $0xFFFFF086  }
0x1c: {  	p1 =	slt.u32 s9, $0xF7A;
	s5 =	simm.s32 @!p2 $0x0  }
0x1d: {  	s5 =	simm.s32 @p1 $0x1;
	p0 =	seq.s32 s7, s2  }
0x1e: {  	s7 =	smul.u32 @!p0 $0xF7A, s2;
	p2 =	seq.s32 @!p0 s5, $0x0  }
0x1f: {  	s9 =	smul.u32 $0xF7A, s1;
	s8 =	simm.s32 @!p0 $0x1BF5;
	p2 =	por !p2, p0  }
0x20: {  	[sflag:s8] =	ssyncset.s32 @!p0 $0xFFFFF086;
	s6 =	sadd.s32 @!p0 s3, s7;
	s7 =	simm.s32 @!p0 $0x108  }
0x21: {  	s3 =	sadd.s32 s3, s9;
	s6 =	sadd.s32 @!p0 $0x88, s6;
	s7 =	simm.s32 @p2 $0x1082  }
0x22: {  	[simem:s7], [sflag:s8] =	dma.local @!p0 [hbm:s6], $0xF7A  }
0x23: {  	s9 =	sor.u32 $0xD0000000, s2;
	s6 =	simm.s32 $0x108;
	_ =	swait.ge @!p0 [sflag:s8], $0x0  }
0x24: {  	s3 =	sadd.s32 $0x88, s3;
	s6 =	simm.s32 @!p1 $0x1082;
	[sflag:s4] =	ssyncset.s32 $0xFFFFF086  }
0x25: {  	[simem:s6], [sflag:s4] =	dma.local [hbm:s3], $0xF7A  }
0x26: {  	[smem:$0x3F93] =	sst s1;
	(tag) =	ssettag s2;
	_ =	strace s9  }
0x27: {  	s1 =	sld [smem:$0x3FA3]  }
0x28: {  	s2 =	sld [smem:$0x3FA4]  }
0x29: {  	s4 =	sld [smem:$0x3FA6]  }
0x2a: {  	p0 =	seq.s32 s5, $0x0;
	s5 =	sld [smem:$0x3FA7]  }
0x2b: {  	s6 =	sld [smem:$0x3FA8]  }
0x2c: {  	s7 =	sld [smem:$0x3FA9]  }
0x2d: {  	s3 =	simm.s32 $0x108;
	s8 =	sld [smem:$0x3FAA]  }
0x2e: {  	s3 =	simm.s32 @!p0 $0x1082;
	s9 =	sld [smem:$0x3FAB]  }
0x2f: {  	lr =	sadd.s32 s0, s3;
	s0 =	sld [smem:$0x3FA2]  }
0x30: {  	s3 =	sld [smem:$0x3FA5]  }
0x31: {  	[smem:$0x3FAE] =	sst s10  }
0x32: {  	s10 =	sld [smem:$0x3FAC];
	_ =	sdelay $0x3  }
0x33: {  	p0 =	seq.s32 s10, $0x1;
	s10 =	sld [smem:$0x3FAE];
	_ =	sdelay $0x3  }
0x34: {  	[smem:$0x3FAE] =	sst s10  }
0x35: {  	s10 =	sld [smem:$0x3FAD];
	_ =	sdelay $0x3  }
0x36: {  	p1 =	seq.s32 s10, $0x1;
	s10 =	sld [smem:$0x3FAE];
	_ =	sdelay $0x3  }
0x37: {  	[smem:$0x3FAE] =	sst s10  }
0x38: {  	s10 =	sld [smem:$0x3FAF]  }
0x39: {  	_ = 	snop;
	(pc) =	sbr.ind lr, $3  }
0x3a: {  	_ = 	snop  }
0x3b: {  	_ = 	snop  }
0x3c: {  	p2 =	seq.s32 s10, $0x1;
	s10 =	sld [smem:$0x3FAE]  }
0x3d: {  	_ =	shalt  }
0x3e: {  	_ =	shalt  }
0x3f: {  	_ =	shalt  }
0x40: {  	_ =	shalt  }
0x41: {  	_ =	shalt  }
0x42: {  	_ =	shalt  }
0x43: {  	_ =	shalt  }
0x44: {  	_ =	shalt  }
0x45: {  	_ =	shalt  }
0x46: {  	_ =	shalt  }
0x47: {  	_ =	shalt  }
0x48: {  	_ =	shalt  }
0x49: {  	_ =	shalt  }
0x4a: {  	_ =	shalt  }
0x4b: {  	_ =	shalt  }
0x4c: {  	_ =	shalt  }
0x4d: {  	_ =	shalt  }
0x4e: {  	_ =	shalt  }
0x4f: {  	_ =	shalt  }
0x50: {  	_ =	shalt  }
0x51: {  	_ =	shalt  }
0x52: {  	_ =	shalt  }
0x53: {  	_ =	shalt  }
0x54: {  	_ =	shalt  }
0x55: {  	_ =	shalt  }
0x56: {  	_ =	shalt  }
0x57: {  	_ =	shalt  }
0x58: {  	_ =	shalt  }
0x59: {  	_ =	shalt  }
0x5a: {  	_ =	shalt  }
0x5b: {  	_ =	shalt  }
0x5c: {  	_ =	shalt  }
0x5d: {  	_ =	shalt  }
0x5e: {  	_ =	shalt  }
0x5f: {  	_ =	shalt  }
0x60: {  	_ =	shalt  }
0x61: {  	_ =	shalt  }
0x62: {  	_ =	shalt  }
0x63: {  	_ =	shalt  }
0x64: {  	_ =	shalt  }
0x65: {  	_ =	shalt  }
0x66: {  	_ =	shalt  }
0x67: {  	_ =	shalt  }
0x68: {  	_ =	shalt  }
0x69: {  	_ =	shalt  }
0x6a: {  	_ =	shalt  }
0x6b: {  	_ =	shalt  }
0x6c: {  	_ =	shalt  }
0x6d: {  	_ =	shalt  }
0x6e: {  	_ =	shalt  }
0x6f: {  	_ =	shalt  }
0x70: {  	_ =	shalt  }
0x71: {  	_ =	shalt  }
0x72: {  	_ =	shalt  }
0x73: {  	_ =	shalt  }
0x74: {  	_ =	shalt  }
0x75: {  	_ =	shalt  }
0x76: {  	_ =	shalt  }
0x77: {  	_ =	shalt  }
0x78: {  	_ =	shalt  }
0x79: {  	_ =	shalt  }
0x7a: {  	_ =	shalt  }
0x7b: {  	_ =	shalt  }
0x7c: {  	_ =	shalt  }
0x7d: {  	_ =	shalt  }
0x7e: {  	_ =	shalt  }
0x7f: {  	_ =	shalt  }
0x80: {  	_ =	shalt  }
0x81: {  	_ =	shalt  }
0x82: {  	_ =	shalt  }
0x83: {  	_ =	shalt  }
0x84: {  	_ =	shalt  }
0x85: {  	_ =	shalt  }
0x86: {  	_ =	shalt  }
0x87: {  	_ =	shalt  }
.Lfunc_end0:
.L_simem_size_0:
called_computation.1_lowered:
.L_overlay_start_0:
0x88: {  	s2 =	sld [smem:$0x3FD9]  }
0x89: {  	s3 =	sld [smem:$0x3FFE];
	_ =	sdelay $0x1  }
0x8a: {  	s1 =	srdreg.scid  }
0x8b: {  	s0 =	sand.u32 $0x1, s1  }
0x8c: {  	s17 =	sshll.u32 s0, $0xA;
	s2 =	sadd.s32 s3, s2  }
0x8d: {  	s2 =	sadd.s32 s2, s17  }
0x8e: {  	[smem:$0x3FBA] =	sst s2  }
0x8f: {  	_ = 	snop  }
0x90: {  	(tm) =	ssettm $0x1  }
0x91: {  	s18 =	sld [smem:$0x3FFB];
	_ =	sdelay $0x3  }
0x92: {  	_ =	strace s18  }
0x93: {  	s2 =	sld [smem:$0x3FFC];
	_ =	sdelay $0x3  }
0x94: {  	_ =	strace s2  }
0x95: {  	s2 =	sld [smem:$0x3FFD];
	_ =	sdelay $0x3  }
0x96: {  	_ =	strace s2  }
0x97: {  	_ =	strace $0x8FFFFFFF  }
0x98: {  	s19 =	sld [smem:$0x3FDB];
	_ =	sdelay $0x1  }
0x99: {  	s20 =	simm.s32 $_scs_section_size  }
0x9a: {  	s4 =	simm.s32 $_size__tile_overlayer_lowered;
	s5 =	simm.s32 $_tile_overlayer_lowered  }
0x9b: {  	s6 =	simm.s32 $0x1BFF;
	s21 =	sshll.u32 s5, $0x1;
	s3 =	sadd.s32 s20, s19  }
0x9c: {  	s22 =	simm.s32 $0x0;
	s4 =	sshll.u32 s4, $0x1;
	s5 =	sadd.s32 s21, s3  }
0x9d: {  	[timem:s22], [sflag:s6] =	dma.local [hbm:s5], s4  }
0x9e: {  	_ =	swait.ge [sflag:s6], s4  }
0x9f: {  	s4 =	ssub.s32 $0x0, s4;
	[sflag:s6] =	ssyncset.done $0x0  }
0xa0: {  	[sflag:s6] =	ssyncadd.s32 s4;
	_ =	sdelay $0x1  }
0xa1: {  	s23 =	simm.s32 $0x1B8B  }
0xa2: {  	_ =	swait.ge [sflag:s23], $0x1  }
0xa3: {  	[sflag:s23] =	ssyncset.done $0x0  }
0xa4: {  	[sflag:s23] =	ssyncadd.s32 $0xFFFFFFFF  }
0xa5: {  	s4 =	sld [smem:$0x0]  }
0xa6: {  	s5 =	sand.u32 $0xFFFFFFFE, s1  }
0xa7: {  	p0 =	sne.s32 s1, s5  }
0xa8: {  	s5 =	sshll.u32 @p0 s5, $0xE  }
0xa9: {  	s5 =	sadd.s32 @p0 $0x11B8D, s5;
	s6 =	sshll.u32 @p0 s4, $0x11  }
0xaa: {  	s5 =	sor.u32 @p0 s6, s5  }
0xab: {  	[sflag:s5] =	ssyncadd.remote.s32 @p0 $0x1;
	_ =	sdelay $0x1  }
0xac: {  	s5 =	simm.s32 @p0 $0x1B8D  }
0xad: {  	_ =	swait.eq @p0 [sflag:s5], $0x1  }
0xae: {  	[sflag:s5] =	ssyncadd.s32 @p0 $0xFFFFFFFF  }
0xaf: {  	s6 =	sshll.u32 @!p0 s1, $0xE  }
0xb0: {  	s6 =	sor.u32 @!p0 $0x4000, s6;
	s5 =	simm.s32 @!p0 $0x1B8D  }
0xb1: {  	s4 =	sshll.u32 @!p0 s4, $0x11;
	s6 =	sadd.s32 @!p0 $0x11B8D, s6;
	_ =	swait.eq @!p0 [sflag:s5], $0x1  }
0xb2: {  	s4 =	sor.u32 @!p0 s4, s6;
	[sflag:s5] =	ssyncadd.s32 @!p0 $0xFFFFFFFF  }
0xb3: {  	s25 =	simm.s32 $0x1B8E;
	s24 =	sld [smem:$0x3FFE];
	[sflag:s4] =	ssyncadd.remote.s32 @!p0 $0x1  }
0xb4: {  	s26 =	simm.s32 $execute0_lowered;
	[smem:$0x3FD2] =	sst s25  }
0xb5: {  	s5 =	sshll.u32 s26, $0x1;
	_ =	strace $0x8000004C;
	[dreg:$0x1] =	wrdreg $0xFFFFFFFF  }
0xb6: {  	s28 =	simm.s32 $_size_execute0_lowered;
	s3 =	sadd.s32 s3, s5;
	[dreg:$0x0] =	wrdreg $0x0  }
0xb7: {  	s5 =	sshll.u32 s28, $0x1;
	[dreg:$0x2] =	wrdreg s3  }
0xb8: {  	[dreg:$0x3] =	wrdreg s5  }
0xb9: {  	[dreg:$0x4] =	wrdreg $0xC0  }
0xba: {  	_ =	task [dreg:s22], $0x5FFFF  }
0xbb: {  	[dreg:$0x1] =	wrdreg $0xFFFFFFFF  }
0xbc: {  	[dreg:$0x0] =	wrdreg $0x60  }
0xbd: {  	[dreg:$0x2] =	wrdreg s24  }
0xbe: {  	[dreg:$0x3] =	wrdreg $0x94000  }
0xbf: {  	[dreg:$0x4] =	wrdreg $0x9  }
0xc0: {  	_ =	task.clear_ibuf [dreg:s22], $0x5FFFF;
	_ =	strace $0x9000004C  }
0xc1: {  	s29 =	simm.s32 $0x9;
	_ =	strace $0x8000004E  }
0xc2: {  	_ =	swait.ge [sflag:s29], $0x1  }
0xc3: {  	[sflag:s29] =	ssyncadd.s32 $0xFFFFFFFF  }
0xc4: {  	_ =	strace $0x9000004E  }
0xc5: {  	_ =	sfence  }
0xc6: {  	s30 =	sld [smem:$0x0];
	_ =	sdelay $0x2  }
0xc7: {  	s31 =	sshll.u32 s1, $0xD;
	s1 =	sshrl.u32 s1, $0x2  }
0xc8: {  	s4 =	sand.u32 $0x4000, s31;
	s1 =	sadd.s32 s1, s30  }
0xc9: {  	s0 =	sor.u32 s4, s0;
	s1 =	sshll.u32 s1, $0x11  }
0xca: {  	s0 =	sor.u32 s1, s0  }
0xcb: {  	s0 =	sadd.s32 $0x8F2B, s0  }
0xcc: {  	[sflag:s0] =	ssyncadd.remote.s32 $0x1  }
0xcd: {  	_ =	sfence.sel $0xFFFF  }
0xce: {  	[dreg:$0x0] =	wrdreg $0xFFFFFFFF;
	(pc) =	sbr.abs _section_cstart, $3  }
0xcf: {  	[dreg:$0x1] =	wrdreg $0xFFFFFFFF  }
0xd0: {  	_ =	task.clear_ibuf [dreg:s22], $0x2FFFF;
	_ =	strace $0x9FFFFFFF  }
0xd1: {  	(tm) =	ssettm $0x7FFFFFFF  }
tec
execute0_lowered:
.L_overlay_start_1:
0x0: {  	(tag) =	ssettag $0x1  }
0x1: {  	s16 =	stileid.u32  }
0x2: {  	s3 =	smul.u32 $0x14000, s16  }
0x3: {  	s0 =	srdreg.scid;
	s25 =	smul.u32 $0x28A00, s16  }
0x4: {  	s0 =	sand.u32 $0x1, s0;
	s26 =	smul.u32 $0x50000, s16  }
0x5: {  	s4 =	rddreg [dreg:$0x0];
	s1 =	sshll.u32 s16, $0x1;
	s2 =	smul.u32 $0x140000, s0  }
0x6: {  	s1 =	sor.u32 s0, s1;
	s6 =	ssub.s32 $0x2, s0;
	s0 =	smul.u32 $0x14500, s0  }
0x7: {  	s7 =	sadd.s32 $0x5D200, s4;
	s5 =	smul.u32 $0x480, s1;
	s8 =	sshrl.u32 s6, $0x1  }
0x8: {  	s1 =	smul.u32 $0x14500, s1;
	s12 =	sadd.s32 $0x6000, s3;
	s15 =	sadd.s32 $0xA000, s3  }
0x9: {  	s17 =	sadd.s32 $0xC000, s3;
	s9 =	sadd.s32 s2, s3;
	s6 =	ssub.s32 s6, s8  }
0xa: {  	s13 =	sadd.s32 s2, s12;
	s18 =	sadd.s32 s2, s15;
	s10 =	sshrl.u32 s9, $0x3  }
0xb: {  	s9 =	sadd.s32 $0x4000, s3;
	s13 =	sshrl.u32 s13, $0x3;
	s8 =	sadd.s32 s7, s10  }
0xc: {  	s11 =	sadd.s32 s2, s9;
	[dreg:$0x3] =	wrdreg s8;
	s8 =	sor.u32 $0x2000, s3  }
0xd: {  	s24 =	sadd.s32 s5, s4;
	s11 =	sshrl.u32 s11, $0x3;
	s10 =	sadd.s32 s2, s8  }
0xe: {  	s4 =	sadd.s32 $0x7DBA00, s4;
	s11 =	sadd.s32 s7, s11;
	s10 =	sshrl.u32 s10, $0x3  }
0xf: {  	s5 =	sshrl.u32 s26, $0x2;
	[dreg:$0x5] =	wrdreg s11;
	s10 =	sadd.s32 s7, s10  }
0x10: {  	[dreg:$0x4] =	wrdreg s10;
	s10 =	sadd.s32 s7, s13;
	s13 =	sshrl.u32 s18, $0x3  }
0x11: {  	s18 =	sadd.s32 $0xE000, s3;
	[dreg:$0x6] =	wrdreg s10;
	s10 =	sadd.s32 $0x8000, s3  }
0x12: {  	s19 =	sadd.s32 s7, s13;
	s21 =	sadd.s32 s2, s18;
	s14 =	sadd.s32 s2, s10  }
0x13: {  	[dreg:$0x8] =	wrdreg s19;
	s19 =	sadd.s32 $0x10000, s3;
	s3 =	sadd.s32 $0x12000, s3  }
0x14: {  	s11 =	sshrl.u32 s14, $0x3;
	s14 =	sadd.s32 s2, s17;
	s22 =	sadd.s32 s2, s19  }
0x15: {  	s2 =	sadd.s32 s2, s3;
	s11 =	sadd.s32 s7, s11;
	s20 =	sshrl.u32 s14, $0x3  }
0x16: {  	s13 =	sshrl.u32 s22, $0x3;
	s2 =	sshrl.u32 s2, $0x3;
	[dreg:$0x7] =	wrdreg s11  }
0x17: {  	s11 =	sadd.s32 s7, s20;
	s23 =	sadd.s32 s7, s13;
	s13 =	rddreg [dreg:$0x1]  }
0x18: {  	s14 =	sadd.s32 s4, s1;
	s4 =	sadd.s32 s25, s4;
	[dreg:$0x9] =	wrdreg s11  }
0x19: {  	s2 =	sadd.s32 s7, s2;
	s0 =	sadd.s32 s0, s4;
	[dreg:$0xb] =	wrdreg s23  }
0x1a: {  	s11 =	sshrl.u32 s21, $0x3;
	[dreg:$0xc] =	wrdreg s2;
	s2 =	sadd.s32 $0x548A00, s24  }
0x1b: {  	s16 =	sadd.s32 s5, s13;
	s8 =	sadd.s32 s8, s13;
	s20 =	sadd.s32 s9, s13  }
0x1c: {  	s21 =	sadd.s32 s12, s13;
	s22 =	sadd.s32 s10, s13;
	s11 =	sadd.s32 s7, s11  }
0x1d: {  	s23 =	sadd.s32 s15, s13;
	[dreg:$0xa] =	wrdreg s11;
	s11 =	simm.s32 $0x0  }
0x1e: {  	s24 =	sadd.s32 s17, s13;
	s25 =	sadd.s32 s18, s13;
	[smem:$0x7FF] =	sst s11  }
0x1f: {  	s7 =	smax.u32 s6, $0x1;
	_ =	strace $0x8000004D;
	[dreg:$0xd] =	wrdreg s2  }
0x20: {  	s26 =	sadd.s32 s19, s13;
	s28 =	sadd.s32 $0xF00, s0;
	[dreg:$0xe] =	wrdreg s7  }
0x21: {  	s5 =	sadd.s32 $0x500, s14;
	s9 =	simm.s32 $0x2400;
	[dreg:$0xf] =	wrdreg s8  }
0x22: {  	s10 =	simm.s32 $0x4C00;
	s15 =	simm.s32 $0x1;
	[dreg:$0x10] =	wrdreg s20  }
0x23: {  	s17 =	simm.s32 $0x50;
	s18 =	simm.s32 $0x3;
	[dreg:$0x11] =	wrdreg s21  }
0x24: {  	s19 =	simm.s32 $0x2;
	s29 =	sadd.s32 $0x2000, s16;
	[dreg:$0x12] =	wrdreg s22  }
0x25: {  	s30 =	sadd.s32 $0x4000, s16;
	s31 =	sadd.s32 $0x6000, s16;
	[dreg:$0x13] =	wrdreg s23  }
0x26: {  	s12 =	sadd.s32 $0x8000, s16;
	s0 =	sadd.s32 $0xA000, s16;
	[dreg:$0x14] =	wrdreg s24  }
0x27: {  	s1 =	sadd.s32 $0xC000, s16;
	s4 =	sadd.s32 $0x12000, s16;
	[dreg:$0x15] =	wrdreg s25  }
0x28: {  	s6 =	sadd.s32 $0xA00, s14;
	[dreg:$0x16] =	wrdreg s26;
	s26 =	sadd.s32 s3, s13  }
0x29: {  	s2 =	sadd.s32 $0xE000, s16;
	s3 =	sadd.s32 $0x10000, s16;
	s7 =	simm.s32 $0x5  }
0x2a: {  	v0 =	vimm.f32 $0.0e+00;
	s8 =	simm.s32 $0x7400;
	s20 =	simm.s32 $0x4;
	s21 =	simm.s32 $0x0  }
.LBB2_1:
0x2b: {  	s22 =	rddreg [dreg:$0xd]  }
0x2c: {  	[tilespmem:s11], [sflag:$0x5] =	stream.linear.gather [hbm4b:s22+s11], $0x2080, $0x38;
	[tilespmem:$0x1D400] =	vst v63  }
0x2d: {  	s25 =	sand.u32 $0x7E00, s11;
	s23 =	sand.u32 $0x70, s11;
	_ =	swait.ge [sflag:s7], $0x2080  }
0x2e: {  	s24 =	sshrl.u32 s25, $0x2;
	s22 =	simm.s32 $0x40;
	[sflag:s7] =	ssyncset.done $0x0  }
0x2f: {  	s24 =	sor.u32 s23, s24;
	s23 =	simm.s32 $0x0;
	[sflag:s7] =	ssyncadd.s32 $0xFFFFDF80  }
.LBB2_2:
0x30: {  	p0 =	sne.s32 s22, $0x7FC0  }
0x31: {  	[tilespmem:s24+$0x7400] =	vst v0;
	s23 =	sadd.s32 $0x10, s23;
	s24 =	smov.u32 s22;
	s22 =	sadd.s32 $0x40, s22  }
.Ltmp0:
0x32: {  	(pc) =	sbr.rel @p0 .LBB2_2-.Ltmp0, $4  }
0x33: {  	_ = 	snop  }
0x34: {  	s24 =	sand.u32 $0x7E00, s24  }
0x35: {  	s25 =	sand.u32 $0x70, s23;
	s24 =	sshrl.u32 s24, $0x2  }
0x36: {  	s24 =	sor.u32 s25, s24  }
0x37: {  	[tilespmem:s24+$0x7400] =	vst v0  }
0x38: {  	[spmem:s16] =	stream.linear.scatter [tilespmem:s8], [sflag:$0x5], $0x2000, $0x38;
	[tilespmem:$0x1D400] =	vst v63  }
0x39: {  	_ =	swait.ge [sflag:s7], $0x2000  }
0x3a: {  	[sflag:s7] =	ssyncset.done $0x0  }
0x3b: {  	[sflag:s7] =	ssyncadd.s32 $0xFFFFE000  }
0x3c: {  	[spmem:s29] =	stream.linear.scatter [tilespmem:s8], [sflag:$0x5], $0x2000, $0x38;
	[tilespmem:$0x1D400] =	vst v63  }
0x3d: {  	_ =	swait.ge [sflag:s7], $0x2000  }
0x3e: {  	[sflag:s7] =	ssyncset.done $0x0  }
0x3f: {  	[sflag:s7] =	ssyncadd.s32 $0xFFFFE000  }
0x40: {  	[spmem:s30] =	stream.linear.scatter [tilespmem:s8], [sflag:$0x5], $0x2000, $0x38;
	[tilespmem:$0x1D400] =	vst v63  }
0x41: {  	_ =	swait.ge [sflag:s7], $0x2000  }
0x42: {  	[sflag:s7] =	ssyncset.done $0x0  }
0x43: {  	[sflag:s7] =	ssyncadd.s32 $0xFFFFE000  }
0x44: {  	[spmem:s31] =	stream.linear.scatter [tilespmem:s8], [sflag:$0x5], $0x2000, $0x38;
	[tilespmem:$0x1D400] =	vst v63  }
0x45: {  	_ =	swait.ge [sflag:s7], $0x2000  }
0x46: {  	[sflag:s7] =	ssyncset.done $0x0  }
0x47: {  	[sflag:s7] =	ssyncadd.s32 $0xFFFFE000  }
0x48: {  	[spmem:s12] =	stream.linear.scatter [tilespmem:s8], [sflag:$0x5], $0x2000, $0x38;
	[tilespmem:$0x1D400] =	vst v63  }
0x49: {  	_ =	swait.ge [sflag:s7], $0x2000  }
0x4a: {  	[sflag:s7] =	ssyncset.done $0x0  }
0x4b: {  	[sflag:s7] =	ssyncadd.s32 $0xFFFFE000  }
0x4c: {  	[spmem:s0] =	stream.linear.scatter [tilespmem:s8], [sflag:$0x5], $0x2000, $0x38;
	[tilespmem:$0x1D400] =	vst v63  }
0x4d: {  	_ =	swait.ge [sflag:s7], $0x2000  }
0x4e: {  	[sflag:s7] =	ssyncset.done $0x0  }
0x4f: {  	[sflag:s7] =	ssyncadd.s32 $0xFFFFE000  }
0x50: {  	[spmem:s1] =	stream.linear.scatter [tilespmem:s8], [sflag:$0x5], $0x2000, $0x38;
	[tilespmem:$0x1D400] =	vst v63  }
0x51: {  	_ =	swait.ge [sflag:s7], $0x2000  }
0x52: {  	[sflag:s7] =	ssyncset.done $0x0  }
0x53: {  	[sflag:s7] =	ssyncadd.s32 $0xFFFFE000  }
0x54: {  	[spmem:s2] =	stream.linear.scatter [tilespmem:s8], [sflag:$0x5], $0x2000, $0x38;
	[tilespmem:$0x1D400] =	vst v63  }
0x55: {  	_ =	swait.ge [sflag:s7], $0x2000  }
0x56: {  	[sflag:s7] =	ssyncset.done $0x0  }
0x57: {  	[sflag:s7] =	ssyncadd.s32 $0xFFFFE000  }
0x58: {  	[spmem:s3] =	stream.linear.scatter [tilespmem:s8], [sflag:$0x5], $0x2000, $0x38;
	[tilespmem:$0x1D400] =	vst v63  }
0x59: {  	_ =	swait.ge [sflag:s7], $0x2000  }
0x5a: {  	[sflag:s7] =	ssyncset.done $0x0  }
0x5b: {  	[sflag:s7] =	ssyncadd.s32 $0xFFFFE000  }
0x5c: {  	[spmem:s4] =	stream.linear.scatter [tilespmem:s8], [sflag:$0x5], $0x2000, $0x38;
	[tilespmem:$0x1D400] =	vst v63  }
0x5d: {  	_ =	swait.ge [sflag:s7], $0x2000  }
0x5e: {  	[sflag:s7] =	ssyncset.done $0x0  }
0x5f: {  	[sflag:s7] =	ssyncadd.s32 $0xFFFFE000  }
0x60: {  	s22 =	simm.s32 $0x0;
	[bflag:$0x0] =	sbarrier.arrive $0xFFFF  }
0x61: {  	[tilespmem:s9], [sflag:$0x1] =	stream.linear.gather [hbm4b:s14+s22], $0x2800, $0x38;
	[tilespmem:$0x1D400] =	vst v63  }
0x62: {  	_ = 	snop  }
0x63: {  	[tilespmem:s10], [sflag:$0x2] =	stream.linear.gather [hbm4b:s5+s22], $0x2800, $0x38;
	[tilespmem:$0x1D400] =	vst v63  }
0x64: {  	_ =	swait.ge [sflag:s15], $0x2800  }
0x65: {  	[sflag:s15] =	ssyncset.done $0x0  }
0x66: {  	[sflag:s15] =	ssyncadd.s32 $0xFFFFD800  }
0x67: {  	[spmem:s13] =	stream.indirect.scatter.add.f32 [tilespmem:s9], [sflag:$0x3], $0x80, s22, s17, $0xb8;
	[tilespmem:$0x1D400] =	vst v63  }
0x68: {  	_ =	swait.ge [sflag:s18], $0x2800  }
0x69: {  	[sflag:s18] =	ssyncset.done $0x0  }
0x6a: {  	[sflag:s18] =	ssyncadd.s32 $0xFFFFD800  }
0x6b: {  	[tilespmem:s9], [sflag:$0x1] =	stream.linear.gather [hbm4b:s6+s22], $0x2800, $0x38;
	[tilespmem:$0x1D400] =	vst v63  }
0x6c: {  	_ =	swait.ge [sflag:s19], $0x2800  }
0x6d: {  	[sflag:s19] =	ssyncset.done $0x0  }
0x6e: {  	s23 =	simm.s32 $0x80;
	[sflag:s19] =	ssyncadd.s32 $0xFFFFD800  }
0x6f: {  	[spmem:s13] =	stream.indirect.scatter.add.f32 [tilespmem:s10], [sflag:$0x4], $0x80, s23, s17, $0xb8;
	[tilespmem:$0x1D400] =	vst v63  }
0x70: {  	_ =	swait.ge [sflag:s20], $0x2800  }
0x71: {  	[sflag:s20] =	ssyncset.done $0x0  }
0x72: {  	[sflag:s20] =	ssyncadd.s32 $0xFFFFD800  }
0x73: {  	[tilespmem:s10], [sflag:$0x2] =	stream.linear.gather [hbm4b:s28+s11], $0x2800, $0x38;
	[tilespmem:$0x1D400] =	vst v63  }
0x74: {  	_ =	swait.ge [sflag:s15], $0x2800  }
0x75: {  	[sflag:s15] =	ssyncset.done $0x0  }
0x76: {  	s24 =	simm.s32 $0x100;
	[sflag:s15] =	ssyncadd.s32 $0xFFFFD800  }
0x77: {  	[spmem:s13] =	stream.indirect.scatter.add.f32 [tilespmem:s9], [sflag:$0x3], $0x80, s24, s17, $0xb8;
	[tilespmem:$0x1D400] =	vst v63  }
0x78: {  	_ =	swait.ge [sflag:s18], $0x2800  }
0x79: {  	[sflag:s18] =	ssyncset.done $0x0  }
0x7a: {  	s25 =	sadd.s32 $0x500, s28;
	[sflag:s18] =	ssyncadd.s32 $0xFFFFD800  }
0x7b: {  	[tilespmem:s9], [sflag:$0x1] =	stream.linear.gather [hbm4b:s25+s11], $0x2800, $0x38;
	[tilespmem:$0x1D400] =	vst v63  }
0x7c: {  	_ =	swait.ge [sflag:s19], $0x2800  }
0x7d: {  	s22 =	simm.s32 $0x400;
	[sflag:s19] =	ssyncset.done $0x0  }
0x7e: {  	s23 =	sadd.s32 $0xA00, s28;
	s24 =	simm.s32 $0x180;
	[sflag:s19] =	ssyncadd.s32 $0xFFFFD800  }
.LBB2_4:
0x7f: {  	[spmem:s13] =	stream.indirect.scatter.add.f32 [tilespmem:s10], [sflag:$0x4], $0x80, s24, s17, $0xb8;
	[tilespmem:$0x1D400] =	vst v63  }
0x80: {  	s24 =	smov.u32 s22  }
0x81: {  	p0 =	sne.s32 s22, $0x7800;
	s22 =	sadd.s32 $0x400, s22;
	_ =	swait.ge [sflag:s20], $0x2800  }
0x82: {  	[sflag:s20] =	ssyncset.done $0x0  }
0x83: {  	[sflag:s20] =	ssyncadd.s32 $0xFFFFD800  }
0x84: {  	[tilespmem:s10], [sflag:$0x2] =	stream.linear.gather [hbm4b:s23+s11], $0x2800, $0x38;
	[tilespmem:$0x1D400] =	vst v63  }
0x85: {  	_ =	swait.ge [sflag:s15], $0x2800  }
0x86: {  	s24 =	sshra.s32 s24, $0x2;
	[sflag:s15] =	ssyncset.done $0x0  }
0x87: {  	s25 =	sadd.s32 $0x100, s24;
	[sflag:s15] =	ssyncadd.s32 $0xFFFFD800  }
0x88: {  	[spmem:s13] =	stream.indirect.scatter.add.f32 [tilespmem:s9], [sflag:$0x3], $0x80, s25, s17, $0xb8;
	[tilespmem:$0x1D400] =	vst v63  }
0x89: {  	_ =	swait.ge [sflag:s18], $0x2800  }
0x8a: {  	[sflag:s18] =	ssyncset.done $0x0  }
.Ltmp1:
0x8b: {  	s25 =	sadd.s32 $0x500, s23;
	[sflag:s18] =	ssyncadd.s32 $0xFFFFD800;
	(pc) =	sbr.rel @p0 .LBB2_4-.Ltmp1, $4  }
0x8c: {  	[tilespmem:s9], [sflag:$0x1] =	stream.linear.gather [hbm4b:s25+s11], $0x2800, $0x38;
	[tilespmem:$0x1D400] =	vst v63  }
0x8d: {  	_ =	swait.ge [sflag:s19], $0x2800  }
0x8e: {  	[sflag:s19] =	ssyncset.done $0x0  }
0x8f: {  	s24 =	sadd.s32 $0x180, s24;
	s23 =	sadd.s32 $0xA00, s23;
	[sflag:s19] =	ssyncadd.s32 $0xFFFFD800  }
0x90: {  	[spmem:s13] =	stream.indirect.scatter.add.f32 [tilespmem:s10], [sflag:$0x4], $0x80, s24, s17, $0xb8;
	[tilespmem:$0x1D400] =	vst v63  }
0x91: {  	_ =	swait.ge [sflag:s20], $0x2800  }
0x92: {  	[sflag:s20] =	ssyncset.done $0x0  }
0x93: {  	[sflag:s20] =	ssyncadd.s32 $0xFFFFD800  }
0x94: {  	_ =	swait.ge [sflag:s15], $0x2800  }
0x95: {  	[sflag:s15] =	ssyncset.done $0x0  }
0x96: {  	s22 =	simm.s32 $0x2000;
	[sflag:s15] =	ssyncadd.s32 $0xFFFFD800  }
0x97: {  	[spmem:s13] =	stream.indirect.scatter.add.f32 [tilespmem:s9], [sflag:$0x3], $0x80, s22, s17, $0xb8;
	[tilespmem:$0x1D400] =	vst v63  }
0x98: {  	_ =	swait.ge [sflag:s18], $0x2800  }
0x99: {  	[sflag:s18] =	ssyncset.done $0x0  }
0x9a: {  	[sflag:s18] =	ssyncadd.s32 $0xFFFFD800  }
0x9b: {  	[bflag:$0x0] =	sbarrier.arrive $0xFFFF  }
0x9c: {  	[tilespmem:s8], [sflag:$0x5] =	stream.linear.gather [spmem:s16], $0x2000, $0x38;
	[tilespmem:$0x1D400] =	vst v63  }
0x9d: {  	_ =	swait.ge [sflag:s7], $0x2000  }
0x9e: {  	[sflag:s7] =	ssyncset.done $0x0  }
0x9f: {  	s25 =	rddreg [dreg:$0x3];
	[sflag:s7] =	ssyncadd.s32 $0xFFFFE000  }
0xa0: {  	[hbm4b:s25+s11] =	stream.linear.scatter [tilespmem:s8], [sflag:$0x5], $0x2000, $0x38;
	[tilespmem:$0x1D400] =	vst v63  }
0xa1: {  	_ =	swait.ge [sflag:s7], $0x2000  }
0xa2: {  	[sflag:s7] =	ssyncset.done $0x0  }
0xa3: {  	s23 =	rddreg [dreg:$0xf];
	[sflag:s7] =	ssyncadd.s32 $0xFFFFE000  }
0xa4: {  	[tilespmem:s8], [sflag:$0x5] =	stream.linear.gather [spmem:s23], $0x2000, $0x38;
	[tilespmem:$0x1D400] =	vst v63  }
0xa5: {  	_ =	swait.ge [sflag:s7], $0x2000  }
0xa6: {  	[sflag:s7] =	ssyncset.done $0x0  }
0xa7: {  	s24 =	rddreg [dreg:$0x4];
	[sflag:s7] =	ssyncadd.s32 $0xFFFFE000  }
0xa8: {  	[hbm4b:s24+s11] =	stream.linear.scatter [tilespmem:s8], [sflag:$0x5], $0x2000, $0x38;
	[tilespmem:$0x1D400] =	vst v63  }
0xa9: {  	_ =	swait.ge [sflag:s7], $0x2000  }
0xaa: {  	[sflag:s7] =	ssyncset.done $0x0  }
0xab: {  	s25 =	rddreg [dreg:$0x10];
	[sflag:s7] =	ssyncadd.s32 $0xFFFFE000  }
0xac: {  	[tilespmem:s8], [sflag:$0x5] =	stream.linear.gather [spmem:s25], $0x2000, $0x38;
	[tilespmem:$0x1D400] =	vst v63  }
0xad: {  	_ =	swait.ge [sflag:s7], $0x2000  }
0xae: {  	[sflag:s7] =	ssyncset.done $0x0  }
0xaf: {  	s23 =	rddreg [dreg:$0x5];
	[sflag:s7] =	ssyncadd.s32 $0xFFFFE000  }
0xb0: {  	[hbm4b:s23+s11] =	stream.linear.scatter [tilespmem:s8], [sflag:$0x5], $0x2000, $0x38;
	[tilespmem:$0x1D400] =	vst v63  }
0xb1: {  	_ =	swait.ge [sflag:s7], $0x2000  }
0xb2: {  	[sflag:s7] =	ssyncset.done $0x0  }
0xb3: {  	s24 =	rddreg [dreg:$0x11];
	[sflag:s7] =	ssyncadd.s32 $0xFFFFE000  }
0xb4: {  	[tilespmem:s8], [sflag:$0x5] =	stream.linear.gather [spmem:s24], $0x2000, $0x38;
	[tilespmem:$0x1D400] =	vst v63  }
0xb5: {  	_ =	swait.ge [sflag:s7], $0x2000  }
0xb6: {  	[sflag:s7] =	ssyncset.done $0x0  }
0xb7: {  	s25 =	rddreg [dreg:$0x6];
	[sflag:s7] =	ssyncadd.s32 $0xFFFFE000  }
0xb8: {  	[hbm4b:s25+s11] =	stream.linear.scatter [tilespmem:s8], [sflag:$0x5], $0x2000, $0x38;
	[tilespmem:$0x1D400] =	vst v63  }
0xb9: {  	_ =	swait.ge [sflag:s7], $0x2000  }
0xba: {  	[sflag:s7] =	ssyncset.done $0x0  }
0xbb: {  	s23 =	rddreg [dreg:$0x12];
	[sflag:s7] =	ssyncadd.s32 $0xFFFFE000  }
0xbc: {  	[tilespmem:s8], [sflag:$0x5] =	stream.linear.gather [spmem:s23], $0x2000, $0x38;
	[tilespmem:$0x1D400] =	vst v63  }
0xbd: {  	_ =	swait.ge [sflag:s7], $0x2000  }
0xbe: {  	[sflag:s7] =	ssyncset.done $0x0  }
0xbf: {  	s24 =	rddreg [dreg:$0x7];
	[sflag:s7] =	ssyncadd.s32 $0xFFFFE000  }
0xc0: {  	[hbm4b:s24+s11] =	stream.linear.scatter [tilespmem:s8], [sflag:$0x5], $0x2000, $0x38;
	[tilespmem:$0x1D400] =	vst v63  }
0xc1: {  	_ =	swait.ge [sflag:s7], $0x2000  }
0xc2: {  	[sflag:s7] =	ssyncset.done $0x0  }
0xc3: {  	s25 =	rddreg [dreg:$0x13];
	[sflag:s7] =	ssyncadd.s32 $0xFFFFE000  }
0xc4: {  	[tilespmem:s8], [sflag:$0x5] =	stream.linear.gather [spmem:s25], $0x2000, $0x38;
	[tilespmem:$0x1D400] =	vst v63  }
0xc5: {  	_ =	swait.ge [sflag:s7], $0x2000  }
0xc6: {  	[sflag:s7] =	ssyncset.done $0x0  }
0xc7: {  	s23 =	rddreg [dreg:$0x8];
	[sflag:s7] =	ssyncadd.s32 $0xFFFFE000  }
0xc8: {  	[hbm4b:s23+s11] =	stream.linear.scatter [tilespmem:s8], [sflag:$0x5], $0x2000, $0x38;
	[tilespmem:$0x1D400] =	vst v63  }
0xc9: {  	_ =	swait.ge [sflag:s7], $0x2000  }
0xca: {  	[sflag:s7] =	ssyncset.done $0x0  }
0xcb: {  	s24 =	rddreg [dreg:$0x14];
	[sflag:s7] =	ssyncadd.s32 $0xFFFFE000  }
0xcc: {  	[tilespmem:s8], [sflag:$0x5] =	stream.linear.gather [spmem:s24], $0x2000, $0x38;
	[tilespmem:$0x1D400] =	vst v63  }
0xcd: {  	_ =	swait.ge [sflag:s7], $0x2000  }
0xce: {  	[sflag:s7] =	ssyncset.done $0x0  }
0xcf: {  	s25 =	rddreg [dreg:$0x9];
	[sflag:s7] =	ssyncadd.s32 $0xFFFFE000  }
0xd0: {  	[hbm4b:s25+s11] =	stream.linear.scatter [tilespmem:s8], [sflag:$0x5], $0x2000, $0x38;
	[tilespmem:$0x1D400] =	vst v63  }
0xd1: {  	_ =	swait.ge [sflag:s7], $0x2000  }
0xd2: {  	[sflag:s7] =	ssyncset.done $0x0  }
0xd3: {  	s23 =	rddreg [dreg:$0x15];
	[sflag:s7] =	ssyncadd.s32 $0xFFFFE000  }
0xd4: {  	[tilespmem:s8], [sflag:$0x5] =	stream.linear.gather [spmem:s23], $0x2000, $0x38;
	[tilespmem:$0x1D400] =	vst v63  }
0xd5: {  	_ =	swait.ge [sflag:s7], $0x2000  }
0xd6: {  	[sflag:s7] =	ssyncset.done $0x0  }
0xd7: {  	s24 =	rddreg [dreg:$0xa];
	[sflag:s7] =	ssyncadd.s32 $0xFFFFE000  }
0xd8: {  	[hbm4b:s24+s11] =	stream.linear.scatter [tilespmem:s8], [sflag:$0x5], $0x2000, $0x38;
	[tilespmem:$0x1D400] =	vst v63  }
0xd9: {  	_ =	swait.ge [sflag:s7], $0x2000  }
0xda: {  	[sflag:s7] =	ssyncset.done $0x0  }
0xdb: {  	s25 =	rddreg [dreg:$0x16];
	[sflag:s7] =	ssyncadd.s32 $0xFFFFE000  }
0xdc: {  	[tilespmem:s8], [sflag:$0x5] =	stream.linear.gather [spmem:s25], $0x2000, $0x38;
	[tilespmem:$0x1D400] =	vst v63  }
0xdd: {  	_ =	swait.ge [sflag:s7], $0x2000  }
0xde: {  	[sflag:s7] =	ssyncset.done $0x0  }
0xdf: {  	s23 =	rddreg [dreg:$0xb];
	[sflag:s7] =	ssyncadd.s32 $0xFFFFE000  }
0xe0: {  	[hbm4b:s23+s11] =	stream.linear.scatter [tilespmem:s8], [sflag:$0x5], $0x2000, $0x38;
	[tilespmem:$0x1D400] =	vst v63  }
0xe1: {  	_ =	swait.ge [sflag:s7], $0x2000  }
0xe2: {  	[sflag:s7] =	ssyncset.done $0x0  }
0xe3: {  	[sflag:s7] =	ssyncadd.s32 $0xFFFFE000  }
0xe4: {  	[tilespmem:s8], [sflag:$0x5] =	stream.linear.gather [spmem:s26], $0x2000, $0x38;
	[tilespmem:$0x1D400] =	vst v63  }
0xe5: {  	_ =	swait.ge [sflag:s7], $0x2000  }
0xe6: {  	[sflag:s7] =	ssyncset.done $0x0  }
0xe7: {  	s24 =	rddreg [dreg:$0xc];
	[sflag:s7] =	ssyncadd.s32 $0xFFFFE000  }
0xe8: {  	[hbm4b:s24+s11] =	stream.linear.scatter [tilespmem:s8], [sflag:$0x5], $0x2000, $0x38;
	[tilespmem:$0x1D400] =	vst v63  }
0xe9: {  	_ =	swait.ge [sflag:s7], $0x2000  }
0xea: {  	s21 =	sadd.s32 $0x1, s21;
	s25 =	rddreg [dreg:$0xe]  }
0xeb: {  	p0 =	sne.s32 s21, s25  }
.Ltmp2:
0xec: {  	_ = 	snop;
	(pc) =	sbr.rel @p0 .LBB2_1-.Ltmp2, $3  }
0xed: {  	_ =	sdelay $0x1  }
0xee: {  	[sflag:s7] =	ssyncset.done $0x0  }
0xef: {  	[sflag:s7] =	ssyncadd.s32 $0xFFFFE000  }
0xf0: {  	_ =	sfence.sel $0x180000  }
0xf1: {  	[bflag:$0x0] =	sbarrier.arrive $0xFFFF  }
0xf2: {  	_ =	strace $0x9000004D  }
0xf3: {  	s0 =	stileid.u32;
	[bflag:$0x2] =	sbarrier.arrive $0xFFFF  }
0xf4: {  	p0 =	sne.s32 s0, $0x0;
	s0 =	rddreg [dreg:$0x2]  }
0xf5: {  	s0 =	sadd.s32 @!p0 $0x100000, s0  }
0xf6: {  	[sflag:s0] =	ssyncadd.tile.s32 @!p0 $0x1;
	_ =	shalt  }
.Lfunc_end2:
_tile_overlayer_lowered:
.L_overlay_start_2:
0xf7: {  	(tag) =	ssettag $0x2  }
0xf8: {  	s0 =	rddreg [dreg:$0x0];
	s2 =	stileid.u32  }
0xf9: {  	s1 =	rddreg [dreg:$0x1];
	p0 =	sne.s32 s2, $0x0  }
0xfa: {  	s3 =	rddreg [dreg:$0x2];
	[bflag:$0x3] =	sbarrier.arrive $0xFFFF;
	s2 =	simm.s32 @!p0 $0x1C05  }
0xfb: {  	[timem:s3], [sflag:s2] =	dma.local @!p0 [hbm:s0], s1  }
0xfc: {  	s0 =	simm.s32 @!p0 $0x5  }
0xfd: {  	_ =	swait.ge @!p0 [sflag:s0], s1  }
0xfe: {  	s1 =	ssub.s32 @!p0 $0x0, s1;
	[sflag:s0] =	ssyncset.done @!p0 $0x0  }
0xff: {  	[sflag:s0] =	ssyncadd.s32 @!p0 s1  }
0x100: {  	[bflag:$0x3] =	sbarrier.arrive $0xFFFF  }
0x101: {  	_ =	shalt  }

// kernel: kernel.16.cloned.1.call-start
scs
__scs_entry_jumppad:
0x0: {  	(pc) =	sbr.rel $0x88, $3  }
0x1: {  	(tag) =	ssettag $0x0;
	lr =	simm.s32 $0x1  }
0x2: {  	[smem:$0x3F93] =	sst lr;
	_ =	strace $0xD0000000  }
0x3: {  	_ = 	snop  }
0x4: {  	_ = 	snop  }
0x5: {  	_ = 	snop  }
0x6: {  	_ = 	snop  }
0x7: {  	_ = 	snop  }
__scs_overlays_trampoline_lowered:
0x8: {  	[smem:$0x3FA2] =	sst s0  }
0x9: {  	[smem:$0x3FA3] =	sst s1  }
0xa: {  	[smem:$0x3FA4] =	sst s2  }
0xb: {  	[smem:$0x3FA5] =	sst s3  }
0xc: {  	[smem:$0x3FA6] =	sst s4  }
0xd: {  	[smem:$0x3FA7] =	sst s5  }
0xe: {  	[smem:$0x3FA8] =	sst s6  }
0xf: {  	[smem:$0x3FA9] =	sst s7  }
0x10: {  	[smem:$0x3FAA] =	sst s8  }
0x11: {  	[smem:$0x3FAB] =	sst s9;
	s0 =	simm.s32 @!p0 $0x0  }
0x12: {  	s1 =	sld [smem:$0x3F91];
	s0 =	simm.s32 @p0 $0x1  }
0x13: {  	[smem:$0x3FAC] =	sst s0;
	s0 =	simm.s32 @!p1 $0x0  }
0x14: {  	s2 =	sld [smem:$0x3F90];
	s0 =	simm.s32 @p1 $0x1  }
0x15: {  	[smem:$0x3FAD] =	sst s0;
	s0 =	simm.s32 @!p2 $0x0  }
0x16: {  	s3 =	sld [smem:$0x3FDB];
	s0 =	simm.s32 @p2 $0x1  }
0x17: {  	s4 =	simm.s32 $0x1BF5;
	[smem:$0x3FAF] =	sst s0  }
0x18: {  	s0 =	sld [smem:$0x3F92];
	_ =	swait.ge [sflag:s4], $0x0  }
0x19: {  	s7 =	sld [smem:$0x3F93]  }
0x1a: {  	s8 =	sadd.s32 $0xFFFFE003, lr  }
0x1b: {  	s9 =	sadd.s32 $0xFFFFFEF7, lr;
	s5 =	simm.s32 $0xFFFFFFFF;
	p2 =	slt.u32 s8, $0xFFFFF086  }
0x1c: {  	p1 =	slt.u32 s9, $0xF7A;
	s5 =	simm.s32 @!p2 $0x0  }
0x1d: {  	s5 =	simm.s32 @p1 $0x1;
	p0 =	seq.s32 s7, s2  }
0x1e: {  	s7 =	smul.u32 @!p0 $0xF7A, s2;
	p2 =	seq.s32 @!p0 s5, $0x0  }
0x1f: {  	s9 =	smul.u32 $0xF7A, s1;
	s8 =	simm.s32 @!p0 $0x1BF5;
	p2 =	por !p2, p0  }
0x20: {  	[sflag:s8] =	ssyncset.s32 @!p0 $0xFFFFF086;
	s6 =	sadd.s32 @!p0 s3, s7;
	s7 =	simm.s32 @!p0 $0x108  }
0x21: {  	s3 =	sadd.s32 s3, s9;
	s6 =	sadd.s32 @!p0 $0x88, s6;
	s7 =	simm.s32 @p2 $0x1082  }
0x22: {  	[simem:s7], [sflag:s8] =	dma.local @!p0 [hbm:s6], $0xF7A  }
0x23: {  	s9 =	sor.u32 $0xD0000000, s2;
	s6 =	simm.s32 $0x108;
	_ =	swait.ge @!p0 [sflag:s8], $0x0  }
0x24: {  	s3 =	sadd.s32 $0x88, s3;
	s6 =	simm.s32 @!p1 $0x1082;
	[sflag:s4] =	ssyncset.s32 $0xFFFFF086  }
0x25: {  	[simem:s6], [sflag:s4] =	dma.local [hbm:s3], $0xF7A  }
0x26: {  	[smem:$0x3F93] =	sst s1;
	(tag) =	ssettag s2;
	_ =	strace s9  }
0x27: {  	s1 =	sld [smem:$0x3FA3]  }
0x28: {  	s2 =	sld [smem:$0x3FA4]  }
0x29: {  	s4 =	sld [smem:$0x3FA6]  }
0x2a: {  	p0 =	seq.s32 s5, $0x0;
	s5 =	sld [smem:$0x3FA7]  }
0x2b: {  	s6 =	sld [smem:$0x3FA8]  }
0x2c: {  	s7 =	sld [smem:$0x3FA9]  }
0x2d: {  	s3 =	simm.s32 $0x108;
	s8 =	sld [smem:$0x3FAA]  }
0x2e: {  	s3 =	simm.s32 @!p0 $0x1082;
	s9 =	sld [smem:$0x3FAB]  }
0x2f: {  	lr =	sadd.s32 s0, s3;
	s0 =	sld [smem:$0x3FA2]  }
0x30: {  	s3 =	sld [smem:$0x3FA5]  }
0x31: {  	[smem:$0x3FAE] =	sst s10  }
0x32: {  	s10 =	sld [smem:$0x3FAC];
	_ =	sdelay $0x3  }
0x33: {  	p0 =	seq.s32 s10, $0x1;
	s10 =	sld [smem:$0x3FAE];
	_ =	sdelay $0x3  }
0x34: {  	[smem:$0x3FAE] =	sst s10  }
0x35: {  	s10 =	sld [smem:$0x3FAD];
	_ =	sdelay $0x3  }
0x36: {  	p1 =	seq.s32 s10, $0x1;
	s10 =	sld [smem:$0x3FAE];
	_ =	sdelay $0x3  }
0x37: {  	[smem:$0x3FAE] =	sst s10  }
0x38: {  	s10 =	sld [smem:$0x3FAF]  }
0x39: {  	_ = 	snop;
	(pc) =	sbr.ind lr, $3  }
0x3a: {  	_ = 	snop  }
0x3b: {  	_ = 	snop  }
0x3c: {  	p2 =	seq.s32 s10, $0x1;
	s10 =	sld [smem:$0x3FAE]  }
0x3d: {  	_ =	shalt  }
0x3e: {  	_ =	shalt  }
0x3f: {  	_ =	shalt  }
0x40: {  	_ =	shalt  }
0x41: {  	_ =	shalt  }
0x42: {  	_ =	shalt  }
0x43: {  	_ =	shalt  }
0x44: {  	_ =	shalt  }
0x45: {  	_ =	shalt  }
0x46: {  	_ =	shalt  }
0x47: {  	_ =	shalt  }
0x48: {  	_ =	shalt  }
0x49: {  	_ =	shalt  }
0x4a: {  	_ =	shalt  }
0x4b: {  	_ =	shalt  }
0x4c: {  	_ =	shalt  }
0x4d: {  	_ =	shalt  }
0x4e: {  	_ =	shalt  }
0x4f: {  	_ =	shalt  }
0x50: {  	_ =	shalt  }
0x51: {  	_ =	shalt  }
0x52: {  	_ =	shalt  }
0x53: {  	_ =	shalt  }
0x54: {  	_ =	shalt  }
0x55: {  	_ =	shalt  }
0x56: {  	_ =	shalt  }
0x57: {  	_ =	shalt  }
0x58: {  	_ =	shalt  }
0x59: {  	_ =	shalt  }
0x5a: {  	_ =	shalt  }
0x5b: {  	_ =	shalt  }
0x5c: {  	_ =	shalt  }
0x5d: {  	_ =	shalt  }
0x5e: {  	_ =	shalt  }
0x5f: {  	_ =	shalt  }
0x60: {  	_ =	shalt  }
0x61: {  	_ =	shalt  }
0x62: {  	_ =	shalt  }
0x63: {  	_ =	shalt  }
0x64: {  	_ =	shalt  }
0x65: {  	_ =	shalt  }
0x66: {  	_ =	shalt  }
0x67: {  	_ =	shalt  }
0x68: {  	_ =	shalt  }
0x69: {  	_ =	shalt  }
0x6a: {  	_ =	shalt  }
0x6b: {  	_ =	shalt  }
0x6c: {  	_ =	shalt  }
0x6d: {  	_ =	shalt  }
0x6e: {  	_ =	shalt  }
0x6f: {  	_ =	shalt  }
0x70: {  	_ =	shalt  }
0x71: {  	_ =	shalt  }
0x72: {  	_ =	shalt  }
0x73: {  	_ =	shalt  }
0x74: {  	_ =	shalt  }
0x75: {  	_ =	shalt  }
0x76: {  	_ =	shalt  }
0x77: {  	_ =	shalt  }
0x78: {  	_ =	shalt  }
0x79: {  	_ =	shalt  }
0x7a: {  	_ =	shalt  }
0x7b: {  	_ =	shalt  }
0x7c: {  	_ =	shalt  }
0x7d: {  	_ =	shalt  }
0x7e: {  	_ =	shalt  }
0x7f: {  	_ =	shalt  }
0x80: {  	_ =	shalt  }
0x81: {  	_ =	shalt  }
0x82: {  	_ =	shalt  }
0x83: {  	_ =	shalt  }
0x84: {  	_ =	shalt  }
0x85: {  	_ =	shalt  }
0x86: {  	_ =	shalt  }
0x87: {  	_ =	shalt  }
.Lfunc_end0:
.L_simem_size_0:
called_computation.2_lowered:
.L_overlay_start_0:
0x88: {  	s2 =	sld [smem:$0x3FD9]  }
0x89: {  	s3 =	sld [smem:$0x3FFE];
	_ =	sdelay $0x1  }
0x8a: {  	s1 =	srdreg.scid  }
0x8b: {  	s0 =	sand.u32 $0x1, s1  }
0x8c: {  	s17 =	sshll.u32 s0, $0xA;
	s2 =	sadd.s32 s3, s2  }
0x8d: {  	s2 =	sadd.s32 s2, s17  }
0x8e: {  	[smem:$0x3FBA] =	sst s2  }
0x8f: {  	_ = 	snop  }
0x90: {  	(tm) =	ssettm $0x1  }
0x91: {  	s18 =	sld [smem:$0x3FFB];
	_ =	sdelay $0x3  }
0x92: {  	_ =	strace s18  }
0x93: {  	s2 =	sld [smem:$0x3FFC];
	_ =	sdelay $0x3  }
0x94: {  	_ =	strace s2  }
0x95: {  	s2 =	sld [smem:$0x3FFD];
	_ =	sdelay $0x3  }
0x96: {  	_ =	strace s2  }
0x97: {  	_ =	strace $0x8FFFFFFF  }
0x98: {  	s19 =	sld [smem:$0x3FDB];
	_ =	sdelay $0x1  }
0x99: {  	s20 =	simm.s32 $_scs_section_size  }
0x9a: {  	s4 =	simm.s32 $_size__tile_overlayer_lowered;
	s5 =	simm.s32 $_tile_overlayer_lowered  }
0x9b: {  	s6 =	simm.s32 $0x1BFF;
	s21 =	sshll.u32 s5, $0x1;
	s3 =	sadd.s32 s20, s19  }
0x9c: {  	s22 =	simm.s32 $0x0;
	s4 =	sshll.u32 s4, $0x1;
	s5 =	sadd.s32 s21, s3  }
0x9d: {  	[timem:s22], [sflag:s6] =	dma.local [hbm:s5], s4  }
0x9e: {  	_ =	swait.ge [sflag:s6], s4  }
0x9f: {  	s4 =	ssub.s32 $0x0, s4;
	[sflag:s6] =	ssyncset.done $0x0  }
0xa0: {  	[sflag:s6] =	ssyncadd.s32 s4;
	_ =	sdelay $0x1  }
0xa1: {  	s23 =	simm.s32 $0x1B8B  }
0xa2: {  	_ =	swait.ge [sflag:s23], $0x1  }
0xa3: {  	[sflag:s23] =	ssyncset.done $0x0  }
0xa4: {  	[sflag:s23] =	ssyncadd.s32 $0xFFFFFFFF  }
0xa5: {  	s4 =	sld [smem:$0x0]  }
0xa6: {  	s5 =	sand.u32 $0xFFFFFFFE, s1  }
0xa7: {  	p0 =	sne.s32 s1, s5  }
0xa8: {  	s5 =	sshll.u32 @p0 s5, $0xE  }
0xa9: {  	s5 =	sadd.s32 @p0 $0x11B8D, s5;
	s6 =	sshll.u32 @p0 s4, $0x11  }
0xaa: {  	s5 =	sor.u32 @p0 s6, s5  }
0xab: {  	[sflag:s5] =	ssyncadd.remote.s32 @p0 $0x1;
	_ =	sdelay $0x1  }
0xac: {  	s5 =	simm.s32 @p0 $0x1B8D  }
0xad: {  	_ =	swait.eq @p0 [sflag:s5], $0x1  }
0xae: {  	[sflag:s5] =	ssyncadd.s32 @p0 $0xFFFFFFFF  }
0xaf: {  	s6 =	sshll.u32 @!p0 s1, $0xE  }
0xb0: {  	s6 =	sor.u32 @!p0 $0x4000, s6;
	s5 =	simm.s32 @!p0 $0x1B8D  }
0xb1: {  	s4 =	sshll.u32 @!p0 s4, $0x11;
	s6 =	sadd.s32 @!p0 $0x11B8D, s6;
	_ =	swait.eq @!p0 [sflag:s5], $0x1  }
0xb2: {  	s4 =	sor.u32 @!p0 s4, s6;
	[sflag:s5] =	ssyncadd.s32 @!p0 $0xFFFFFFFF  }
0xb3: {  	s25 =	simm.s32 $0x1B8E;
	s24 =	sld [smem:$0x3FFE];
	[sflag:s4] =	ssyncadd.remote.s32 @!p0 $0x1  }
0xb4: {  	s26 =	simm.s32 $execute0_lowered;
	[smem:$0x3FD2] =	sst s25  }
0xb5: {  	s5 =	sshll.u32 s26, $0x1;
	_ =	strace $0x80000049;
	[dreg:$0x1] =	wrdreg $0xFFFFFFFF  }
0xb6: {  	s28 =	simm.s32 $_size_execute0_lowered;
	s3 =	sadd.s32 s3, s5;
	[dreg:$0x0] =	wrdreg $0x0  }
0xb7: {  	s5 =	sshll.u32 s28, $0x1;
	[dreg:$0x2] =	wrdreg s3  }
0xb8: {  	[dreg:$0x3] =	wrdreg s5  }
0xb9: {  	[dreg:$0x4] =	wrdreg $0xC0  }
0xba: {  	_ =	task [dreg:s22], $0x5FFFF  }
0xbb: {  	[dreg:$0x1] =	wrdreg $0xFFFFFFFF  }
0xbc: {  	[dreg:$0x0] =	wrdreg $0x60  }
0xbd: {  	[dreg:$0x2] =	wrdreg s24  }
0xbe: {  	[dreg:$0x3] =	wrdreg $0xA  }
0xbf: {  	_ =	task.clear_ibuf [dreg:s22], $0x4FFFF;
	_ =	strace $0x90000049  }
0xc0: {  	s29 =	simm.s32 $0xA;
	_ =	strace $0x8000004B  }
0xc1: {  	_ =	swait.ge [sflag:s29], $0x1  }
0xc2: {  	[sflag:s29] =	ssyncadd.s32 $0xFFFFFFFF  }
0xc3: {  	_ =	strace $0x9000004B  }
0xc4: {  	_ =	sfence  }
0xc5: {  	s30 =	sld [smem:$0x0];
	_ =	sdelay $0x2  }
0xc6: {  	s31 =	sshll.u32 s1, $0xD;
	s1 =	sshrl.u32 s1, $0x2  }
0xc7: {  	s4 =	sand.u32 $0x4000, s31;
	s1 =	sadd.s32 s1, s30  }
0xc8: {  	s0 =	sor.u32 s4, s0;
	s1 =	sshll.u32 s1, $0x11  }
0xc9: {  	s0 =	sor.u32 s1, s0  }
0xca: {  	s0 =	sadd.s32 $0x8F2B, s0  }
0xcb: {  	[sflag:s0] =	ssyncadd.remote.s32 $0x1  }
0xcc: {  	_ =	sfence.sel $0xFFFF  }
0xcd: {  	[dreg:$0x0] =	wrdreg $0xFFFFFFFF;
	(pc) =	sbr.abs _section_cstart, $3  }
0xce: {  	[dreg:$0x1] =	wrdreg $0xFFFFFFFF  }
0xcf: {  	_ =	task.clear_ibuf [dreg:s22], $0x2FFFF;
	_ =	strace $0x9FFFFFFF  }
0xd0: {  	(tm) =	ssettm $0x7FFFFFFF  }
0xd1: {  	_ =	shalt  }
tec
execute0_lowered:
.L_overlay_start_1:
0x0: {  	(tag) =	ssettag $0x1  }
0x1: {  	s1 =	srdreg.scid  }
0x2: {  	s0 =	stileid.u32;
	s6 =	rddreg [dreg:$0x0]  }
0x3: {  	s2 =	simm.s32 $0x0;
	s10 =	simm.s32 $0x7;
	s11 =	simm.s32 $0x1300  }
0x4: {  	s12 =	simm.s32 $0xC8;
	s13 =	simm.s32 $0x2600;
	s14 =	simm.s32 $0xEE00  }
0x5: {  	s15 =	simm.s32 $0x8A00;
	s16 =	simm.s32 $0x15200;
	s17 =	simm.s32 $0x1  }
0x6: {  	s18 =	simm.s32 $0x3;
	s19 =	simm.s32 $0x5;
	s20 =	simm.s32 $0x2  }
0x7: {  	s21 =	simm.s32 $0x4;
	s7 =	sand.u32 $0x1, s1;
	s3 =	sshll.u32 s0, $0x1  }
0x8: {  	s22 =	simm.s32 $0x6;
	s1 =	rddreg [dreg:$0x1];
	s3 =	sor.u32 s7, s3  }
0x9: {  	s23 =	simm.s32 $0x0;
	[smem:$0x7FF] =	sst s2;
	s3 =	smul.u32 $0x12C0, s3  }
0xa: {  	s4 =	sadd.s32 $0xEE00, s6;
	s5 =	sadd.s32 $0x36000, s6;
	s7 =	ssub.s32 $0x2, s7  }
0xb: {  	_ =	strace $0x8000004A;
	s9 =	sshrl.u32 s7, $0x1;
	s8 =	sshrl.u32 s3, $0x3  }
0xc: {  	s9 =	ssub.s32 s7, s9;
	s8 =	sadd.s32 s8, s6;
	s6 =	sadd.s32 $0x2F0A00, s6  }
0xd: {  	s9 =	smax.u32 s9, $0x1;
	s7 =	sadd.s32 $0x2E7200, s8;
	s8 =	sadd.s32 $0x2EBE00, s8  }
.LBB2_1:
0xe: {  	[tilespmem:s2], [sflag:$0x7] =	stream.linear.gather [hbm4b:s7+s2], $0x12C0, $0x38;
	[tilespmem:$0x1B600] =	vst v63  }
0xf: {  	_ =	swait.ge [sflag:s10], $0x12C0  }
0x10: {  	[sflag:s10] =	ssyncset.done $0x0  }
0x11: {  	[sflag:s10] =	ssyncadd.s32 $0xFFFFED40  }
0x12: {  	[tilespmem:s11], [sflag:$0x7] =	stream.linear.gather [hbm4b:s8+s2], $0x12C0, $0x38;
	[tilespmem:$0x1B600] =	vst v63  }
0x13: {  	_ =	swait.ge [sflag:s10], $0x12C0  }
0x14: {  	[sflag:s10] =	ssyncset.done $0x0  }
0x15: {  	[sflag:s10] =	ssyncadd.s32 $0xFFFFED40  }
0x16: {  	[tilespmem:s13], [sflag:$0x1] =	stream.indirect.gather [hbm4b:s4+s12], $0x80, s2, s12, $0xb8;
	[tilespmem:$0x1B600] =	vst v63  }
0x17: {  	s24 =	simm.s32 $0x0  }
0x18: {  	[tilespmem:s14], [sflag:$0x3] =	stream.indirect.gather [hbm4b:s5+s12], $0x80, s11, s12, $0xb8;
	[tilespmem:$0x1B600] =	vst v63  }
.LBB2_2:
0x19: {  	p0 =	seq.s32 s24, $0x0  }
0x1a: {  	s25 =	simm.s32 @!p0 $0x6  }
0x1b: {  	s26 =	smul.u32 $0x190, s24;
	_ =	swait.ge @!p0 [sflag:s25], $0x6400  }
0x1c: {  	[sflag:s25] =	ssyncset.done @!p0 $0x0  }
0x1d: {  	[sflag:s25] =	ssyncadd.s32 @!p0 $0xFFFF9C00;
	s25 =	sadd.s32 $0xC8, s26  }
0x1e: {  	[tilespmem:s15], [sflag:$0x2] =	stream.indirect.gather [hbm4b:s4+s12], $0x80, s25, s12, $0xb8;
	[tilespmem:$0x1B600] =	vst v63  }
0x1f: {  	s28 =	sadd.s32 $0x13C8, s26  }
0x20: {  	[tilespmem:s16], [sflag:$0x4] =	stream.indirect.gather [hbm4b:s5+s12], $0x80, s28, s12, $0xb8;
	[tilespmem:$0x1B600] =	vst v63  }
0x21: {  	_ =	swait.ge [sflag:s17], $0x6400  }
0x22: {  	[sflag:s17] =	ssyncset.done $0x0  }
0x23: {  	[sflag:s17] =	ssyncadd.s32 $0xFFFF9C00  }
0x24: {  	_ =	swait.ge [sflag:s18], $0x6400  }
0x25: {  	[sflag:s18] =	ssyncset.done $0x0  }
0x26: {  	s28 =	simm.s32 $0x0;
	[sflag:s18] =	ssyncadd.s32 $0xFFFF9C00  }
0x27: {  	v7 =	vld [tilespmem:s28+$0xEE00]  }
0x28: {  	v11 =	vld [tilespmem:s28+$0xEE10]  }
0x29: {  	v5 =	vld [tilespmem:s28+$0xEE20]  }
0x2a: {  	v4 =	vld [tilespmem:s28+$0xEE30]  }
0x2b: {  	v3 =	vld [tilespmem:s28+$0xEE40]  }
0x2c: {  	v2 =	vld [tilespmem:s28+$0xEE50]  }
0x2d: {  	v1 =	vld [tilespmem:s28+$0xEE60]  }
0x2e: {  	v0 =	vld [tilespmem:s28+$0xEE70]  }
0x2f: {  	v12 =	vld [tilespmem:s28+$0x2600]  }
0x30: {  	v13 =	vld [tilespmem:s28+$0x2610]  }
0x31: {  	v10 =	vld [tilespmem:s28+$0x2620]  }
0x32: {  	v9 =	vld [tilespmem:s28+$0x2630]  }
0x33: {  	v8 =	vld [tilespmem:s28+$0x2640]  }
0x34: {  	v6 =	vld [tilespmem:s28+$0x2650];
	v12 =	vadd.f32 v7, v12  }
0x35: {  	s29 =	simm.s32 $0x200;
	v11 =	vadd.f32 v11, v13;
	v7 =	vld [tilespmem:s28+$0x2660]  }
.LBB2_3:
0x36: {  	s30 =	sshra.s32 s29, $0x2;
	p0 =	sne.s32 s29, $0x18E00;
	[tilespmem:s28+$0x2600] =	vst v12;
	v5 =	vadd.f32 v5, v10;
	v10 =	vld [tilespmem:s28+$0x2670]  }
0x37: {  	v12 =	vld [tilespmem:s30+$0xEE00];
	[tilespmem:s28+$0x2610] =	vst v11;
	v4 =	vadd.f32 v4, v9  }
0x38: {  	v11 =	vld [tilespmem:s30+$0xEE10];
	[tilespmem:s28+$0x2620] =	vst v5;
	v3 =	vadd.f32 v3, v8  }
0x39: {  	v5 =	vld [tilespmem:s30+$0xEE20];
	[tilespmem:s28+$0x2630] =	vst v4;
	v2 =	vadd.f32 v2, v6  }
0x3a: {  	v4 =	vld [tilespmem:s30+$0xEE30];
	[tilespmem:s28+$0x2640] =	vst v3;
	v1 =	vadd.f32 v1, v7  }
0x3b: {  	v3 =	vld [tilespmem:s30+$0xEE40];
	[tilespmem:s28+$0x2650] =	vst v2;
	v0 =	vadd.f32 v0, v10  }
0x3c: {  	v2 =	vld [tilespmem:s30+$0xEE50];
	[tilespmem:s28+$0x2660] =	vst v1  }
0x3d: {  	v1 =	vld [tilespmem:s30+$0xEE60];
	[tilespmem:s28+$0x2670] =	vst v0;
	s28 =	smov.u32 s30  }
0x3e: {  	v0 =	vld [tilespmem:s28+$0xEE70]  }
0x3f: {  	v6 =	vld [tilespmem:s28+$0x2600]  }
0x40: {  	v7 =	vld [tilespmem:s28+$0x2610]  }
.Ltmp0:
0x41: {  	v10 =	vld [tilespmem:s28+$0x2620];
	(pc) =	sbr.rel @p0 .LBB2_3-.Ltmp0, $4  }
0x42: {  	v9 =	vld [tilespmem:s28+$0x2630]  }
0x43: {  	v8 =	vld [tilespmem:s28+$0x2640]  }
0x44: {  	v12 =	vadd.f32 v12, v6;
	v6 =	vld [tilespmem:s28+$0x2650]  }
0x45: {  	s29 =	sadd.s32 $0x200, s29;
	v11 =	vadd.f32 v11, v7;
	v7 =	vld [tilespmem:s28+$0x2660]  }
0x46: {  	[tilespmem:s28+$0x2600] =	vst v12;
	v5 =	vadd.f32 v5, v10;
	v10 =	vld [tilespmem:s28+$0x2670]  }
0x47: {  	[tilespmem:s28+$0x2610] =	vst v11;
	v4 =	vadd.f32 v4, v9  }
0x48: {  	[tilespmem:s28+$0x2620] =	vst v5;
	v3 =	vadd.f32 v3, v8  }
0x49: {  	[tilespmem:s28+$0x2630] =	vst v4;
	v2 =	vadd.f32 v2, v6  }
0x4a: {  	[tilespmem:s28+$0x2640] =	vst v3;
	v1 =	vadd.f32 v1, v7  }
0x4b: {  	s29 =	sadd.s32 s3, s26;
	[tilespmem:s28+$0x2650] =	vst v2;
	v0 =	vadd.f32 v0, v10  }
0x4c: {  	s29 =	sshll.u32 s29, $0x4;
	[tilespmem:s28+$0x2660] =	vst v1  }
0x4d: {  	[tilespmem:s28+$0x2670] =	vst v0;
	s28 =	sadd.s32 s6, s29  }
0x4e: {  	[hbm4b:s28+s2] =	stream.linear.scatter [tilespmem:s13], [sflag:$0x5], $0x6400, $0x38;
	[tilespmem:$0x1B600] =	vst v63  }
0x4f: {  	p0 =	seq.s32 s24, $0xB;
	_ =	swait.ge [sflag:s19], $0x6400  }
0x50: {  	s30 =	simm.s32 @!p0 $0x2600;
	[sflag:s19] =	ssyncset.done $0x0  }
0x51: {  	s29 =	simm.s32 @!p0 $0xC8;
	s28 =	sadd.s32 @!p0 $0x190, s26;
	[sflag:s19] =	ssyncadd.s32 $0xFFFF9C00  }
0x52: {  	[tilespmem:s30], [sflag:$0x1] =	stream.indirect.gather @!p0 [hbm4b:s4+s29], $0x80, s28, s29, $0xb8;
	[tilespmem:$0x1B600] =	vst v63  }
0x53: {  	s26 =	sadd.s32 @!p0 $0x1490, s26;
	s28 =	simm.s32 @!p0 $0xEE00  }
0x54: {  	[tilespmem:s28], [sflag:$0x3] =	stream.indirect.gather @!p0 [hbm4b:s5+s29], $0x80, s26, s29, $0xb8;
	[tilespmem:$0x1B600] =	vst v63  }
0x55: {  	_ =	swait.ge [sflag:s20], $0x6400  }
0x56: {  	[sflag:s20] =	ssyncset.done $0x0  }
0x57: {  	[sflag:s20] =	ssyncadd.s32 $0xFFFF9C00  }
0x58: {  	_ =	swait.ge [sflag:s21], $0x6400  }
0x59: {  	[sflag:s21] =	ssyncset.done $0x0  }
0x5a: {  	s26 =	simm.s32 $0x0;
	[sflag:s21] =	ssyncadd.s32 $0xFFFF9C00  }
0x5b: {  	v7 =	vld [tilespmem:s26+$0x15200]  }
0x5c: {  	v11 =	vld [tilespmem:s26+$0x15210]  }
0x5d: {  	v5 =	vld [tilespmem:s26+$0x15220]  }
0x5e: {  	v4 =	vld [tilespmem:s26+$0x15230]  }
0x5f: {  	v3 =	vld [tilespmem:s26+$0x15240]  }
0x60: {  	v2 =	vld [tilespmem:s26+$0x15250]  }
0x61: {  	v1 =	vld [tilespmem:s26+$0x15260]  }
0x62: {  	v0 =	vld [tilespmem:s26+$0x15270]  }
0x63: {  	v12 =	vld [tilespmem:s26+$0x8A00]  }
0x64: {  	v13 =	vld [tilespmem:s26+$0x8A10]  }
0x65: {  	v10 =	vld [tilespmem:s26+$0x8A20]  }
0x66: {  	v9 =	vld [tilespmem:s26+$0x8A30]  }
0x67: {  	v8 =	vld [tilespmem:s26+$0x8A40]  }
0x68: {  	v6 =	vld [tilespmem:s26+$0x8A50];
	v12 =	vadd.f32 v7, v12  }
0x69: {  	s28 =	simm.s32 $0x200;
	v11 =	vadd.f32 v11, v13;
	v7 =	vld [tilespmem:s26+$0x8A60]  }
.LBB2_5:
0x6a: {  	s29 =	sshra.s32 s28, $0x2;
	p0 =	sne.s32 s28, $0x18E00;
	[tilespmem:s26+$0x8A00] =	vst v12;
	v5 =	vadd.f32 v5, v10;
	v10 =	vld [tilespmem:s26+$0x8A70]  }
0x6b: {  	v12 =	vld [tilespmem:s29+$0x15200];
	[tilespmem:s26+$0x8A10] =	vst v11;
	v4 =	vadd.f32 v4, v9  }
0x6c: {  	v11 =	vld [tilespmem:s29+$0x15210];
	[tilespmem:s26+$0x8A20] =	vst v5;
	v3 =	vadd.f32 v3, v8  }
0x6d: {  	v5 =	vld [tilespmem:s29+$0x15220];
	[tilespmem:s26+$0x8A30] =	vst v4;
	v2 =	vadd.f32 v2, v6  }
0x6e: {  	v4 =	vld [tilespmem:s29+$0x15230];
	[tilespmem:s26+$0x8A40] =	vst v3;
	v1 =	vadd.f32 v1, v7  }
0x6f: {  	v3 =	vld [tilespmem:s29+$0x15240];
	[tilespmem:s26+$0x8A50] =	vst v2;
	v0 =	vadd.f32 v0, v10  }
0x70: {  	v2 =	vld [tilespmem:s29+$0x15250];
	[tilespmem:s26+$0x8A60] =	vst v1  }
0x71: {  	v1 =	vld [tilespmem:s29+$0x15260];
	[tilespmem:s26+$0x8A70] =	vst v0;
	s26 =	smov.u32 s29  }
0x72: {  	v0 =	vld [tilespmem:s26+$0x15270]  }
0x73: {  	v6 =	vld [tilespmem:s26+$0x8A00]  }
0x74: {  	v7 =	vld [tilespmem:s26+$0x8A10]  }
.Ltmp1:
0x75: {  	v10 =	vld [tilespmem:s26+$0x8A20];
	(pc) =	sbr.rel @p0 .LBB2_5-.Ltmp1, $4  }
0x76: {  	v9 =	vld [tilespmem:s26+$0x8A30]  }
0x77: {  	v8 =	vld [tilespmem:s26+$0x8A40]  }
0x78: {  	v12 =	vadd.f32 v12, v6;
	v6 =	vld [tilespmem:s26+$0x8A50]  }
0x79: {  	s28 =	sadd.s32 $0x200, s28;
	v11 =	vadd.f32 v11, v7;
	v7 =	vld [tilespmem:s26+$0x8A60]  }
0x7a: {  	[tilespmem:s26+$0x8A00] =	vst v12;
	v5 =	vadd.f32 v5, v10;
	v63 =	vld [tilespmem:s26+$0x8A70]  }
0x7b: {  	[tilespmem:s26+$0x8A10] =	vst v11;
	v4 =	vadd.f32 v4, v9  }
0x7c: {  	s24 =	sadd.s32 $0x1, s24;
	[tilespmem:s26+$0x8A20] =	vst v5;
	v3 =	vadd.f32 v3, v8  }
0x7d: {  	p0 =	sne.s32 s24, $0xC;
	[tilespmem:s26+$0x8A30] =	vst v4;
	v2 =	vadd.f32 v2, v6  }
.Ltmp2:
0x7e: {  	[tilespmem:s26+$0x8A40] =	vst v3;
	v1 =	vadd.f32 v1, v7;
	(pc) =	sbr.rel @p0 .LBB2_2-.Ltmp2, $4  }
0x7f: {  	s25 =	sadd.s32 s3, s25;
	[tilespmem:s26+$0x8A50] =	vst v2;
	v0 =	vadd.f32 v0, v63  }
0x80: {  	s25 =	sshll.u32 s25, $0x4;
	[tilespmem:s26+$0x8A60] =	vst v1  }
0x81: {  	s25 =	sadd.s32 s6, s25;
	[tilespmem:s26+$0x8A70] =	vst v0  }
0x82: {  	[hbm4b:s25+s2] =	stream.linear.scatter [tilespmem:s15], [sflag:$0x6], $0x6400, $0x38;
	[tilespmem:$0x1B600] =	vst v63  }
0x83: {  	s23 =	sadd.s32 $0x1, s23  }
0x84: {  	p0 =	sne.s32 s23, s9  }
.Ltmp3:
0x85: {  	_ = 	snop;
	(pc) =	sbr.rel @p0 .LBB2_1-.Ltmp3, $4  }
0x86: {  	_ = 	snop  }
0x87: {  	_ =	swait.ge [sflag:s22], $0x6400  }
0x88: {  	[sflag:s22] =	ssyncset.done $0x0  }
0x89: {  	[sflag:s22] =	ssyncadd.s32 $0xFFFF9C00  }
0x8a: {  	_ =	sfence.sel $0x180000  }
0x8b: {  	[bflag:$0x0] =	sbarrier.arrive $0xFFFF  }
0x8c: {  	p0 =	sne.s32 s0, $0x0;
	_ =	strace $0x9000004A  }
0x8d: {  	s0 =	sadd.s32 @!p0 $0x100000, s1;
	[bflag:$0x2] =	sbarrier.arrive $0xFFFF  }
0x8e: {  	[sflag:s0] =	ssyncadd.tile.s32 @!p0 $0x1;
	_ =	shalt  }
.Lfunc_end2:
_tile_overlayer_lowered:
.L_overlay_start_2:
0x8f: {  	(tag) =	ssettag $0x2  }
0x90: {  	s0 =	rddreg [dreg:$0x0];
	s2 =	stileid.u32  }
0x91: {  	s1 =	rddreg [dreg:$0x1];
	p0 =	sne.s32 s2, $0x0  }
0x92: {  	s3 =	rddreg [dreg:$0x2];
	[bflag:$0x3] =	sbarrier.arrive $0xFFFF;
	s2 =	simm.s32 @!p0 $0x1C07  }
0x93: {  	[timem:s3], [sflag:s2] =	dma.local @!p0 [hbm:s0], s1  }
0x94: {  	s0 =	simm.s32 @!p0 $0x7  }
0x95: {  	_ =	swait.ge @!p0 [sflag:s0], s1  }
0x96: {  	s1 =	ssub.s32 @!p0 $0x0, s1;
	[sflag:s0] =	ssyncset.done @!p0 $0x0  }
0x97: {  	[sflag:s0] =	ssyncadd.s32 @!p0 s1  }
0x98: {  	[bflag:$0x3] =	sbarrier.arrive $0xFFFF  }
0x99: {  	_ =	shalt  }

// kernel: kernel.19.cloned.1.call-start
scs
__scs_entry_jumppad:
0x0: {  	(pc) =	sbr.rel $0x88, $3  }
0x1: {  	(tag) =	ssettag $0x0;
	lr =	simm.s32 $0x1  }
0x2: {  	[smem:$0x3F93] =	sst lr;
	_ =	strace $0xD0000000  }
0x3: {  	_ = 	snop  }
0x4: {  	_ = 	snop  }
0x5: {  	_ = 	snop  }
0x6: {  	_ = 	snop  }
0x7: {  	_ = 	snop  }
__scs_overlays_trampoline_lowered:
0x8: {  	[smem:$0x3FA2] =	sst s0  }
0x9: {  	[smem:$0x3FA3] =	sst s1  }
0xa: {  	[smem:$0x3FA4] =	sst s2  }
0xb: {  	[smem:$0x3FA5] =	sst s3  }
0xc: {  	[smem:$0x3FA6] =	sst s4  }
0xd: {  	[smem:$0x3FA7] =	sst s5  }
0xe: {  	[smem:$0x3FA8] =	sst s6  }
0xf: {  	[smem:$0x3FA9] =	sst s7  }
0x10: {  	[smem:$0x3FAA] =	sst s8  }
0x11: {  	[smem:$0x3FAB] =	sst s9;
	s0 =	simm.s32 @!p0 $0x0  }
0x12: {  	s1 =	sld [smem:$0x3F91];
	s0 =	simm.s32 @p0 $0x1  }
0x13: {  	[smem:$0x3FAC] =	sst s0;
	s0 =	simm.s32 @!p1 $0x0  }
0x14: {  	s2 =	sld [smem:$0x3F90];
	s0 =	simm.s32 @p1 $0x1  }
0x15: {  	[smem:$0x3FAD] =	sst s0;
	s0 =	simm.s32 @!p2 $0x0  }
0x16: {  	s3 =	sld [smem:$0x3FDB];
	s0 =	simm.s32 @p2 $0x1  }
0x17: {  	s4 =	simm.s32 $0x1BF5;
	[smem:$0x3FAF] =	sst s0  }
0x18: {  	s0 =	sld [smem:$0x3F92];
	_ =	swait.ge [sflag:s4], $0x0  }
0x19: {  	s7 =	sld [smem:$0x3F93]  }
0x1a: {  	s8 =	sadd.s32 $0xFFFFE003, lr  }
0x1b: {  	s9 =	sadd.s32 $0xFFFFFEF7, lr;
	s5 =	simm.s32 $0xFFFFFFFF;
	p2 =	slt.u32 s8, $0xFFFFF086  }
0x1c: {  	p1 =	slt.u32 s9, $0xF7A;
	s5 =	simm.s32 @!p2 $0x0  }
0x1d: {  	s5 =	simm.s32 @p1 $0x1;
	p0 =	seq.s32 s7, s2  }
0x1e: {  	s7 =	smul.u32 @!p0 $0xF7A, s2;
	p2 =	seq.s32 @!p0 s5, $0x0  }
0x1f: {  	s9 =	smul.u32 $0xF7A, s1;
	s8 =	simm.s32 @!p0 $0x1BF5;
	p2 =	por !p2, p0  }
0x20: {  	[sflag:s8] =	ssyncset.s32 @!p0 $0xFFFFF086;
	s6 =	sadd.s32 @!p0 s3, s7;
	s7 =	simm.s32 @!p0 $0x108  }
0x21: {  	s3 =	sadd.s32 s3, s9;
	s6 =	sadd.s32 @!p0 $0x88, s6;
	s7 =	simm.s32 @p2 $0x1082  }
0x22: {  	[simem:s7], [sflag:s8] =	dma.local @!p0 [hbm:s6], $0xF7A  }
0x23: {  	s9 =	sor.u32 $0xD0000000, s2;
	s6 =	simm.s32 $0x108;
	_ =	swait.ge @!p0 [sflag:s8], $0x0  }
0x24: {  	s3 =	sadd.s32 $0x88, s3;
	s6 =	simm.s32 @!p1 $0x1082;
	[sflag:s4] =	ssyncset.s32 $0xFFFFF086  }
0x25: {  	[simem:s6], [sflag:s4] =	dma.local [hbm:s3], $0xF7A  }
0x26: {  	[smem:$0x3F93] =	sst s1;
	(tag) =	ssettag s2;
	_ =	strace s9  }
0x27: {  	s1 =	sld [smem:$0x3FA3]  }
0x28: {  	s2 =	sld [smem:$0x3FA4]  }
0x29: {  	s4 =	sld [smem:$0x3FA6]  }
0x2a: {  	p0 =	seq.s32 s5, $0x0;
	s5 =	sld [smem:$0x3FA7]  }
0x2b: {  	s6 =	sld [smem:$0x3FA8]  }
0x2c: {  	s7 =	sld [smem:$0x3FA9]  }
0x2d: {  	s3 =	simm.s32 $0x108;
	s8 =	sld [smem:$0x3FAA]  }
0x2e: {  	s3 =	simm.s32 @!p0 $0x1082;
	s9 =	sld [smem:$0x3FAB]  }
0x2f: {  	lr =	sadd.s32 s0, s3;
	s0 =	sld [smem:$0x3FA2]  }
0x30: {  	s3 =	sld [smem:$0x3FA5]  }
0x31: {  	[smem:$0x3FAE] =	sst s10  }
0x32: {  	s10 =	sld [smem:$0x3FAC];
	_ =	sdelay $0x3  }
0x33: {  	p0 =	seq.s32 s10, $0x1;
	s10 =	sld [smem:$0x3FAE];
	_ =	sdelay $0x3  }
0x34: {  	[smem:$0x3FAE] =	sst s10  }
0x35: {  	s10 =	sld [smem:$0x3FAD];
	_ =	sdelay $0x3  }
0x36: {  	p1 =	seq.s32 s10, $0x1;
	s10 =	sld [smem:$0x3FAE];
	_ =	sdelay $0x3  }
0x37: {  	[smem:$0x3FAE] =	sst s10  }
0x38: {  	s10 =	sld [smem:$0x3FAF]  }
0x39: {  	_ = 	snop;
	(pc) =	sbr.ind lr, $3  }
0x3a: {  	_ = 	snop  }
0x3b: {  	_ = 	snop  }
0x3c: {  	p2 =	seq.s32 s10, $0x1;
	s10 =	sld [smem:$0x3FAE]  }
0x3d: {  	_ =	shalt  }
0x3e: {  	_ =	shalt  }
0x3f: {  	_ =	shalt  }
0x40: {  	_ =	shalt  }
0x41: {  	_ =	shalt  }
0x42: {  	_ =	shalt  }
0x43: {  	_ =	shalt  }
0x44: {  	_ =	shalt  }
0x45: {  	_ =	shalt  }
0x46: {  	_ =	shalt  }
0x47: {  	_ =	shalt  }
0x48: {  	_ =	shalt  }
0x49: {  	_ =	shalt  }
0x4a: {  	_ =	shalt  }
0x4b: {  	_ =	shalt  }
0x4c: {  	_ =	shalt  }
0x4d: {  	_ =	shalt  }
0x4e: {  	_ =	shalt  }
0x4f: {  	_ =	shalt  }
0x50: {  	_ =	shalt  }
0x51: {  	_ =	shalt  }
0x52: {  	_ =	shalt  }
0x53: {  	_ =	shalt  }
0x54: {  	_ =	shalt  }
0x55: {  	_ =	shalt  }
0x56: {  	_ =	shalt  }
0x57: {  	_ =	shalt  }
0x58: {  	_ =	shalt  }
0x59: {  	_ =	shalt  }
0x5a: {  	_ =	shalt  }
0x5b: {  	_ =	shalt  }
0x5c: {  	_ =	shalt  }
0x5d: {  	_ =	shalt  }
0x5e: {  	_ =	shalt  }
0x5f: {  	_ =	shalt  }
0x60: {  	_ =	shalt  }
0x61: {  	_ =	shalt  }
0x62: {  	_ =	shalt  }
0x63: {  	_ =	shalt  }
0x64: {  	_ =	shalt  }
0x65: {  	_ =	shalt  }
0x66: {  	_ =	shalt  }
0x67: {  	_ =	shalt  }
0x68: {  	_ =	shalt  }
0x69: {  	_ =	shalt  }
0x6a: {  	_ =	shalt  }
0x6b: {  	_ =	shalt  }
0x6c: {  	_ =	shalt  }
0x6d: {  	_ =	shalt  }
0x6e: {  	_ =	shalt  }
0x6f: {  	_ =	shalt  }
0x70: {  	_ =	shalt  }
0x71: {  	_ =	shalt  }
0x72: {  	_ =	shalt  }
0x73: {  	_ =	shalt  }
0x74: {  	_ =	shalt  }
0x75: {  	_ =	shalt  }
0x76: {  	_ =	shalt  }
0x77: {  	_ =	shalt  }
0x78: {  	_ =	shalt  }
0x79: {  	_ =	shalt  }
0x7a: {  	_ =	shalt  }
0x7b: {  	_ =	shalt  }
0x7c: {  	_ =	shalt  }
0x7d: {  	_ =	shalt  }
0x7e: {  	_ =	shalt  }
0x7f: {  	_ =	shalt  }
0x80: {  	_ =	shalt  }
0x81: {  	_ =	shalt  }
0x82: {  	_ =	shalt  }
0x83: {  	_ =	shalt  }
0x84: {  	_ =	shalt  }
0x85: {  	_ =	shalt  }
0x86: {  	_ =	shalt  }
0x87: {  	_ =	shalt  }
.Lfunc_end0:
.L_simem_size_0:
called_computation.3_lowered:
.L_overlay_start_0:
0x88: {  	s2 =	sld [smem:$0x3FD9]  }
0x89: {  	s3 =	sld [smem:$0x3FFE];
	_ =	sdelay $0x1  }
0x8a: {  	s1 =	srdreg.scid  }
0x8b: {  	s0 =	sand.u32 $0x1, s1  }
0x8c: {  	s17 =	sshll.u32 s0, $0xA;
	s2 =	sadd.s32 s3, s2  }
0x8d: {  	s2 =	sadd.s32 s2, s17  }
0x8e: {  	[smem:$0x3FBA] =	sst s2  }
0x8f: {  	_ = 	snop  }
0x90: {  	(tm) =	ssettm $0x1  }
0x91: {  	s18 =	sld [smem:$0x3FFB];
	_ =	sdelay $0x3  }
0x92: {  	_ =	strace s18  }
0x93: {  	s2 =	sld [smem:$0x3FFC];
	_ =	sdelay $0x3  }
0x94: {  	_ =	strace s2  }
0x95: {  	s2 =	sld [smem:$0x3FFD];
	_ =	sdelay $0x3  }
0x96: {  	_ =	strace s2  }
0x97: {  	_ =	strace $0x8FFFFFFF  }
0x98: {  	s19 =	sld [smem:$0x3FDB];
	_ =	sdelay $0x1  }
0x99: {  	s20 =	simm.s32 $_scs_section_size  }
0x9a: {  	s4 =	simm.s32 $_size__tile_overlayer_lowered;
	s5 =	simm.s32 $_tile_overlayer_lowered  }
0x9b: {  	s6 =	simm.s32 $0x1BFF;
	s21 =	sshll.u32 s5, $0x1;
	s3 =	sadd.s32 s20, s19  }
0x9c: {  	s22 =	simm.s32 $0x0;
	s4 =	sshll.u32 s4, $0x1;
	s5 =	sadd.s32 s21, s3  }
0x9d: {  	[timem:s22], [sflag:s6] =	dma.local [hbm:s5], s4  }
0x9e: {  	_ =	swait.ge [sflag:s6], s4  }
0x9f: {  	s4 =	ssub.s32 $0x0, s4;
	[sflag:s6] =	ssyncset.done $0x0  }
0xa0: {  	[sflag:s6] =	ssyncadd.s32 s4;
	_ =	sdelay $0x1  }
0xa1: {  	s23 =	simm.s32 $0x1B8B  }
0xa2: {  	_ =	swait.ge [sflag:s23], $0x1  }
0xa3: {  	[sflag:s23] =	ssyncset.done $0x0  }
0xa4: {  	[sflag:s23] =	ssyncadd.s32 $0xFFFFFFFF  }
0xa5: {  	s4 =	sld [smem:$0x0]  }
0xa6: {  	s5 =	sand.u32 $0xFFFFFFFE, s1  }
0xa7: {  	p0 =	sne.s32 s1, s5  }
0xa8: {  	s5 =	sshll.u32 @p0 s5, $0xE  }
0xa9: {  	s5 =	sadd.s32 @p0 $0x11B8D, s5;
	s6 =	sshll.u32 @p0 s4, $0x11  }
0xaa: {  	s5 =	sor.u32 @p0 s6, s5  }
0xab: {  	[sflag:s5] =	ssyncadd.remote.s32 @p0 $0x1;
	_ =	sdelay $0x1  }
0xac: {  	s5 =	simm.s32 @p0 $0x1B8D  }
0xad: {  	_ =	swait.eq @p0 [sflag:s5], $0x1  }
0xae: {  	[sflag:s5] =	ssyncadd.s32 @p0 $0xFFFFFFFF  }
0xaf: {  	s6 =	sshll.u32 @!p0 s1, $0xE  }
0xb0: {  	s6 =	sor.u32 @!p0 $0x4000, s6;
	s5 =	simm.s32 @!p0 $0x1B8D  }
0xb1: {  	s4 =	sshll.u32 @!p0 s4, $0x11;
	s6 =	sadd.s32 @!p0 $0x11B8D, s6;
	_ =	swait.eq @!p0 [sflag:s5], $0x1  }
0xb2: {  	s4 =	sor.u32 @!p0 s4, s6;
	[sflag:s5] =	ssyncadd.s32 @!p0 $0xFFFFFFFF  }
0xb3: {  	s25 =	simm.s32 $0x1B8E;
	s24 =	sld [smem:$0x3FFE];
	[sflag:s4] =	ssyncadd.remote.s32 @!p0 $0x1  }
0xb4: {  	s26 =	simm.s32 $execute0_lowered;
	[smem:$0x3FD2] =	sst s25  }
0xb5: {  	s5 =	sshll.u32 s26, $0x1;
	_ =	strace $0x8000004F;
	[dreg:$0x1] =	wrdreg $0xFFFFFFFF  }
0xb6: {  	s28 =	simm.s32 $_size_execute0_lowered;
	s3 =	sadd.s32 s3, s5;
	[dreg:$0x0] =	wrdreg $0x0  }
0xb7: {  	s5 =	sshll.u32 s28, $0x1;
	[dreg:$0x2] =	wrdreg s3  }
0xb8: {  	[dreg:$0x3] =	wrdreg s5  }
0xb9: {  	[dreg:$0x4] =	wrdreg $0xC0  }
0xba: {  	_ =	task [dreg:s22], $0x5FFFF  }
0xbb: {  	[dreg:$0x1] =	wrdreg $0xFFFFFFFF  }
0xbc: {  	[dreg:$0x0] =	wrdreg $0x60  }
0xbd: {  	[dreg:$0x2] =	wrdreg s24  }
0xbe: {  	[dreg:$0x3] =	wrdreg $0x90000  }
0xbf: {  	[dreg:$0x4] =	wrdreg $0xA  }
0xc0: {  	_ =	task.clear_ibuf [dreg:s22], $0x5FFFF;
	_ =	strace $0x9000004F  }
0xc1: {  	s29 =	simm.s32 $0xA;
	_ =	strace $0x80000051  }
0xc2: {  	_ =	swait.ge [sflag:s29], $0x1  }
0xc3: {  	[sflag:s29] =	ssyncadd.s32 $0xFFFFFFFF  }
0xc4: {  	_ =	strace $0x90000051  }
0xc5: {  	_ =	sfence  }
0xc6: {  	s30 =	sld [smem:$0x0];
	_ =	sdelay $0x2  }
0xc7: {  	s31 =	sshll.u32 s1, $0xD;
	s1 =	sshrl.u32 s1, $0x2  }
0xc8: {  	s4 =	sand.u32 $0x4000, s31;
	s1 =	sadd.s32 s1, s30  }
0xc9: {  	s0 =	sor.u32 s4, s0;
	s1 =	sshll.u32 s1, $0x11  }
0xca: {  	s0 =	sor.u32 s1, s0  }
0xcb: {  	s0 =	sadd.s32 $0x8F2B, s0  }
0xcc: {  	[sflag:s0] =	ssyncadd.remote.s32 $0x1  }
0xcd: {  	_ =	sfence.sel $0xFFFF  }
0xce: {  	[dreg:$0x0] =	wrdreg $0xFFFFFFFF;
	(pc) =	sbr.abs _section_cstart, $3  }
0xcf: {  	[dreg:$0x1] =	wrdreg $0xFFFFFFFF  }
0xd0: {  	_ =	task.clear_ibuf [dreg:s22], $0x2FFFF;
	_ =	strace $0x9FFFFFFF  }
0xd1: {  	(tm) =	ssettm $0x7FFFFFFF  }
tec
execute0_lowered:
.L_overlay_start_1:
0x0: {  	(tag) =	ssettag $0x1  }
0x1: {  	s0 =	rddreg [dreg:$0x0];
	s17 =	stileid.u32  }
0x2: {  	s2 =	srdreg.scid;
	s1 =	simm.s32 $0x0;
	s8 =	smul.u32 $0x14000, s17  }
0x3: {  	s2 =	sand.u32 $0x1, s2;
	s3 =	sshll.u32 s17, $0x1;
	s15 =	smul.u32 $0x25800, s17  }
0x4: {  	[smem:$0x7FF] =	sst s1;
	s4 =	sadd.s32 $0xA65A00, s0;
	s6 =	smul.u32 $0x140000, s2  }
0x5: {  	s3 =	sor.u32 s2, s3;
	s7 =	ssub.s32 $0x2, s2;
	s2 =	smul.u32 $0x12C00, s2  }
0x6: {  	s5 =	sshll.u32 s3, $0xA;
	s9 =	sshrl.u32 s7, $0x1;
	s3 =	smul.u32 $0x12C00, s3  }
0x7: {  	s10 =	sor.u32 $0x2000, s8;
	s11 =	sadd.s32 $0x6000, s8;
	s14 =	sadd.s32 $0x8000, s8  }
0x8: {  	s5 =	sadd.s32 s5, s0;
	s0 =	sadd.s32 $0xCA00, s0;
	s7 =	ssub.s32 s7, s9  }
0x9: {  	s16 =	sadd.s32 s6, s8;
	s19 =	sadd.s32 s6, s10;
	s9 =	sadd.s32 $0x4000, s8  }
0xa: {  	s12 =	sadd.s32 s6, s11;
	s24 =	sadd.s32 s6, s14;
	s20 =	sadd.s32 s4, s3  }
0xb: {  	s18 =	sshrl.u32 s16, $0x3;
	s21 =	sshrl.u32 s19, $0x3;
	s22 =	sadd.s32 s6, s9  }
0xc: {  	s23 =	sshrl.u32 s12, $0x3;
	s25 =	sshrl.u32 s24, $0x3;
	s12 =	sadd.s32 $0xA000, s8  }
0xd: {  	s16 =	sadd.s32 $0xC000, s8;
	s4 =	sadd.s32 s15, s4;
	s19 =	sadd.s32 $0x10000, s8  }
0xe: {  	s3 =	sadd.s32 s0, s18;
	s26 =	sadd.s32 s6, s12;
	s13 =	sadd.s32 s6, s16  }
0xf: {  	s18 =	sadd.s32 $0xE000, s8;
	[dreg:$0x3] =	wrdreg s3;
	s3 =	sadd.s32 s0, s21  }
0x10: {  	s8 =	sadd.s32 $0x12000, s8;
	[dreg:$0x4] =	wrdreg s3;
	s3 =	sshrl.u32 s22, $0x3  }
0x11: {  	s15 =	sadd.s32 s2, s4;
	s4 =	sadd.s32 $0x4A00, s5;
	s3 =	sadd.s32 s0, s3  }
0x12: {  	s28 =	smov.u32 s20;
	[dreg:$0x5] =	wrdreg s3;
	s3 =	sadd.s32 s0, s23  }
0x13: {  	s2 =	simm.s32 $0x5;
	[dreg:$0x6] =	wrdreg s3;
	s3 =	sadd.s32 s0, s25  }
0x14: {  	s13 =	sshrl.u32 s13, $0x3;
	[dreg:$0x7] =	wrdreg s3;
	s3 =	sshrl.u32 s26, $0x3  }
0x15: {  	s21 =	sadd.s32 s6, s18;
	s23 =	sadd.s32 s6, s19;
	s3 =	sadd.s32 s0, s3  }
0x16: {  	s22 =	sshrl.u32 s21, $0x3;
	s24 =	sshrl.u32 s23, $0x3;
	[dreg:$0x8] =	wrdreg s3  }
0x17: {  	s25 =	sadd.s32 s6, s8;
	s3 =	sadd.s32 s0, s13;
	s13 =	rddreg [dreg:$0x1]  }
0x18: {  	s26 =	smul.u32 $0x50000, s17;
	[dreg:$0x9] =	wrdreg s3;
	s3 =	sadd.s32 s0, s22  }
0x19: {  	s6 =	smax.u32 s7, $0x1;
	[dreg:$0xa] =	wrdreg s3;
	s3 =	sadd.s32 s0, s24  }
0x1a: {  	s5 =	sshrl.u32 s26, $0x2;
	[dreg:$0xb] =	wrdreg s3;
	s3 =	sshrl.u32 s25, $0x3  }
0x1b: {  	s17 =	sadd.s32 s5, s13;
	s7 =	sadd.s32 s10, s13;
	s0 =	sadd.s32 s0, s3  }
0x1c: {  	s10 =	sadd.s32 s9, s13;
	s11 =	sadd.s32 s11, s13;
	[dreg:$0xc] =	wrdreg s0  }
0x1d: {  	s21 =	sadd.s32 s14, s13;
	_ =	strace $0x80000050;
	[dreg:$0xd] =	wrdreg s4  }
0x1e: {  	s22 =	sadd.s32 s12, s13;
	s23 =	sadd.s32 s16, s13;
	[dreg:$0xe] =	wrdreg s6  }
0x1f: {  	s26 =	sadd.s32 s8, s13;
	s8 =	sadd.s32 $0xA00, s20;
	[dreg:$0xf] =	wrdreg s7  }
0x20: {  	s9 =	sadd.s32 $0x12700, s20;
	s14 =	simm.s32 $0x4800;
	[dreg:$0x10] =	wrdreg s10  }
0x21: {  	s16 =	simm.s32 $0x1;
	s24 =	sadd.s32 s18, s13;
	[dreg:$0x11] =	wrdreg s11  }
0x22: {  	s29 =	sadd.s32 $0x2000, s17;
	s30 =	sadd.s32 $0x4000, s17;
	[dreg:$0x12] =	wrdreg s21  }
0x23: {  	s31 =	sadd.s32 $0x6000, s17;
	s12 =	sadd.s32 $0x8000, s17;
	[dreg:$0x13] =	wrdreg s22  }
0x24: {  	s5 =	sadd.s32 $0x10000, s17;
	s18 =	simm.s32 $0x50;
	[dreg:$0x14] =	wrdreg s23  }
0x25: {  	s25 =	sadd.s32 s19, s13;
	s19 =	simm.s32 $0x3;
	[dreg:$0x15] =	wrdreg s24  }
0x26: {  	s3 =	sadd.s32 $0xC000, s17;
	s0 =	sadd.s32 $0xA000, s17;
	[dreg:$0x16] =	wrdreg s25  }
0x27: {  	[dreg:$0x17] =	wrdreg s26;
	s4 =	sadd.s32 $0xE000, s17;
	s6 =	sadd.s32 $0x12000, s17  }
0x28: {  	s7 =	sadd.s32 $0x500, s20;
	s10 =	simm.s32 $0x7000;
	s11 =	simm.s32 $0x2000  }
0x29: {  	v0 =	vimm.f32 $0.0e+00;
	s20 =	simm.s32 $0x2;
	s21 =	simm.s32 $0x4;
	s22 =	simm.s32 $0x0  }
.LBB2_1:
0x2a: {  	s23 =	rddreg [dreg:$0xd]  }
0x2b: {  	[tilespmem:s1], [sflag:$0x5] =	stream.linear.gather [hbm4b:s23+s1], $0x1E00, $0x38;
	[tilespmem:$0x1D000] =	vst v63  }
0x2c: {  	s26 =	sand.u32 $0x7E00, s1;
	s24 =	sand.u32 $0x70, s1;
	_ =	swait.ge [sflag:s2], $0x1E00  }
0x2d: {  	s25 =	sshrl.u32 s26, $0x2;
	s23 =	simm.s32 $0x40;
	[sflag:s2] =	ssyncset.done $0x0  }
0x2e: {  	s25 =	sor.u32 s24, s25;
	s24 =	simm.s32 $0x0;
	[sflag:s2] =	ssyncadd.s32 $0xFFFFE200  }
.LBB2_2:
0x2f: {  	p0 =	sne.s32 s23, $0x7FC0  }
0x30: {  	[tilespmem:s25+$0x7000] =	vst v0;
	s24 =	sadd.s32 $0x10, s24;
	s25 =	smov.u32 s23;
	s23 =	sadd.s32 $0x40, s23  }
.Ltmp0:
0x31: {  	(pc) =	sbr.rel @p0 .LBB2_2-.Ltmp0, $4  }
0x32: {  	_ = 	snop  }
0x33: {  	s25 =	sand.u32 $0x7E00, s25  }
0x34: {  	s26 =	sand.u32 $0x70, s24;
	s25 =	sshrl.u32 s25, $0x2  }
0x35: {  	s25 =	sor.u32 s26, s25  }
0x36: {  	[tilespmem:s25+$0x7000] =	vst v0  }
0x37: {  	[spmem:s17] =	stream.linear.scatter [tilespmem:s10], [sflag:$0x5], $0x2000, $0x38;
	[tilespmem:$0x1D000] =	vst v63  }
0x38: {  	_ =	swait.ge [sflag:s2], $0x2000  }
0x39: {  	[sflag:s2] =	ssyncset.done $0x0  }
0x3a: {  	[sflag:s2] =	ssyncadd.s32 $0xFFFFE000  }
0x3b: {  	[spmem:s29] =	stream.linear.scatter [tilespmem:s10], [sflag:$0x5], $0x2000, $0x38;
	[tilespmem:$0x1D000] =	vst v63  }
0x3c: {  	_ =	swait.ge [sflag:s2], $0x2000  }
0x3d: {  	[sflag:s2] =	ssyncset.done $0x0  }
0x3e: {  	[sflag:s2] =	ssyncadd.s32 $0xFFFFE000  }
0x3f: {  	[spmem:s30] =	stream.linear.scatter [tilespmem:s10], [sflag:$0x5], $0x2000, $0x38;
	[tilespmem:$0x1D000] =	vst v63  }
0x40: {  	_ =	swait.ge [sflag:s2], $0x2000  }
0x41: {  	[sflag:s2] =	ssyncset.done $0x0  }
0x42: {  	[sflag:s2] =	ssyncadd.s32 $0xFFFFE000  }
0x43: {  	[spmem:s31] =	stream.linear.scatter [tilespmem:s10], [sflag:$0x5], $0x2000, $0x38;
	[tilespmem:$0x1D000] =	vst v63  }
0x44: {  	_ =	swait.ge [sflag:s2], $0x2000  }
0x45: {  	[sflag:s2] =	ssyncset.done $0x0  }
0x46: {  	[sflag:s2] =	ssyncadd.s32 $0xFFFFE000  }
0x47: {  	[spmem:s12] =	stream.linear.scatter [tilespmem:s10], [sflag:$0x5], $0x2000, $0x38;
	[tilespmem:$0x1D000] =	vst v63  }
0x48: {  	_ =	swait.ge [sflag:s2], $0x2000  }
0x49: {  	[sflag:s2] =	ssyncset.done $0x0  }
0x4a: {  	[sflag:s2] =	ssyncadd.s32 $0xFFFFE000  }
0x4b: {  	[spmem:s0] =	stream.linear.scatter [tilespmem:s10], [sflag:$0x5], $0x2000, $0x38;
	[tilespmem:$0x1D000] =	vst v63  }
0x4c: {  	_ =	swait.ge [sflag:s2], $0x2000  }
0x4d: {  	[sflag:s2] =	ssyncset.done $0x0  }
0x4e: {  	[sflag:s2] =	ssyncadd.s32 $0xFFFFE000  }
0x4f: {  	[spmem:s3] =	stream.linear.scatter [tilespmem:s10], [sflag:$0x5], $0x2000, $0x38;
	[tilespmem:$0x1D000] =	vst v63  }
0x50: {  	_ =	swait.ge [sflag:s2], $0x2000  }
0x51: {  	[sflag:s2] =	ssyncset.done $0x0  }
0x52: {  	[sflag:s2] =	ssyncadd.s32 $0xFFFFE000  }
0x53: {  	[spmem:s4] =	stream.linear.scatter [tilespmem:s10], [sflag:$0x5], $0x2000, $0x38;
	[tilespmem:$0x1D000] =	vst v63  }
0x54: {  	_ =	swait.ge [sflag:s2], $0x2000  }
0x55: {  	[sflag:s2] =	ssyncset.done $0x0  }
0x56: {  	[sflag:s2] =	ssyncadd.s32 $0xFFFFE000  }
0x57: {  	[spmem:s5] =	stream.linear.scatter [tilespmem:s10], [sflag:$0x5], $0x2000, $0x38;
	[tilespmem:$0x1D000] =	vst v63  }
0x58: {  	_ =	swait.ge [sflag:s2], $0x2000  }
0x59: {  	[sflag:s2] =	ssyncset.done $0x0  }
0x5a: {  	[sflag:s2] =	ssyncadd.s32 $0xFFFFE000  }
0x5b: {  	[spmem:s6] =	stream.linear.scatter [tilespmem:s10], [sflag:$0x5], $0x2000, $0x38;
	[tilespmem:$0x1D000] =	vst v63  }
0x5c: {  	_ =	swait.ge [sflag:s2], $0x2000  }
0x5d: {  	[sflag:s2] =	ssyncset.done $0x0  }
0x5e: {  	[sflag:s2] =	ssyncadd.s32 $0xFFFFE000  }
0x5f: {  	s23 =	simm.s32 $0x0;
	[bflag:$0x0] =	sbarrier.arrive $0xFFFF  }
0x60: {  	[tilespmem:s11], [sflag:$0x1] =	stream.linear.gather [hbm4b:s28+s23], $0x2800, $0x38;
	[tilespmem:$0x1D000] =	vst v63  }
0x61: {  	_ = 	snop  }
0x62: {  	[tilespmem:s14], [sflag:$0x2] =	stream.linear.gather [hbm4b:s7+s23], $0x2800, $0x38;
	[tilespmem:$0x1D000] =	vst v63  }
0x63: {  	_ =	swait.ge [sflag:s16], $0x2800  }
0x64: {  	[sflag:s16] =	ssyncset.done $0x0  }
0x65: {  	[sflag:s16] =	ssyncadd.s32 $0xFFFFD800  }
0x66: {  	[spmem:s13] =	stream.indirect.scatter.add.f32 [tilespmem:s11], [sflag:$0x3], $0x80, s23, s18, $0xb8;
	[tilespmem:$0x1D000] =	vst v63  }
0x67: {  	_ =	swait.ge [sflag:s19], $0x2800  }
0x68: {  	[sflag:s19] =	ssyncset.done $0x0  }
0x69: {  	[sflag:s19] =	ssyncadd.s32 $0xFFFFD800  }
0x6a: {  	[tilespmem:s11], [sflag:$0x1] =	stream.linear.gather [hbm4b:s8+s23], $0x2800, $0x38;
	[tilespmem:$0x1D000] =	vst v63  }
0x6b: {  	_ =	swait.ge [sflag:s20], $0x2800  }
0x6c: {  	[sflag:s20] =	ssyncset.done $0x0  }
0x6d: {  	s24 =	simm.s32 $0x80;
	[sflag:s20] =	ssyncadd.s32 $0xFFFFD800  }
0x6e: {  	[spmem:s13] =	stream.indirect.scatter.add.f32 [tilespmem:s14], [sflag:$0x4], $0x80, s24, s18, $0xb8;
	[tilespmem:$0x1D000] =	vst v63  }
0x6f: {  	_ =	swait.ge [sflag:s21], $0x2800  }
0x70: {  	s25 =	sadd.s32 $0x0, s15;
	[sflag:s21] =	ssyncset.done $0x0  }
0x71: {  	s24 =	sadd.s32 $0xF00, s25;
	[sflag:s21] =	ssyncadd.s32 $0xFFFFD800  }
0x72: {  	[tilespmem:s14], [sflag:$0x2] =	stream.linear.gather [hbm4b:s24+s1], $0x2800, $0x38;
	[tilespmem:$0x1D000] =	vst v63  }
0x73: {  	_ =	swait.ge [sflag:s16], $0x2800  }
0x74: {  	[sflag:s16] =	ssyncset.done $0x0  }
0x75: {  	s26 =	simm.s32 $0x100;
	[sflag:s16] =	ssyncadd.s32 $0xFFFFD800  }
0x76: {  	[spmem:s13] =	stream.indirect.scatter.add.f32 [tilespmem:s11], [sflag:$0x3], $0x80, s26, s18, $0xb8;
	[tilespmem:$0x1D000] =	vst v63  }
0x77: {  	_ =	swait.ge [sflag:s19], $0x2800  }
0x78: {  	[sflag:s19] =	ssyncset.done $0x0  }
0x79: {  	s23 =	sadd.s32 $0x1400, s25;
	[sflag:s19] =	ssyncadd.s32 $0xFFFFD800  }
0x7a: {  	[tilespmem:s11], [sflag:$0x1] =	stream.linear.gather [hbm4b:s23+s1], $0x2800, $0x38;
	[tilespmem:$0x1D000] =	vst v63  }
0x7b: {  	_ =	swait.ge [sflag:s20], $0x2800  }
0x7c: {  	s25 =	simm.s32 $0x180;
	[sflag:s20] =	ssyncset.done $0x0  }
0x7d: {  	s24 =	simm.s32 $0x200;
	s23 =	simm.s32 $0xA00;
	[sflag:s20] =	ssyncadd.s32 $0xFFFFD800  }
.LBB2_4:
0x7e: {  	[spmem:s13] =	stream.indirect.scatter.add.f32 [tilespmem:s14], [sflag:$0x4], $0x80, s25, s18, $0xb8;
	[tilespmem:$0x1D000] =	vst v63  }
0x7f: {  	s25 =	smov.u32 s23  }
0x80: {  	p0 =	sne.s32 s23, $0x10E00;
	s23 =	sadd.s32 $0xA00, s23;
	_ =	swait.ge [sflag:s21], $0x2800  }
0x81: {  	s25 =	sadd.s32 s25, s15;
	[sflag:s21] =	ssyncset.done $0x0  }
0x82: {  	s26 =	sadd.s32 $0xF00, s25;
	[sflag:s21] =	ssyncadd.s32 $0xFFFFD800  }
0x83: {  	[tilespmem:s14], [sflag:$0x2] =	stream.linear.gather [hbm4b:s26+s1], $0x2800, $0x38;
	[tilespmem:$0x1D000] =	vst v63  }
0x84: {  	_ =	swait.ge [sflag:s16], $0x2800  }
0x85: {  	[sflag:s16] =	ssyncset.done $0x0  }
0x86: {  	[sflag:s16] =	ssyncadd.s32 $0xFFFFD800  }
0x87: {  	[spmem:s13] =	stream.indirect.scatter.add.f32 [tilespmem:s11], [sflag:$0x3], $0x80, s24, s18, $0xb8;
	[tilespmem:$0x1D000] =	vst v63  }
0x88: {  	_ =	swait.ge [sflag:s19], $0x2800  }
0x89: {  	[sflag:s19] =	ssyncset.done $0x0  }
.Ltmp1:
0x8a: {  	s25 =	sadd.s32 $0x1400, s25;
	[sflag:s19] =	ssyncadd.s32 $0xFFFFD800;
	(pc) =	sbr.rel @p0 .LBB2_4-.Ltmp1, $4  }
0x8b: {  	[tilespmem:s11], [sflag:$0x1] =	stream.linear.gather [hbm4b:s25+s1], $0x2800, $0x38;
	[tilespmem:$0x1D000] =	vst v63  }
0x8c: {  	_ =	swait.ge [sflag:s20], $0x2800  }
0x8d: {  	[sflag:s20] =	ssyncset.done $0x0  }
0x8e: {  	s25 =	sadd.s32 $0x80, s24;
	s24 =	sadd.s32 $0x100, s24;
	[sflag:s20] =	ssyncadd.s32 $0xFFFFD800  }
0x8f: {  	[spmem:s13] =	stream.indirect.scatter.add.f32 [tilespmem:s14], [sflag:$0x4], $0x80, s25, s18, $0xb8;
	[tilespmem:$0x1D000] =	vst v63  }
0x90: {  	_ =	swait.ge [sflag:s21], $0x2800  }
0x91: {  	[sflag:s21] =	ssyncset.done $0x0  }
0x92: {  	[sflag:s21] =	ssyncadd.s32 $0xFFFFD800  }
0x93: {  	[tilespmem:s14], [sflag:$0x2] =	stream.linear.gather [hbm4b:s9+s1], $0x2800, $0x38;
	[tilespmem:$0x1D000] =	vst v63  }
0x94: {  	_ =	swait.ge [sflag:s16], $0x2800  }
0x95: {  	[sflag:s16] =	ssyncset.done $0x0  }
0x96: {  	s23 =	simm.s32 $0x1D00;
	[sflag:s16] =	ssyncadd.s32 $0xFFFFD800  }
0x97: {  	[spmem:s13] =	stream.indirect.scatter.add.f32 [tilespmem:s11], [sflag:$0x3], $0x80, s23, s18, $0xb8;
	[tilespmem:$0x1D000] =	vst v63  }
0x98: {  	_ =	swait.ge [sflag:s19], $0x2800  }
0x99: {  	[sflag:s19] =	ssyncset.done $0x0  }
0x9a: {  	[sflag:s19] =	ssyncadd.s32 $0xFFFFD800  }
0x9b: {  	_ =	swait.ge [sflag:s20], $0x2800  }
0x9c: {  	[sflag:s20] =	ssyncset.done $0x0  }
0x9d: {  	s24 =	simm.s32 $0x1D80;
	[sflag:s20] =	ssyncadd.s32 $0xFFFFD800  }
0x9e: {  	[spmem:s13] =	stream.indirect.scatter.add.f32 [tilespmem:s14], [sflag:$0x4], $0x80, s24, s18, $0xb8;
	[tilespmem:$0x1D000] =	vst v63  }
0x9f: {  	_ =	swait.ge [sflag:s21], $0x2800  }
0xa0: {  	[sflag:s21] =	ssyncset.done $0x0  }
0xa1: {  	[sflag:s21] =	ssyncadd.s32 $0xFFFFD800  }
0xa2: {  	[bflag:$0x0] =	sbarrier.arrive $0xFFFF  }
0xa3: {  	[tilespmem:s10], [sflag:$0x5] =	stream.linear.gather [spmem:s17], $0x2000, $0x38;
	[tilespmem:$0x1D000] =	vst v63  }
0xa4: {  	_ =	swait.ge [sflag:s2], $0x2000  }
0xa5: {  	[sflag:s2] =	ssyncset.done $0x0  }
0xa6: {  	s25 =	rddreg [dreg:$0x3];
	[sflag:s2] =	ssyncadd.s32 $0xFFFFE000  }
0xa7: {  	[hbm4b:s25+s1] =	stream.linear.scatter [tilespmem:s10], [sflag:$0x5], $0x2000, $0x38;
	[tilespmem:$0x1D000] =	vst v63  }
0xa8: {  	_ =	swait.ge [sflag:s2], $0x2000  }
0xa9: {  	[sflag:s2] =	ssyncset.done $0x0  }
0xaa: {  	s26 =	rddreg [dreg:$0xf];
	[sflag:s2] =	ssyncadd.s32 $0xFFFFE000  }
0xab: {  	[tilespmem:s10], [sflag:$0x5] =	stream.linear.gather [spmem:s26], $0x2000, $0x38;
	[tilespmem:$0x1D000] =	vst v63  }
0xac: {  	_ =	swait.ge [sflag:s2], $0x2000  }
0xad: {  	[sflag:s2] =	ssyncset.done $0x0  }
0xae: {  	s24 =	rddreg [dreg:$0x4];
	[sflag:s2] =	ssyncadd.s32 $0xFFFFE000  }
0xaf: {  	[hbm4b:s24+s1] =	stream.linear.scatter [tilespmem:s10], [sflag:$0x5], $0x2000, $0x38;
	[tilespmem:$0x1D000] =	vst v63  }
0xb0: {  	_ =	swait.ge [sflag:s2], $0x2000  }
0xb1: {  	[sflag:s2] =	ssyncset.done $0x0  }
0xb2: {  	s25 =	rddreg [dreg:$0x10];
	[sflag:s2] =	ssyncadd.s32 $0xFFFFE000  }
0xb3: {  	[tilespmem:s10], [sflag:$0x5] =	stream.linear.gather [spmem:s25], $0x2000, $0x38;
	[tilespmem:$0x1D000] =	vst v63  }
0xb4: {  	_ =	swait.ge [sflag:s2], $0x2000  }
0xb5: {  	[sflag:s2] =	ssyncset.done $0x0  }
0xb6: {  	s26 =	rddreg [dreg:$0x5];
	[sflag:s2] =	ssyncadd.s32 $0xFFFFE000  }
0xb7: {  	[hbm4b:s26+s1] =	stream.linear.scatter [tilespmem:s10], [sflag:$0x5], $0x2000, $0x38;
	[tilespmem:$0x1D000] =	vst v63  }
0xb8: {  	_ =	swait.ge [sflag:s2], $0x2000  }
0xb9: {  	[sflag:s2] =	ssyncset.done $0x0  }
0xba: {  	s24 =	rddreg [dreg:$0x11];
	[sflag:s2] =	ssyncadd.s32 $0xFFFFE000  }
0xbb: {  	[tilespmem:s10], [sflag:$0x5] =	stream.linear.gather [spmem:s24], $0x2000, $0x38;
	[tilespmem:$0x1D000] =	vst v63  }
0xbc: {  	_ =	swait.ge [sflag:s2], $0x2000  }
0xbd: {  	[sflag:s2] =	ssyncset.done $0x0  }
0xbe: {  	s25 =	rddreg [dreg:$0x6];
	[sflag:s2] =	ssyncadd.s32 $0xFFFFE000  }
0xbf: {  	[hbm4b:s25+s1] =	stream.linear.scatter [tilespmem:s10], [sflag:$0x5], $0x2000, $0x38;
	[tilespmem:$0x1D000] =	vst v63  }
0xc0: {  	_ =	swait.ge [sflag:s2], $0x2000  }
0xc1: {  	[sflag:s2] =	ssyncset.done $0x0  }
0xc2: {  	s26 =	rddreg [dreg:$0x12];
	[sflag:s2] =	ssyncadd.s32 $0xFFFFE000  }
0xc3: {  	[tilespmem:s10], [sflag:$0x5] =	stream.linear.gather [spmem:s26], $0x2000, $0x38;
	[tilespmem:$0x1D000] =	vst v63  }
0xc4: {  	_ =	swait.ge [sflag:s2], $0x2000  }
0xc5: {  	[sflag:s2] =	ssyncset.done $0x0  }
0xc6: {  	s24 =	rddreg [dreg:$0x7];
	[sflag:s2] =	ssyncadd.s32 $0xFFFFE000  }
0xc7: {  	[hbm4b:s24+s1] =	stream.linear.scatter [tilespmem:s10], [sflag:$0x5], $0x2000, $0x38;
	[tilespmem:$0x1D000] =	vst v63  }
0xc8: {  	_ =	swait.ge [sflag:s2], $0x2000  }
0xc9: {  	[sflag:s2] =	ssyncset.done $0x0  }
0xca: {  	s25 =	rddreg [dreg:$0x13];
	[sflag:s2] =	ssyncadd.s32 $0xFFFFE000  }
0xcb: {  	[tilespmem:s10], [sflag:$0x5] =	stream.linear.gather [spmem:s25], $0x2000, $0x38;
	[tilespmem:$0x1D000] =	vst v63  }
0xcc: {  	_ =	swait.ge [sflag:s2], $0x2000  }
0xcd: {  	[sflag:s2] =	ssyncset.done $0x0  }
0xce: {  	s26 =	rddreg [dreg:$0x8];
	[sflag:s2] =	ssyncadd.s32 $0xFFFFE000  }
0xcf: {  	[hbm4b:s26+s1] =	stream.linear.scatter [tilespmem:s10], [sflag:$0x5], $0x2000, $0x38;
	[tilespmem:$0x1D000] =	vst v63  }
0xd0: {  	_ =	swait.ge [sflag:s2], $0x2000  }
0xd1: {  	[sflag:s2] =	ssyncset.done $0x0  }
0xd2: {  	s24 =	rddreg [dreg:$0x14];
	[sflag:s2] =	ssyncadd.s32 $0xFFFFE000  }
0xd3: {  	[tilespmem:s10], [sflag:$0x5] =	stream.linear.gather [spmem:s24], $0x2000, $0x38;
	[tilespmem:$0x1D000] =	vst v63  }
0xd4: {  	_ =	swait.ge [sflag:s2], $0x2000  }
0xd5: {  	[sflag:s2] =	ssyncset.done $0x0  }
0xd6: {  	s25 =	rddreg [dreg:$0x9];
	[sflag:s2] =	ssyncadd.s32 $0xFFFFE000  }
0xd7: {  	[hbm4b:s25+s1] =	stream.linear.scatter [tilespmem:s10], [sflag:$0x5], $0x2000, $0x38;
	[tilespmem:$0x1D000] =	vst v63  }
0xd8: {  	_ =	swait.ge [sflag:s2], $0x2000  }
0xd9: {  	[sflag:s2] =	ssyncset.done $0x0  }
0xda: {  	s26 =	rddreg [dreg:$0x15];
	[sflag:s2] =	ssyncadd.s32 $0xFFFFE000  }
0xdb: {  	[tilespmem:s10], [sflag:$0x5] =	stream.linear.gather [spmem:s26], $0x2000, $0x38;
	[tilespmem:$0x1D000] =	vst v63  }
0xdc: {  	_ =	swait.ge [sflag:s2], $0x2000  }
0xdd: {  	[sflag:s2] =	ssyncset.done $0x0  }
0xde: {  	s24 =	rddreg [dreg:$0xa];
	[sflag:s2] =	ssyncadd.s32 $0xFFFFE000  }
0xdf: {  	[hbm4b:s24+s1] =	stream.linear.scatter [tilespmem:s10], [sflag:$0x5], $0x2000, $0x38;
	[tilespmem:$0x1D000] =	vst v63  }
0xe0: {  	_ =	swait.ge [sflag:s2], $0x2000  }
0xe1: {  	[sflag:s2] =	ssyncset.done $0x0  }
0xe2: {  	s25 =	rddreg [dreg:$0x16];
	[sflag:s2] =	ssyncadd.s32 $0xFFFFE000  }
0xe3: {  	[tilespmem:s10], [sflag:$0x5] =	stream.linear.gather [spmem:s25], $0x2000, $0x38;
	[tilespmem:$0x1D000] =	vst v63  }
0xe4: {  	_ =	swait.ge [sflag:s2], $0x2000  }
0xe5: {  	[sflag:s2] =	ssyncset.done $0x0  }
0xe6: {  	s26 =	rddreg [dreg:$0xb];
	[sflag:s2] =	ssyncadd.s32 $0xFFFFE000  }
0xe7: {  	[hbm4b:s26+s1] =	stream.linear.scatter [tilespmem:s10], [sflag:$0x5], $0x2000, $0x38;
	[tilespmem:$0x1D000] =	vst v63  }
0xe8: {  	_ =	swait.ge [sflag:s2], $0x2000  }
0xe9: {  	[sflag:s2] =	ssyncset.done $0x0  }
0xea: {  	s24 =	rddreg [dreg:$0x17];
	[sflag:s2] =	ssyncadd.s32 $0xFFFFE000  }
0xeb: {  	[tilespmem:s10], [sflag:$0x5] =	stream.linear.gather [spmem:s24], $0x2000, $0x38;
	[tilespmem:$0x1D000] =	vst v63  }
0xec: {  	_ =	swait.ge [sflag:s2], $0x2000  }
0xed: {  	[sflag:s2] =	ssyncset.done $0x0  }
0xee: {  	s25 =	rddreg [dreg:$0xc];
	[sflag:s2] =	ssyncadd.s32 $0xFFFFE000  }
0xef: {  	[hbm4b:s25+s1] =	stream.linear.scatter [tilespmem:s10], [sflag:$0x5], $0x2000, $0x38;
	[tilespmem:$0x1D000] =	vst v63  }
0xf0: {  	_ =	swait.ge [sflag:s2], $0x2000  }
0xf1: {  	s22 =	sadd.s32 $0x1, s22;
	s26 =	rddreg [dreg:$0xe]  }
0xf2: {  	p0 =	sne.s32 s22, s26  }
.Ltmp2:
0xf3: {  	_ = 	snop;
	(pc) =	sbr.rel @p0 .LBB2_1-.Ltmp2, $3  }
0xf4: {  	_ =	sdelay $0x1  }
0xf5: {  	[sflag:s2] =	ssyncset.done $0x0  }
0xf6: {  	[sflag:s2] =	ssyncadd.s32 $0xFFFFE000  }
0xf7: {  	_ =	sfence.sel $0x180000  }
0xf8: {  	[bflag:$0x0] =	sbarrier.arrive $0xFFFF  }
0xf9: {  	_ =	strace $0x90000050  }
0xfa: {  	s0 =	stileid.u32;
	[bflag:$0x2] =	sbarrier.arrive $0xFFFF  }
0xfb: {  	p0 =	sne.s32 s0, $0x0;
	s0 =	rddreg [dreg:$0x2]  }
0xfc: {  	s0 =	sadd.s32 @!p0 $0x100000, s0  }
0xfd: {  	[sflag:s0] =	ssyncadd.tile.s32 @!p0 $0x1;
	_ =	shalt  }
.Lfunc_end2:
_tile_overlayer_lowered:
.L_overlay_start_2:
0xfe: {  	(tag) =	ssettag $0x2  }
0xff: {  	s0 =	rddreg [dreg:$0x0];
	s2 =	stileid.u32  }
0x100: {  	s1 =	rddreg [dreg:$0x1];
	p0 =	sne.s32 s2, $0x0  }
0x101: {  	s3 =	rddreg [dreg:$0x2];
	[bflag:$0x3] =	sbarrier.arrive $0xFFFF;
	s2 =	simm.s32 @!p0 $0x1C05  }
0x102: {  	[timem:s3], [sflag:s2] =	dma.local @!p0 [hbm:s0], s1  }
0x103: {  	s0 =	simm.s32 @!p0 $0x5  }
0x104: {  	_ =	swait.ge @!p0 [sflag:s0], s1  }
0x105: {  	s1 =	ssub.s32 @!p0 $0x0, s1;
	[sflag:s0] =	ssyncset.done @!p0 $0x0  }
0x106: {  	[sflag:s0] =	ssyncadd.s32 @!p0 s1  }
0x107: {  	[bflag:$0x3] =	sbarrier.arrive $0xFFFF  }
0x108: {  	_ =	shalt  }

</sc_bundles>
